<compile_context>
chip_gen: v7x
topology: tpu7x:2x2x1
jax: 0.10.2.dev20260603
libtpu: 0.0.44.dev20260713+nightly
codegen_flags: <defaults>
</compile_context>

<pallas_src>
import jax
import jax.numpy as jnp
from jax import lax
from jax.experimental import pallas as pl
from jax.experimental.pallas import tpu as pltpu
from jax.experimental.pallas import tpu_sc as plsc

B = 16384
F = 26
FA = 16
FB = F - FA
V = 100000
D = 32
NUM = 13
ED = F * D
NT = 7
NTA = FA // 4
NTB = NT - NTA
EPS = 1e-5

NC = 2
NS = 16
NW = NC * NS
ROWS_W = B // NW
RB = 128
NRB = ROWS_W // RB
NBUF = 4


def _make_body(nf, nt):
    def body(tab3, xt, out3, idx_v, rows_v, gsem):
        wid = lax.axis_index("s") * NC + lax.axis_index("c")
        b_base = wid * ROWS_W
        pltpu.sync_copy(xt.at[:, pl.ds(b_base, ROWS_W)], idx_v)
        chunks_w = NRB * nf

        def outer(co, carry):
            c0 = co * NBUF
            for b in range(NBUF):
                c = c0 + b
                f = c % nf
                rb = c // nf
                pltpu.async_copy(
                    tab3.at[f].at[idx_v.at[f, pl.ds(rb * RB, RB)]],
                    rows_v.at[b], gsem)
            for b in range(NBUF):
                c = c0 + b
                f = c % nf
                rb = c // nf
                pltpu.make_async_copy(
                    tab3.at[f].at[idx_v.at[f, pl.ds(rb * RB, RB)]],
                    rows_v.at[b], gsem).wait()
                ct = f // 4
                k = f % 4
                pltpu.sync_copy(
                    rows_v.at[b],
                    out3.at[ct, pl.ds(b_base + rb * RB, RB),
                            pl.ds(32 * k, 32)])
            return carry

        lax.fori_loop(0, chunks_w // NBUF, outer, 0)

    return body


_SC_GATHER_CACHE = {}


def _sc_gather(nf, nt, tab3, xt):
    if nf not in _SC_GATHER_CACHE:
        _SC_GATHER_CACHE[nf] = pl.kernel(
            _make_body(nf, nt),
            out_type=jax.ShapeDtypeStruct((nt, B, 128), jnp.float32),
            mesh=plsc.VectorSubcoreMesh(core_axis_name="c", subcore_axis_name="s"),
            scratch_types=[
                pltpu.VMEM((nf, ROWS_W), jnp.int32),
                pltpu.VMEM((NBUF, RB, D), jnp.float32),
                pltpu.SemaphoreType.DMA,
            ],
            compiler_params=pltpu.CompilerParams(use_tc_tiling_on_sc=False),
        )
    return _SC_GATHER_CACHE[nf](tab3, xt)


BB = 1024
_INV_STD = (1.0 + EPS) ** -0.5


def _mlp_body(xa, xb, xn, w1a, w1b, w1n, b1, g1, be1, w2, b2, g2, be2, w3, b3,
              out):
    h = jnp.dot(xa[0], w1a[0], preferred_element_type=jnp.float32)
    for t in range(1, NTA):
        h = h + jnp.dot(xa[t], w1a[t], preferred_element_type=jnp.float32)
    for t in range(NTB - 1):
        h = h + jnp.dot(xb[t], w1b[t], preferred_element_type=jnp.float32)
    col = lax.broadcasted_iota(jnp.int32, (BB, 128), 1)
    x6 = jnp.where(col < 64, xb[NTB - 1], 0.0)
    h = h + jnp.dot(x6, w1b[NTB - 1], preferred_element_type=jnp.float32)
    h = h + jnp.dot(xn[...], w1n[...], preferred_element_type=jnp.float32)
    h = jnp.maximum(h + b1[...], 0.0)
    h = h * (g1[...] * _INV_STD) + be1[...]
    h = jnp.maximum(jnp.dot(h, w2[...], preferred_element_type=jnp.float32) + b2[...], 0.0)
    h = h * (g2[...] * _INV_STD) + be2[...]
    out[...] = jnp.dot(h, w3[...], preferred_element_type=jnp.float32) + b3[...]


_mlp = pl.pallas_call(
    _mlp_body,
    grid=(B // BB,),
    in_specs=[
        pl.BlockSpec((NTA, BB, 128), lambda i: (0, i, 0)),
        pl.BlockSpec((NTB, BB, 128), lambda i: (0, i, 0)),
        pl.BlockSpec((BB, NUM), lambda i: (i, 0)),
        pl.BlockSpec((NTA, 128, 128), lambda i: (0, 0, 0)),
        pl.BlockSpec((NTB, 128, 128), lambda i: (0, 0, 0)),
        pl.BlockSpec((NUM, 128), lambda i: (0, 0)),
        pl.BlockSpec((1, 128), lambda i: (0, 0)),
        pl.BlockSpec((1, 128), lambda i: (0, 0)),
        pl.BlockSpec((1, 128), lambda i: (0, 0)),
        pl.BlockSpec((128, 64), lambda i: (0, 0)),
        pl.BlockSpec((1, 64), lambda i: (0, 0)),
        pl.BlockSpec((1, 64), lambda i: (0, 0)),
        pl.BlockSpec((1, 64), lambda i: (0, 0)),
        pl.BlockSpec((64, 1), lambda i: (0, 0)),
        pl.BlockSpec((1, 1), lambda i: (0, 0)),
    ],
    out_specs=pl.BlockSpec((BB, 1), lambda i: (i, 0)),
    out_shape=jax.ShapeDtypeStruct((B, 1), jnp.float32),
)


def kernel(x_cat, x_num, tables, W1, b1, g1, be1, W2, b2, g2, be2, W3, b3):
    xt = x_cat.T
    xa = _sc_gather(FA, NTA, tables[:FA], xt[:FA])
    xb = _sc_gather(FB, NTB, tables[FA:], xt[FA:])

    w1a = W1[:FA * D].reshape(NTA, 128, 128)
    w1b = jnp.concatenate(
        [W1[FA * D:ED], jnp.zeros((NT * 128 - ED, 128), W1.dtype)]
    ).reshape(NTB, 128, 128)
    return _mlp(
        xa, xb, x_num, w1a, w1b, W1[ED:],
        b1.reshape(1, 128), g1.reshape(1, 128), be1.reshape(1, 128),
        W2, b2.reshape(1, 64), g2.reshape(1, 64), be2.reshape(1, 64),
        W3, b3.reshape(1, 1),
    )

# --- scband reference (transcript-rebuilt; emitter-appended) ---
"""Pipeline reference for scband-wide-and-deep-model-27419071218396 (READ-ONLY COPY).

The authoritative reference and input builder live on the scoring server;
editing this copy changes nothing except your own understanding.
"""

import jax, jax.numpy as jnp
import numpy as np

B = 16384
F = 26
V = 100000
D = 32
NUM = 13
IN = F * D + NUM
EPS = 1e-5


def setup_inputs(seed: int = 0) -> dict:
    key = jax.random.key(seed)
    ks = jax.random.split(key, 16)
    x_cat = jax.random.randint(ks[0], (B, F), 0, V, dtype=jnp.int32)
    x_num = jax.random.normal(ks[1], (B, NUM), dtype=jnp.float32)
    tables = jax.random.normal(ks[2], (F, V, D), dtype=jnp.float32) * 0.01
    W1 = jax.random.normal(ks[3], (IN, 128), dtype=jnp.float32) * (1.0 / np.sqrt(IN))
    b1 = jnp.zeros((128,), jnp.float32)
    g1 = jnp.ones((128,), jnp.float32)
    be1 = jnp.zeros((128,), jnp.float32)
    W2 = jax.random.normal(ks[4], (128, 64), dtype=jnp.float32) * (1.0 / np.sqrt(128))
    b2 = jnp.zeros((64,), jnp.float32)
    g2 = jnp.ones((64,), jnp.float32)
    be2 = jnp.zeros((64,), jnp.float32)
    W3 = jax.random.normal(ks[5], (64, 1), dtype=jnp.float32) * (1.0 / np.sqrt(64))
    b3 = jnp.zeros((1,), jnp.float32)
    return {"x_cat": x_cat, "x_num": x_num, "tables": tables,
            "W1": W1, "b1": b1, "g1": g1, "be1": be1,
            "W2": W2, "b2": b2, "g2": g2, "be2": be2,
            "W3": W3, "b3": b3}


def reference(x_cat, x_num, tables, W1, b1, g1, be1, W2, b2, g2, be2, W3, b3):
    # per-field embedding lookup: tables[f][x_cat[:, f]] for each field f
    emb = jax.vmap(lambda t, idx: jnp.take(t, idx, axis=0), in_axes=(0, 1), out_axes=1)(tables, x_cat)
    x_embed = emb.reshape(emb.shape[0], -1)
    x = jnp.concatenate([x_embed, x_num], axis=1)

    def bn_eval(h, g, b):
        # BatchNorm1d in eval mode with running_mean=0, running_var=1
        return h * (g / jnp.sqrt(1.0 + EPS)) + b

    h = jax.nn.relu(x @ W1 + b1)
    h = bn_eval(h, g1, be1)
    h = jax.nn.relu(h @ W2 + b2)
    h = bn_eval(h, g2, be2)
    return h @ W3 + b3

if __name__ == "__main__":
    import jax
    _d = setup_inputs()
    print(jax.jit(kernel)(*tuple(_d.values())))

</pallas_src>

<mosaic_0001>
#map = affine_map<(d0, d1) -> (0, 0, 0)>
#map1 = affine_map<(d0, d1) -> (0, 0)>
module attributes {stable_mosaic.version = 14 : i64} {
  func.func @body(%arg0: i32, %arg1: i32, %arg2: memref<10x100000x32xf32, #tpu.memory_space<hbm>>, %arg3: memref<10x16384xi32, #tpu.memory_space<hbm>>, %arg4: memref<3x16384x128xf32, #tpu.memory_space<hbm>>, %arg5: memref<10x512xi32, #tpu.memory_space<vmem>>, %arg6: memref<4x128x32xf32, #tpu.memory_space<vmem>>, %arg7: memref<!tpu.dma_semaphore, #tpu.memory_space<semaphore_mem>>) attributes {dimension_semantics = [#tpu.dimension_semantics<core_parallel>, #tpu.dimension_semantics<subcore_parallel>], iteration_bounds = array<i64: 2, 16>, scalar_prefetch = 0 : i64, scratch_operands = 3 : i64, tpu.core_type = #tpu.core_type<sc_vector_subcore>, window_params = [{transform_indices = #map}, {transform_indices = #map1}, {transform_indices = #map}]} {
    %mul3A = arith.constant 2 : i32
    %mul3A_0 = arith.muli %arg1, %mul3A : i32
    %add3A = arith.addi %mul3A_0, %arg0 : i32
    %mul3A_1 = arith.constant 512 : i32
    %mul3A_2 = arith.muli %add3A, %mul3A_1 : i32
    "tpu.region"() ({
      %run_scoped3A = tpu.sem_alloc : memref<!tpu.dma_semaphore, #tpu.memory_space<semaphore_mem>>
      %dma_start3A = arith.constant 0 : i32
      %dma_start3A_8 = tpu.memref_slice %arg3[%dma_start3A, %mul3A_2] : memref<10x16384xi32, #tpu.memory_space<hbm>> -> memref<10x512xi32, #tpu.memory_space<hbm>>
      %dma_start3A_9 = arith.constant 0 : i32
      %dma_start3A_10 = tpu.memref_slice %arg3[%dma_start3A_9, %mul3A_2] : memref<10x16384xi32, #tpu.memory_space<hbm>> -> memref<10x512xi32, #tpu.memory_space<hbm>>
      tpu.enqueue_dma source(%dma_start3A_10 : memref<10x512xi32, #tpu.memory_space<hbm>>) target(%arg5 : memref<10x512xi32, #tpu.memory_space<vmem>>) target_semaphore(%run_scoped3A : memref<!tpu.dma_semaphore, #tpu.memory_space<semaphore_mem>>)
      %dma_wait3A = arith.constant 0 : i32
      %dma_wait3A_11 = tpu.memref_slice %arg3[%dma_wait3A, %mul3A_2] : memref<10x16384xi32, #tpu.memory_space<hbm>> -> memref<10x512xi32, #tpu.memory_space<hbm>>
      %dma_wait3A_12 = arith.constant 0 : i32
      %dma_wait3A_13 = tpu.memref_slice %arg3[%dma_wait3A_12, %mul3A_2] : memref<10x16384xi32, #tpu.memory_space<hbm>> -> memref<10x512xi32, #tpu.memory_space<hbm>>
      tpu.wait_dma2 semaphore(%run_scoped3A : memref<!tpu.dma_semaphore, #tpu.memory_space<semaphore_mem>>) src(%dma_wait3A_13 : memref<10x512xi32, #tpu.memory_space<hbm>>) dst(%arg5 : memref<10x512xi32, #tpu.memory_space<vmem>>)
      tpu.yield
    }) : () -> ()
    %scan3A = arith.constant 0 : i32
    %scan3A_3 = arith.constant 0 : i32
    %scan3A_4 = arith.constant 10 : i32
    %scan3A_5 = arith.addi %scan3A_3, %scan3A_4 : i32
    %scan3A_6 = arith.constant 1 : i32
    scf.for %scan3A_8 = %scan3A_3 to %scan3A_5 step %scan3A_6  : i32 {
      %mul3A_9 = arith.constant 4 : i32
      %mul3A_10 = arith.muli %scan3A_8, %mul3A_9 : i32
      %add3A_11 = arith.constant 0 : i32
      %add3A_12 = arith.addi %mul3A_10, %add3A_11 : i32
      %jit3A = arith.constant 10 : i32
      %eq3A = arith.constant 0 : i32
      %eq3A_13 = arith.cmpi eq, %jit3A, %eq3A : i32
      %jit3A_14 = arith.constant 1 : i32
      %select_n3A = arith.select %eq3A_13, %jit3A_14, %jit3A : i32
      %rem3A = arith.remsi %add3A_12, %select_n3A : i32
      %ne3A = arith.constant 0 : i32
      %ne3A_15 = arith.cmpi ne, %rem3A, %ne3A : i32
      %lt3A = arith.constant 0 : i32
      %lt3A_16 = arith.cmpi slt, %rem3A, %lt3A : i32
      %lt3A_17 = arith.constant 0 : i32
      %lt3A_18 = arith.cmpi slt, %select_n3A, %lt3A_17 : i32
      %ne3A_19 = arith.xori %lt3A_16, %lt3A_18 : i1
      %and3A = arith.andi %ne3A_19, %ne3A_15 : i1
      %add3A_20 = arith.addi %rem3A, %select_n3A : i32
      %select_n3A_21 = arith.select %and3A, %add3A_20, %rem3A : i32
      %jit3A_22 = arith.constant 10 : i32
      %div3A = arith.divsi %add3A_12, %jit3A_22 : i32
      %sign3A = arith.constant 0 : i32
      %sign3A_23 = arith.cmpi sgt, %add3A_12, %sign3A : i32
      %sign3A_24 = arith.extui %sign3A_23 : i1 to i32
      %sign3A_25 = arith.constant 0 : i32
      %sign3A_26 = arith.cmpi slt, %add3A_12, %sign3A_25 : i32
      %sign3A_27 = arith.extui %sign3A_26 : i1 to i32
      %sign3A_28 = arith.subi %sign3A_24, %sign3A_27 : i32
      %sign3A_29 = arith.constant 0 : i32
      %sign3A_30 = arith.cmpi sgt, %jit3A_22, %sign3A_29 : i32
      %sign3A_31 = arith.extui %sign3A_30 : i1 to i32
      %sign3A_32 = arith.constant 0 : i32
      %sign3A_33 = arith.cmpi slt, %jit3A_22, %sign3A_32 : i32
      %sign3A_34 = arith.extui %sign3A_33 : i1 to i32
      %sign3A_35 = arith.subi %sign3A_31, %sign3A_34 : i32
      %ne3A_36 = arith.cmpi ne, %sign3A_28, %sign3A_35 : i32
      %rem3A_37 = arith.remsi %add3A_12, %jit3A_22 : i32
      %ne3A_38 = arith.constant 0 : i32
      %ne3A_39 = arith.cmpi ne, %rem3A_37, %ne3A_38 : i32
      %and3A_40 = arith.andi %ne3A_36, %ne3A_39 : i1
      %sub3A = arith.constant 1 : i32
      %sub3A_41 = arith.subi %div3A, %sub3A : i32
      %select_n3A_42 = arith.select %and3A_40, %sub3A_41, %div3A : i32
      %mul3A_43 = arith.constant 128 : i32
      %mul3A_44 = arith.muli %select_n3A_42, %mul3A_43 : i32
      %dma_start3A = arith.constant 0 : i32
      %dma_start3A_45 = arith.constant 0 : i32
      %dma_start3A_46 = arith.constant 0 : i32
      %dma_start3A_47 = tpu.memref_slice %arg6[%dma_start3A, %dma_start3A_45, %dma_start3A_46] : memref<4x128x32xf32, #tpu.memory_space<vmem>> -> memref<1x128x32xf32, #tpu.memory_space<vmem>>
      %dma_start3A_48 = tpu.memref_squeeze %dma_start3A_47 : memref<1x128x32xf32, #tpu.memory_space<vmem>> -> memref<128x32xf32, #tpu.memory_space<vmem>>
      %dma_start3A_49 = tpu.memref_slice %arg5[%select_n3A_21, %mul3A_44] : memref<10x512xi32, #tpu.memory_space<vmem>> -> memref<1x128xi32, #tpu.memory_space<vmem>>
      %dma_start3A_50 = tpu.memref_squeeze %dma_start3A_49 : memref<1x128xi32, #tpu.memory_space<vmem>> -> memref<128xi32, #tpu.memory_space<vmem>>
      %dma_start3A_51 = arith.constant 0 : i32
      %dma_start3A_52 = arith.constant 0 : i32
      %dma_start3A_53 = tpu.memref_slice %arg2[%select_n3A_21, %dma_start3A_51, %dma_start3A_52] : memref<10x100000x32xf32, #tpu.memory_space<hbm>> -> memref<1x100000x32xf32, #tpu.memory_space<hbm>>
      %dma_start3A_54 = tpu.memref_squeeze %dma_start3A_53 : memref<1x100000x32xf32, #tpu.memory_space<hbm>> -> memref<100000x32xf32, #tpu.memory_space<hbm>>
      %dma_start3A_55 = arith.constant 0 : i32
      %dma_start3A_56 = arith.constant 0 : i32
      %dma_start3A_57 = tpu.memref_slice %dma_start3A_54[%dma_start3A_55, %dma_start3A_56] : memref<100000x32xf32, #tpu.memory_space<hbm>> -> memref<100000x32xf32, #tpu.memory_space<hbm>>
      tpu.enqueue_indirect_dma source(%dma_start3A_57 : memref<100000x32xf32, #tpu.memory_space<hbm>>) target(%dma_start3A_48 : memref<128x32xf32, #tpu.memory_space<vmem>>) offsets(%dma_start3A_50 : memref<128xi32, #tpu.memory_space<vmem>>) semaphore(%arg7 : memref<!tpu.dma_semaphore, #tpu.memory_space<semaphore_mem>>)
      %add3A_58 = arith.constant 1 : i32
      %add3A_59 = arith.addi %mul3A_10, %add3A_58 : i32
      %jit3A_60 = arith.constant 10 : i32
      %eq3A_61 = arith.constant 0 : i32
      %eq3A_62 = arith.cmpi eq, %jit3A_60, %eq3A_61 : i32
      %jit3A_63 = arith.constant 1 : i32
      %select_n3A_64 = arith.select %eq3A_62, %jit3A_63, %jit3A_60 : i32
      %rem3A_65 = arith.remsi %add3A_59, %select_n3A_64 : i32
      %ne3A_66 = arith.constant 0 : i32
      %ne3A_67 = arith.cmpi ne, %rem3A_65, %ne3A_66 : i32
      %lt3A_68 = arith.constant 0 : i32
      %lt3A_69 = arith.cmpi slt, %rem3A_65, %lt3A_68 : i32
      %lt3A_70 = arith.constant 0 : i32
      %lt3A_71 = arith.cmpi slt, %select_n3A_64, %lt3A_70 : i32
      %ne3A_72 = arith.xori %lt3A_69, %lt3A_71 : i1
      %and3A_73 = arith.andi %ne3A_72, %ne3A_67 : i1
      %add3A_74 = arith.addi %rem3A_65, %select_n3A_64 : i32
      %select_n3A_75 = arith.select %and3A_73, %add3A_74, %rem3A_65 : i32
      %jit3A_76 = arith.constant 10 : i32
      %div3A_77 = arith.divsi %add3A_59, %jit3A_76 : i32
      %sign3A_78 = arith.constant 0 : i32
      %sign3A_79 = arith.cmpi sgt, %add3A_59, %sign3A_78 : i32
      %sign3A_80 = arith.extui %sign3A_79 : i1 to i32
      %sign3A_81 = arith.constant 0 : i32
      %sign3A_82 = arith.cmpi slt, %add3A_59, %sign3A_81 : i32
      %sign3A_83 = arith.extui %sign3A_82 : i1 to i32
      %sign3A_84 = arith.subi %sign3A_80, %sign3A_83 : i32
      %sign3A_85 = arith.constant 0 : i32
      %sign3A_86 = arith.cmpi sgt, %jit3A_76, %sign3A_85 : i32
      %sign3A_87 = arith.extui %sign3A_86 : i1 to i32
      %sign3A_88 = arith.constant 0 : i32
      %sign3A_89 = arith.cmpi slt, %jit3A_76, %sign3A_88 : i32
      %sign3A_90 = arith.extui %sign3A_89 : i1 to i32
      %sign3A_91 = arith.subi %sign3A_87, %sign3A_90 : i32
      %ne3A_92 = arith.cmpi ne, %sign3A_84, %sign3A_91 : i32
      %rem3A_93 = arith.remsi %add3A_59, %jit3A_76 : i32
      %ne3A_94 = arith.constant 0 : i32
      %ne3A_95 = arith.cmpi ne, %rem3A_93, %ne3A_94 : i32
      %and3A_96 = arith.andi %ne3A_92, %ne3A_95 : i1
      %sub3A_97 = arith.constant 1 : i32
      %sub3A_98 = arith.subi %div3A_77, %sub3A_97 : i32
      %select_n3A_99 = arith.select %and3A_96, %sub3A_98, %div3A_77 : i32
      %mul3A_100 = arith.constant 128 : i32
      %mul3A_101 = arith.muli %select_n3A_99, %mul3A_100 : i32
      %dma_start3A_102 = arith.constant 1 : i32
      %dma_start3A_103 = arith.constant 0 : i32
      %dma_start3A_104 = arith.constant 0 : i32
      %dma_start3A_105 = tpu.memref_slice %arg6[%dma_start3A_102, %dma_start3A_103, %dma_start3A_104] : memref<4x128x32xf32, #tpu.memory_space<vmem>> -> memref<1x128x32xf32, #tpu.memory_space<vmem>>
      %dma_start3A_106 = tpu.memref_squeeze %dma_start3A_105 : memref<1x128x32xf32, #tpu.memory_space<vmem>> -> memref<128x32xf32, #tpu.memory_space<vmem>>
      %dma_start3A_107 = tpu.memref_slice %arg5[%select_n3A_75, %mul3A_101] : memref<10x512xi32, #tpu.memory_space<vmem>> -> memref<1x128xi32, #tpu.memory_space<vmem>>
      %dma_start3A_108 = tpu.memref_squeeze %dma_start3A_107 : memref<1x128xi32, #tpu.memory_space<vmem>> -> memref<128xi32, #tpu.memory_space<vmem>>
      %dma_start3A_109 = arith.constant 0 : i32
      %dma_start3A_110 = arith.constant 0 : i32
      %dma_start3A_111 = tpu.memref_slice %arg2[%select_n3A_75, %dma_start3A_109, %dma_start3A_110] : memref<10x100000x32xf32, #tpu.memory_space<hbm>> -> memref<1x100000x32xf32, #tpu.memory_space<hbm>>
      %dma_start3A_112 = tpu.memref_squeeze %dma_start3A_111 : memref<1x100000x32xf32, #tpu.memory_space<hbm>> -> memref<100000x32xf32, #tpu.memory_space<hbm>>
      %dma_start3A_113 = arith.constant 0 : i32
      %dma_start3A_114 = arith.constant 0 : i32
      %dma_start3A_115 = tpu.memref_slice %dma_start3A_112[%dma_start3A_113, %dma_start3A_114] : memref<100000x32xf32, #tpu.memory_space<hbm>> -> memref<100000x32xf32, #tpu.memory_space<hbm>>
      tpu.enqueue_indirect_dma source(%dma_start3A_115 : memref<100000x32xf32, #tpu.memory_space<hbm>>) target(%dma_start3A_106 : memref<128x32xf32, #tpu.memory_space<vmem>>) offsets(%dma_start3A_108 : memref<128xi32, #tpu.memory_space<vmem>>) semaphore(%arg7 : memref<!tpu.dma_semaphore, #tpu.memory_space<semaphore_mem>>)
      %add3A_116 = arith.constant 2 : i32
      %add3A_117 = arith.addi %mul3A_10, %add3A_116 : i32
      %jit3A_118 = arith.constant 10 : i32
      %eq3A_119 = arith.constant 0 : i32
      %eq3A_120 = arith.cmpi eq, %jit3A_118, %eq3A_119 : i32
      %jit3A_121 = arith.constant 1 : i32
      %select_n3A_122 = arith.select %eq3A_120, %jit3A_121, %jit3A_118 : i32
      %rem3A_123 = arith.remsi %add3A_117, %select_n3A_122 : i32
      %ne3A_124 = arith.constant 0 : i32
      %ne3A_125 = arith.cmpi ne, %rem3A_123, %ne3A_124 : i32
      %lt3A_126 = arith.constant 0 : i32
      %lt3A_127 = arith.cmpi slt, %rem3A_123, %lt3A_126 : i32
      %lt3A_128 = arith.constant 0 : i32
      %lt3A_129 = arith.cmpi slt, %select_n3A_122, %lt3A_128 : i32
      %ne3A_130 = arith.xori %lt3A_127, %lt3A_129 : i1
      %and3A_131 = arith.andi %ne3A_130, %ne3A_125 : i1
      %add3A_132 = arith.addi %rem3A_123, %select_n3A_122 : i32
      %select_n3A_133 = arith.select %and3A_131, %add3A_132, %rem3A_123 : i32
      %jit3A_134 = arith.constant 10 : i32
      %div3A_135 = arith.divsi %add3A_117, %jit3A_134 : i32
      %sign3A_136 = arith.constant 0 : i32
      %sign3A_137 = arith.cmpi sgt, %add3A_117, %sign3A_136 : i32
      %sign3A_138 = arith.extui %sign3A_137 : i1 to i32
      %sign3A_139 = arith.constant 0 : i32
      %sign3A_140 = arith.cmpi slt, %add3A_117, %sign3A_139 : i32
      %sign3A_141 = arith.extui %sign3A_140 : i1 to i32
      %sign3A_142 = arith.subi %sign3A_138, %sign3A_141 : i32
      %sign3A_143 = arith.constant 0 : i32
      %sign3A_144 = arith.cmpi sgt, %jit3A_134, %sign3A_143 : i32
      %sign3A_145 = arith.extui %sign3A_144 : i1 to i32
      %sign3A_146 = arith.constant 0 : i32
      %sign3A_147 = arith.cmpi slt, %jit3A_134, %sign3A_146 : i32
      %sign3A_148 = arith.extui %sign3A_147 : i1 to i32
      %sign3A_149 = arith.subi %sign3A_145, %sign3A_148 : i32
      %ne3A_150 = arith.cmpi ne, %sign3A_142, %sign3A_149 : i32
      %rem3A_151 = arith.remsi %add3A_117, %jit3A_134 : i32
      %ne3A_152 = arith.constant 0 : i32
      %ne3A_153 = arith.cmpi ne, %rem3A_151, %ne3A_152 : i32
      %and3A_154 = arith.andi %ne3A_150, %ne3A_153 : i1
      %sub3A_155 = arith.constant 1 : i32
      %sub3A_156 = arith.subi %div3A_135, %sub3A_155 : i32
      %select_n3A_157 = arith.select %and3A_154, %sub3A_156, %div3A_135 : i32
      %mul3A_158 = arith.constant 128 : i32
      %mul3A_159 = arith.muli %select_n3A_157, %mul3A_158 : i32
      %dma_start3A_160 = arith.constant 2 : i32
      %dma_start3A_161 = arith.constant 0 : i32
      %dma_start3A_162 = arith.constant 0 : i32
      %dma_start3A_163 = tpu.memref_slice %arg6[%dma_start3A_160, %dma_start3A_161, %dma_start3A_162] : memref<4x128x32xf32, #tpu.memory_space<vmem>> -> memref<1x128x32xf32, #tpu.memory_space<vmem>>
      %dma_start3A_164 = tpu.memref_squeeze %dma_start3A_163 : memref<1x128x32xf32, #tpu.memory_space<vmem>> -> memref<128x32xf32, #tpu.memory_space<vmem>>
      %dma_start3A_165 = tpu.memref_slice %arg5[%select_n3A_133, %mul3A_159] : memref<10x512xi32, #tpu.memory_space<vmem>> -> memref<1x128xi32, #tpu.memory_space<vmem>>
      %dma_start3A_166 = tpu.memref_squeeze %dma_start3A_165 : memref<1x128xi32, #tpu.memory_space<vmem>> -> memref<128xi32, #tpu.memory_space<vmem>>
      %dma_start3A_167 = arith.constant 0 : i32
      %dma_start3A_168 = arith.constant 0 : i32
      %dma_start3A_169 = tpu.memref_slice %arg2[%select_n3A_133, %dma_start3A_167, %dma_start3A_168] : memref<10x100000x32xf32, #tpu.memory_space<hbm>> -> memref<1x100000x32xf32, #tpu.memory_space<hbm>>
      %dma_start3A_170 = tpu.memref_squeeze %dma_start3A_169 : memref<1x100000x32xf32, #tpu.memory_space<hbm>> -> memref<100000x32xf32, #tpu.memory_space<hbm>>
      %dma_start3A_171 = arith.constant 0 : i32
      %dma_start3A_172 = arith.constant 0 : i32
      %dma_start3A_173 = tpu.memref_slice %dma_start3A_170[%dma_start3A_171, %dma_start3A_172] : memref<100000x32xf32, #tpu.memory_space<hbm>> -> memref<100000x32xf32, #tpu.memory_space<hbm>>
      tpu.enqueue_indirect_dma source(%dma_start3A_173 : memref<100000x32xf32, #tpu.memory_space<hbm>>) target(%dma_start3A_164 : memref<128x32xf32, #tpu.memory_space<vmem>>) offsets(%dma_start3A_166 : memref<128xi32, #tpu.memory_space<vmem>>) semaphore(%arg7 : memref<!tpu.dma_semaphore, #tpu.memory_space<semaphore_mem>>)
      %add3A_174 = arith.constant 3 : i32
      %add3A_175 = arith.addi %mul3A_10, %add3A_174 : i32
      %jit3A_176 = arith.constant 10 : i32
      %eq3A_177 = arith.constant 0 : i32
      %eq3A_178 = arith.cmpi eq, %jit3A_176, %eq3A_177 : i32
      %jit3A_179 = arith.constant 1 : i32
      %select_n3A_180 = arith.select %eq3A_178, %jit3A_179, %jit3A_176 : i32
      %rem3A_181 = arith.remsi %add3A_175, %select_n3A_180 : i32
      %ne3A_182 = arith.constant 0 : i32
      %ne3A_183 = arith.cmpi ne, %rem3A_181, %ne3A_182 : i32
      %lt3A_184 = arith.constant 0 : i32
      %lt3A_185 = arith.cmpi slt, %rem3A_181, %lt3A_184 : i32
      %lt3A_186 = arith.constant 0 : i32
      %lt3A_187 = arith.cmpi slt, %select_n3A_180, %lt3A_186 : i32
      %ne3A_188 = arith.xori %lt3A_185, %lt3A_187 : i1
      %and3A_189 = arith.andi %ne3A_188, %ne3A_183 : i1
      %add3A_190 = arith.addi %rem3A_181, %select_n3A_180 : i32
      %select_n3A_191 = arith.select %and3A_189, %add3A_190, %rem3A_181 : i32
      %jit3A_192 = arith.constant 10 : i32
      %div3A_193 = arith.divsi %add3A_175, %jit3A_192 : i32
      %sign3A_194 = arith.constant 0 : i32
      %sign3A_195 = arith.cmpi sgt, %add3A_175, %sign3A_194 : i32
      %sign3A_196 = arith.extui %sign3A_195 : i1 to i32
      %sign3A_197 = arith.constant 0 : i32
      %sign3A_198 = arith.cmpi slt, %add3A_175, %sign3A_197 : i32
      %sign3A_199 = arith.extui %sign3A_198 : i1 to i32
      %sign3A_200 = arith.subi %sign3A_196, %sign3A_199 : i32
      %sign3A_201 = arith.constant 0 : i32
      %sign3A_202 = arith.cmpi sgt, %jit3A_192, %sign3A_201 : i32
      %sign3A_203 = arith.extui %sign3A_202 : i1 to i32
      %sign3A_204 = arith.constant 0 : i32
      %sign3A_205 = arith.cmpi slt, %jit3A_192, %sign3A_204 : i32
      %sign3A_206 = arith.extui %sign3A_205 : i1 to i32
      %sign3A_207 = arith.subi %sign3A_203, %sign3A_206 : i32
      %ne3A_208 = arith.cmpi ne, %sign3A_200, %sign3A_207 : i32
      %rem3A_209 = arith.remsi %add3A_175, %jit3A_192 : i32
      %ne3A_210 = arith.constant 0 : i32
      %ne3A_211 = arith.cmpi ne, %rem3A_209, %ne3A_210 : i32
      %and3A_212 = arith.andi %ne3A_208, %ne3A_211 : i1
      %sub3A_213 = arith.constant 1 : i32
      %sub3A_214 = arith.subi %div3A_193, %sub3A_213 : i32
      %select_n3A_215 = arith.select %and3A_212, %sub3A_214, %div3A_193 : i32
      %mul3A_216 = arith.constant 128 : i32
      %mul3A_217 = arith.muli %select_n3A_215, %mul3A_216 : i32
      %dma_start3A_218 = arith.constant 3 : i32
      %dma_start3A_219 = arith.constant 0 : i32
      %dma_start3A_220 = arith.constant 0 : i32
      %dma_start3A_221 = tpu.memref_slice %arg6[%dma_start3A_218, %dma_start3A_219, %dma_start3A_220] : memref<4x128x32xf32, #tpu.memory_space<vmem>> -> memref<1x128x32xf32, #tpu.memory_space<vmem>>
      %dma_start3A_222 = tpu.memref_squeeze %dma_start3A_221 : memref<1x128x32xf32, #tpu.memory_space<vmem>> -> memref<128x32xf32, #tpu.memory_space<vmem>>
      %dma_start3A_223 = tpu.memref_slice %arg5[%select_n3A_191, %mul3A_217] : memref<10x512xi32, #tpu.memory_space<vmem>> -> memref<1x128xi32, #tpu.memory_space<vmem>>
      %dma_start3A_224 = tpu.memref_squeeze %dma_start3A_223 : memref<1x128xi32, #tpu.memory_space<vmem>> -> memref<128xi32, #tpu.memory_space<vmem>>
      %dma_start3A_225 = arith.constant 0 : i32
      %dma_start3A_226 = arith.constant 0 : i32
      %dma_start3A_227 = tpu.memref_slice %arg2[%select_n3A_191, %dma_start3A_225, %dma_start3A_226] : memref<10x100000x32xf32, #tpu.memory_space<hbm>> -> memref<1x100000x32xf32, #tpu.memory_space<hbm>>
      %dma_start3A_228 = tpu.memref_squeeze %dma_start3A_227 : memref<1x100000x32xf32, #tpu.memory_space<hbm>> -> memref<100000x32xf32, #tpu.memory_space<hbm>>
      %dma_start3A_229 = arith.constant 0 : i32
      %dma_start3A_230 = arith.constant 0 : i32
      %dma_start3A_231 = tpu.memref_slice %dma_start3A_228[%dma_start3A_229, %dma_start3A_230] : memref<100000x32xf32, #tpu.memory_space<hbm>> -> memref<100000x32xf32, #tpu.memory_space<hbm>>
      tpu.enqueue_indirect_dma source(%dma_start3A_231 : memref<100000x32xf32, #tpu.memory_space<hbm>>) target(%dma_start3A_222 : memref<128x32xf32, #tpu.memory_space<vmem>>) offsets(%dma_start3A_224 : memref<128xi32, #tpu.memory_space<vmem>>) semaphore(%arg7 : memref<!tpu.dma_semaphore, #tpu.memory_space<semaphore_mem>>)
      %add3A_232 = arith.constant 0 : i32
      %add3A_233 = arith.addi %mul3A_10, %add3A_232 : i32
      %jit3A_234 = arith.constant 10 : i32
      %eq3A_235 = arith.constant 0 : i32
      %eq3A_236 = arith.cmpi eq, %jit3A_234, %eq3A_235 : i32
      %jit3A_237 = arith.constant 1 : i32
      %select_n3A_238 = arith.select %eq3A_236, %jit3A_237, %jit3A_234 : i32
      %rem3A_239 = arith.remsi %add3A_233, %select_n3A_238 : i32
      %ne3A_240 = arith.constant 0 : i32
      %ne3A_241 = arith.cmpi ne, %rem3A_239, %ne3A_240 : i32
      %lt3A_242 = arith.constant 0 : i32
      %lt3A_243 = arith.cmpi slt, %rem3A_239, %lt3A_242 : i32
      %lt3A_244 = arith.constant 0 : i32
      %lt3A_245 = arith.cmpi slt, %select_n3A_238, %lt3A_244 : i32
      %ne3A_246 = arith.xori %lt3A_243, %lt3A_245 : i1
      %and3A_247 = arith.andi %ne3A_246, %ne3A_241 : i1
      %add3A_248 = arith.addi %rem3A_239, %select_n3A_238 : i32
      %select_n3A_249 = arith.select %and3A_247, %add3A_248, %rem3A_239 : i32
      %jit3A_250 = arith.constant 10 : i32
      %div3A_251 = arith.divsi %add3A_233, %jit3A_250 : i32
      %sign3A_252 = arith.constant 0 : i32
      %sign3A_253 = arith.cmpi sgt, %add3A_233, %sign3A_252 : i32
      %sign3A_254 = arith.extui %sign3A_253 : i1 to i32
      %sign3A_255 = arith.constant 0 : i32
      %sign3A_256 = arith.cmpi slt, %add3A_233, %sign3A_255 : i32
      %sign3A_257 = arith.extui %sign3A_256 : i1 to i32
      %sign3A_258 = arith.subi %sign3A_254, %sign3A_257 : i32
      %sign3A_259 = arith.constant 0 : i32
      %sign3A_260 = arith.cmpi sgt, %jit3A_250, %sign3A_259 : i32
      %sign3A_261 = arith.extui %sign3A_260 : i1 to i32
      %sign3A_262 = arith.constant 0 : i32
      %sign3A_263 = arith.cmpi slt, %jit3A_250, %sign3A_262 : i32
      %sign3A_264 = arith.extui %sign3A_263 : i1 to i32
      %sign3A_265 = arith.subi %sign3A_261, %sign3A_264 : i32
      %ne3A_266 = arith.cmpi ne, %sign3A_258, %sign3A_265 : i32
      %rem3A_267 = arith.remsi %add3A_233, %jit3A_250 : i32
      %ne3A_268 = arith.constant 0 : i32
      %ne3A_269 = arith.cmpi ne, %rem3A_267, %ne3A_268 : i32
      %and3A_270 = arith.andi %ne3A_266, %ne3A_269 : i1
      %sub3A_271 = arith.constant 1 : i32
      %sub3A_272 = arith.subi %div3A_251, %sub3A_271 : i32
      %select_n3A_273 = arith.select %and3A_270, %sub3A_272, %div3A_251 : i32
      %mul3A_274 = arith.constant 128 : i32
      %mul3A_275 = arith.muli %select_n3A_273, %mul3A_274 : i32
      %dma_wait3A = arith.constant 0 : i32
      %dma_wait3A_276 = arith.constant 0 : i32
      %dma_wait3A_277 = arith.constant 0 : i32
      %dma_wait3A_278 = tpu.memref_slice %arg6[%dma_wait3A, %dma_wait3A_276, %dma_wait3A_277] : memref<4x128x32xf32, #tpu.memory_space<vmem>> -> memref<1x128x32xf32, #tpu.memory_space<vmem>>
      %dma_wait3A_279 = tpu.memref_squeeze %dma_wait3A_278 : memref<1x128x32xf32, #tpu.memory_space<vmem>> -> memref<128x32xf32, #tpu.memory_space<vmem>>
      %dma_wait3A_280 = tpu.memref_slice %arg5[%select_n3A_249, %mul3A_275] : memref<10x512xi32, #tpu.memory_space<vmem>> -> memref<1x128xi32, #tpu.memory_space<vmem>>
      %dma_wait3A_281 = tpu.memref_squeeze %dma_wait3A_280 : memref<1x128xi32, #tpu.memory_space<vmem>> -> memref<128xi32, #tpu.memory_space<vmem>>
      %dma_wait3A_282 = arith.constant 0 : i32
      %dma_wait3A_283 = arith.constant 0 : i32
      %dma_wait3A_284 = tpu.memref_slice %arg2[%select_n3A_249, %dma_wait3A_282, %dma_wait3A_283] : memref<10x100000x32xf32, #tpu.memory_space<hbm>> -> memref<1x100000x32xf32, #tpu.memory_space<hbm>>
      %dma_wait3A_285 = tpu.memref_squeeze %dma_wait3A_284 : memref<1x100000x32xf32, #tpu.memory_space<hbm>> -> memref<100000x32xf32, #tpu.memory_space<hbm>>
      %dma_wait3A_286 = arith.constant 0 : i32
      %dma_wait3A_287 = arith.constant 0 : i32
      %dma_wait3A_288 = tpu.memref_slice %dma_wait3A_285[%dma_wait3A_286, %dma_wait3A_287] : memref<100000x32xf32, #tpu.memory_space<hbm>> -> memref<100000x32xf32, #tpu.memory_space<hbm>>
      tpu.wait_indirect_dma semaphore(%arg7 : memref<!tpu.dma_semaphore, #tpu.memory_space<semaphore_mem>>) src(%dma_wait3A_288 : memref<100000x32xf32, #tpu.memory_space<hbm>>) dst(%dma_wait3A_279 : memref<128x32xf32, #tpu.memory_space<vmem>>)
      %jit3A_289 = arith.constant 4 : i32
      %div3A_290 = arith.divsi %select_n3A_249, %jit3A_289 : i32
      %sign3A_291 = arith.constant 0 : i32
      %sign3A_292 = arith.cmpi sgt, %select_n3A_249, %sign3A_291 : i32
      %sign3A_293 = arith.extui %sign3A_292 : i1 to i32
      %sign3A_294 = arith.constant 0 : i32
      %sign3A_295 = arith.cmpi slt, %select_n3A_249, %sign3A_294 : i32
      %sign3A_296 = arith.extui %sign3A_295 : i1 to i32
      %sign3A_297 = arith.subi %sign3A_293, %sign3A_296 : i32
      %sign3A_298 = arith.constant 0 : i32
      %sign3A_299 = arith.cmpi sgt, %jit3A_289, %sign3A_298 : i32
      %sign3A_300 = arith.extui %sign3A_299 : i1 to i32
      %sign3A_301 = arith.constant 0 : i32
      %sign3A_302 = arith.cmpi slt, %jit3A_289, %sign3A_301 : i32
      %sign3A_303 = arith.extui %sign3A_302 : i1 to i32
      %sign3A_304 = arith.subi %sign3A_300, %sign3A_303 : i32
      %ne3A_305 = arith.cmpi ne, %sign3A_297, %sign3A_304 : i32
      %rem3A_306 = arith.remsi %select_n3A_249, %jit3A_289 : i32
      %ne3A_307 = arith.constant 0 : i32
      %ne3A_308 = arith.cmpi ne, %rem3A_306, %ne3A_307 : i32
      %and3A_309 = arith.andi %ne3A_305, %ne3A_308 : i1
      %sub3A_310 = arith.constant 1 : i32
      %sub3A_311 = arith.subi %div3A_290, %sub3A_310 : i32
      %select_n3A_312 = arith.select %and3A_309, %sub3A_311, %div3A_290 : i32
      %jit3A_313 = arith.constant 4 : i32
      %eq3A_314 = arith.constant 0 : i32
      %eq3A_315 = arith.cmpi eq, %jit3A_313, %eq3A_314 : i32
      %jit3A_316 = arith.constant 1 : i32
      %select_n3A_317 = arith.select %eq3A_315, %jit3A_316, %jit3A_313 : i32
      %rem3A_318 = arith.remsi %select_n3A_249, %select_n3A_317 : i32
      %ne3A_319 = arith.constant 0 : i32
      %ne3A_320 = arith.cmpi ne, %rem3A_318, %ne3A_319 : i32
      %lt3A_321 = arith.constant 0 : i32
      %lt3A_322 = arith.cmpi slt, %rem3A_318, %lt3A_321 : i32
      %lt3A_323 = arith.constant 0 : i32
      %lt3A_324 = arith.cmpi slt, %select_n3A_317, %lt3A_323 : i32
      %ne3A_325 = arith.xori %lt3A_322, %lt3A_324 : i1
      %and3A_326 = arith.andi %ne3A_325, %ne3A_320 : i1
      %add3A_327 = arith.addi %rem3A_318, %select_n3A_317 : i32
      %select_n3A_328 = arith.select %and3A_326, %add3A_327, %rem3A_318 : i32
      %mul3A_329 = arith.constant 128 : i32
      %mul3A_330 = arith.muli %select_n3A_273, %mul3A_329 : i32
      %add3A_331 = arith.addi %mul3A_2, %mul3A_330 : i32
      %mul3A_332 = arith.constant 32 : i32
      %mul3A_333 = arith.muli %mul3A_332, %select_n3A_328 : i32
      %run_scoped3A = arith.constant 0 : i32
      "tpu.region"() ({
        %run_scoped3A_646 = tpu.sem_alloc : memref<!tpu.dma_semaphore, #tpu.memory_space<semaphore_mem>>
        %dma_start3A_647 = arith.constant 0 : i32
        %dma_start3A_648 = arith.constant 0 : i32
        %dma_start3A_649 = tpu.memref_slice %arg6[%run_scoped3A, %dma_start3A_647, %dma_start3A_648] : memref<4x128x32xf32, #tpu.memory_space<vmem>> -> memref<1x128x32xf32, #tpu.memory_space<vmem>>
        %dma_start3A_650 = tpu.memref_squeeze %dma_start3A_649 : memref<1x128x32xf32, #tpu.memory_space<vmem>> -> memref<128x32xf32, #tpu.memory_space<vmem>>
        %dma_start3A_651 = tpu.memref_slice %arg4[%select_n3A_312, %add3A_331, %mul3A_333] : memref<3x16384x128xf32, #tpu.memory_space<hbm>> -> memref<1x128x32xf32, #tpu.memory_space<hbm>>
        %dma_start3A_652 = tpu.memref_squeeze %dma_start3A_651 : memref<1x128x32xf32, #tpu.memory_space<hbm>> -> memref<128x32xf32, #tpu.memory_space<hbm>>
        %dma_start3A_653 = tpu.memref_slice %arg4[%select_n3A_312, %add3A_331, %mul3A_333] : memref<3x16384x128xf32, #tpu.memory_space<hbm>> -> memref<1x128x32xf32, #tpu.memory_space<hbm>>
        %dma_start3A_654 = tpu.memref_squeeze %dma_start3A_653 : memref<1x128x32xf32, #tpu.memory_space<hbm>> -> memref<128x32xf32, #tpu.memory_space<hbm>>
        %dma_start3A_655 = arith.constant 0 : i32
        %dma_start3A_656 = arith.constant 0 : i32
        %dma_start3A_657 = tpu.memref_slice %arg6[%run_scoped3A, %dma_start3A_655, %dma_start3A_656] : memref<4x128x32xf32, #tpu.memory_space<vmem>> -> memref<1x128x32xf32, #tpu.memory_space<vmem>>
        %dma_start3A_658 = tpu.memref_squeeze %dma_start3A_657 : memref<1x128x32xf32, #tpu.memory_space<vmem>> -> memref<128x32xf32, #tpu.memory_space<vmem>>
        tpu.enqueue_dma source(%dma_start3A_658 : memref<128x32xf32, #tpu.memory_space<vmem>>) target(%dma_start3A_654 : memref<128x32xf32, #tpu.memory_space<hbm>>) target_semaphore(%run_scoped3A_646 : memref<!tpu.dma_semaphore, #tpu.memory_space<semaphore_mem>>)
        %dma_wait3A_659 = arith.constant 0 : i32
        %dma_wait3A_660 = arith.constant 0 : i32
        %dma_wait3A_661 = tpu.memref_slice %arg6[%run_scoped3A, %dma_wait3A_659, %dma_wait3A_660] : memref<4x128x32xf32, #tpu.memory_space<vmem>> -> memref<1x128x32xf32, #tpu.memory_space<vmem>>
        %dma_wait3A_662 = tpu.memref_squeeze %dma_wait3A_661 : memref<1x128x32xf32, #tpu.memory_space<vmem>> -> memref<128x32xf32, #tpu.memory_space<vmem>>
        %dma_wait3A_663 = tpu.memref_slice %arg4[%select_n3A_312, %add3A_331, %mul3A_333] : memref<3x16384x128xf32, #tpu.memory_space<hbm>> -> memref<1x128x32xf32, #tpu.memory_space<hbm>>
        %dma_wait3A_664 = tpu.memref_squeeze %dma_wait3A_663 : memref<1x128x32xf32, #tpu.memory_space<hbm>> -> memref<128x32xf32, #tpu.memory_space<hbm>>
        %dma_wait3A_665 = tpu.memref_slice %arg4[%select_n3A_312, %add3A_331, %mul3A_333] : memref<3x16384x128xf32, #tpu.memory_space<hbm>> -> memref<1x128x32xf32, #tpu.memory_space<hbm>>
        %dma_wait3A_666 = tpu.memref_squeeze %dma_wait3A_665 : memref<1x128x32xf32, #tpu.memory_space<hbm>> -> memref<128x32xf32, #tpu.memory_space<hbm>>
        %dma_wait3A_667 = arith.constant 0 : i32
        %dma_wait3A_668 = arith.constant 0 : i32
        %dma_wait3A_669 = tpu.memref_slice %arg6[%run_scoped3A, %dma_wait3A_667, %dma_wait3A_668] : memref<4x128x32xf32, #tpu.memory_space<vmem>> -> memref<1x128x32xf32, #tpu.memory_space<vmem>>
        %dma_wait3A_670 = tpu.memref_squeeze %dma_wait3A_669 : memref<1x128x32xf32, #tpu.memory_space<vmem>> -> memref<128x32xf32, #tpu.memory_space<vmem>>
        tpu.wait_dma2 semaphore(%run_scoped3A_646 : memref<!tpu.dma_semaphore, #tpu.memory_space<semaphore_mem>>) src(%dma_wait3A_670 : memref<128x32xf32, #tpu.memory_space<vmem>>) dst(%dma_wait3A_666 : memref<128x32xf32, #tpu.memory_space<hbm>>)
        tpu.yield
      }) : () -> ()
      %add3A_334 = arith.constant 1 : i32
      %add3A_335 = arith.addi %mul3A_10, %add3A_334 : i32
      %jit3A_336 = arith.constant 10 : i32
      %eq3A_337 = arith.constant 0 : i32
      %eq3A_338 = arith.cmpi eq, %jit3A_336, %eq3A_337 : i32
      %jit3A_339 = arith.constant 1 : i32
      %select_n3A_340 = arith.select %eq3A_338, %jit3A_339, %jit3A_336 : i32
      %rem3A_341 = arith.remsi %add3A_335, %select_n3A_340 : i32
      %ne3A_342 = arith.constant 0 : i32
      %ne3A_343 = arith.cmpi ne, %rem3A_341, %ne3A_342 : i32
      %lt3A_344 = arith.constant 0 : i32
      %lt3A_345 = arith.cmpi slt, %rem3A_341, %lt3A_344 : i32
      %lt3A_346 = arith.constant 0 : i32
      %lt3A_347 = arith.cmpi slt, %select_n3A_340, %lt3A_346 : i32
      %ne3A_348 = arith.xori %lt3A_345, %lt3A_347 : i1
      %and3A_349 = arith.andi %ne3A_348, %ne3A_343 : i1
      %add3A_350 = arith.addi %rem3A_341, %select_n3A_340 : i32
      %select_n3A_351 = arith.select %and3A_349, %add3A_350, %rem3A_341 : i32
      %jit3A_352 = arith.constant 10 : i32
      %div3A_353 = arith.divsi %add3A_335, %jit3A_352 : i32
      %sign3A_354 = arith.constant 0 : i32
      %sign3A_355 = arith.cmpi sgt, %add3A_335, %sign3A_354 : i32
      %sign3A_356 = arith.extui %sign3A_355 : i1 to i32
      %sign3A_357 = arith.constant 0 : i32
      %sign3A_358 = arith.cmpi slt, %add3A_335, %sign3A_357 : i32
      %sign3A_359 = arith.extui %sign3A_358 : i1 to i32
      %sign3A_360 = arith.subi %sign3A_356, %sign3A_359 : i32
      %sign3A_361 = arith.constant 0 : i32
      %sign3A_362 = arith.cmpi sgt, %jit3A_352, %sign3A_361 : i32
      %sign3A_363 = arith.extui %sign3A_362 : i1 to i32
      %sign3A_364 = arith.constant 0 : i32
      %sign3A_365 = arith.cmpi slt, %jit3A_352, %sign3A_364 : i32
      %sign3A_366 = arith.extui %sign3A_365 : i1 to i32
      %sign3A_367 = arith.subi %sign3A_363, %sign3A_366 : i32
      %ne3A_368 = arith.cmpi ne, %sign3A_360, %sign3A_367 : i32
      %rem3A_369 = arith.remsi %add3A_335, %jit3A_352 : i32
      %ne3A_370 = arith.constant 0 : i32
      %ne3A_371 = arith.cmpi ne, %rem3A_369, %ne3A_370 : i32
      %and3A_372 = arith.andi %ne3A_368, %ne3A_371 : i1
      %sub3A_373 = arith.constant 1 : i32
      %sub3A_374 = arith.subi %div3A_353, %sub3A_373 : i32
      %select_n3A_375 = arith.select %and3A_372, %sub3A_374, %div3A_353 : i32
      %mul3A_376 = arith.constant 128 : i32
      %mul3A_377 = arith.muli %select_n3A_375, %mul3A_376 : i32
      %dma_wait3A_378 = arith.constant 1 : i32
      %dma_wait3A_379 = arith.constant 0 : i32
      %dma_wait3A_380 = arith.constant 0 : i32
      %dma_wait3A_381 = tpu.memref_slice %arg6[%dma_wait3A_378, %dma_wait3A_379, %dma_wait3A_380] : memref<4x128x32xf32, #tpu.memory_space<vmem>> -> memref<1x128x32xf32, #tpu.memory_space<vmem>>
      %dma_wait3A_382 = tpu.memref_squeeze %dma_wait3A_381 : memref<1x128x32xf32, #tpu.memory_space<vmem>> -> memref<128x32xf32, #tpu.memory_space<vmem>>
      %dma_wait3A_383 = tpu.memref_slice %arg5[%select_n3A_351, %mul3A_377] : memref<10x512xi32, #tpu.memory_space<vmem>> -> memref<1x128xi32, #tpu.memory_space<vmem>>
      %dma_wait3A_384 = tpu.memref_squeeze %dma_wait3A_383 : memref<1x128xi32, #tpu.memory_space<vmem>> -> memref<128xi32, #tpu.memory_space<vmem>>
      %dma_wait3A_385 = arith.constant 0 : i32
      %dma_wait3A_386 = arith.constant 0 : i32
      %dma_wait3A_387 = tpu.memref_slice %arg2[%select_n3A_351, %dma_wait3A_385, %dma_wait3A_386] : memref<10x100000x32xf32, #tpu.memory_space<hbm>> -> memref<1x100000x32xf32, #tpu.memory_space<hbm>>
      %dma_wait3A_388 = tpu.memref_squeeze %dma_wait3A_387 : memref<1x100000x32xf32, #tpu.memory_space<hbm>> -> memref<100000x32xf32, #tpu.memory_space<hbm>>
      %dma_wait3A_389 = arith.constant 0 : i32
      %dma_wait3A_390 = arith.constant 0 : i32
      %dma_wait3A_391 = tpu.memref_slice %dma_wait3A_388[%dma_wait3A_389, %dma_wait3A_390] : memref<100000x32xf32, #tpu.memory_space<hbm>> -> memref<100000x32xf32, #tpu.memory_space<hbm>>
      tpu.wait_indirect_dma semaphore(%arg7 : memref<!tpu.dma_semaphore, #tpu.memory_space<semaphore_mem>>) src(%dma_wait3A_391 : memref<100000x32xf32, #tpu.memory_space<hbm>>) dst(%dma_wait3A_382 : memref<128x32xf32, #tpu.memory_space<vmem>>)
      %jit3A_392 = arith.constant 4 : i32
      %div3A_393 = arith.divsi %select_n3A_351, %jit3A_392 : i32
      %sign3A_394 = arith.constant 0 : i32
      %sign3A_395 = arith.cmpi sgt, %select_n3A_351, %sign3A_394 : i32
      %sign3A_396 = arith.extui %sign3A_395 : i1 to i32
      %sign3A_397 = arith.constant 0 : i32
      %sign3A_398 = arith.cmpi slt, %select_n3A_351, %sign3A_397 : i32
      %sign3A_399 = arith.extui %sign3A_398 : i1 to i32
      %sign3A_400 = arith.subi %sign3A_396, %sign3A_399 : i32
      %sign3A_401 = arith.constant 0 : i32
      %sign3A_402 = arith.cmpi sgt, %jit3A_392, %sign3A_401 : i32
      %sign3A_403 = arith.extui %sign3A_402 : i1 to i32
      %sign3A_404 = arith.constant 0 : i32
      %sign3A_405 = arith.cmpi slt, %jit3A_392, %sign3A_404 : i32
      %sign3A_406 = arith.extui %sign3A_405 : i1 to i32
      %sign3A_407 = arith.subi %sign3A_403, %sign3A_406 : i32
      %ne3A_408 = arith.cmpi ne, %sign3A_400, %sign3A_407 : i32
      %rem3A_409 = arith.remsi %select_n3A_351, %jit3A_392 : i32
      %ne3A_410 = arith.constant 0 : i32
      %ne3A_411 = arith.cmpi ne, %rem3A_409, %ne3A_410 : i32
      %and3A_412 = arith.andi %ne3A_408, %ne3A_411 : i1
      %sub3A_413 = arith.constant 1 : i32
      %sub3A_414 = arith.subi %div3A_393, %sub3A_413 : i32
      %select_n3A_415 = arith.select %and3A_412, %sub3A_414, %div3A_393 : i32
      %jit3A_416 = arith.constant 4 : i32
      %eq3A_417 = arith.constant 0 : i32
      %eq3A_418 = arith.cmpi eq, %jit3A_416, %eq3A_417 : i32
      %jit3A_419 = arith.constant 1 : i32
      %select_n3A_420 = arith.select %eq3A_418, %jit3A_419, %jit3A_416 : i32
      %rem3A_421 = arith.remsi %select_n3A_351, %select_n3A_420 : i32
      %ne3A_422 = arith.constant 0 : i32
      %ne3A_423 = arith.cmpi ne, %rem3A_421, %ne3A_422 : i32
      %lt3A_424 = arith.constant 0 : i32
      %lt3A_425 = arith.cmpi slt, %rem3A_421, %lt3A_424 : i32
      %lt3A_426 = arith.constant 0 : i32
      %lt3A_427 = arith.cmpi slt, %select_n3A_420, %lt3A_426 : i32
      %ne3A_428 = arith.xori %lt3A_425, %lt3A_427 : i1
      %and3A_429 = arith.andi %ne3A_428, %ne3A_423 : i1
      %add3A_430 = arith.addi %rem3A_421, %select_n3A_420 : i32
      %select_n3A_431 = arith.select %and3A_429, %add3A_430, %rem3A_421 : i32
      %mul3A_432 = arith.constant 128 : i32
      %mul3A_433 = arith.muli %select_n3A_375, %mul3A_432 : i32
      %add3A_434 = arith.addi %mul3A_2, %mul3A_433 : i32
      %mul3A_435 = arith.constant 32 : i32
      %mul3A_436 = arith.muli %mul3A_435, %select_n3A_431 : i32
      %run_scoped3A_437 = arith.constant 1 : i32
      "tpu.region"() ({
        %run_scoped3A_646 = tpu.sem_alloc : memref<!tpu.dma_semaphore, #tpu.memory_space<semaphore_mem>>
        %dma_start3A_647 = arith.constant 0 : i32
        %dma_start3A_648 = arith.constant 0 : i32
        %dma_start3A_649 = tpu.memref_slice %arg6[%run_scoped3A_437, %dma_start3A_647, %dma_start3A_648] : memref<4x128x32xf32, #tpu.memory_space<vmem>> -> memref<1x128x32xf32, #tpu.memory_space<vmem>>
        %dma_start3A_650 = tpu.memref_squeeze %dma_start3A_649 : memref<1x128x32xf32, #tpu.memory_space<vmem>> -> memref<128x32xf32, #tpu.memory_space<vmem>>
        %dma_start3A_651 = tpu.memref_slice %arg4[%select_n3A_415, %add3A_434, %mul3A_436] : memref<3x16384x128xf32, #tpu.memory_space<hbm>> -> memref<1x128x32xf32, #tpu.memory_space<hbm>>
        %dma_start3A_652 = tpu.memref_squeeze %dma_start3A_651 : memref<1x128x32xf32, #tpu.memory_space<hbm>> -> memref<128x32xf32, #tpu.memory_space<hbm>>
        %dma_start3A_653 = tpu.memref_slice %arg4[%select_n3A_415, %add3A_434, %mul3A_436] : memref<3x16384x128xf32, #tpu.memory_space<hbm>> -> memref<1x128x32xf32, #tpu.memory_space<hbm>>
        %dma_start3A_654 = tpu.memref_squeeze %dma_start3A_653 : memref<1x128x32xf32, #tpu.memory_space<hbm>> -> memref<128x32xf32, #tpu.memory_space<hbm>>
        %dma_start3A_655 = arith.constant 0 : i32
        %dma_start3A_656 = arith.constant 0 : i32
        %dma_start3A_657 = tpu.memref_slice %arg6[%run_scoped3A_437, %dma_start3A_655, %dma_start3A_656] : memref<4x128x32xf32, #tpu.memory_space<vmem>> -> memref<1x128x32xf32, #tpu.memory_space<vmem>>
        %dma_start3A_658 = tpu.memref_squeeze %dma_start3A_657 : memref<1x128x32xf32, #tpu.memory_space<vmem>> -> memref<128x32xf32, #tpu.memory_space<vmem>>
        tpu.enqueue_dma source(%dma_start3A_658 : memref<128x32xf32, #tpu.memory_space<vmem>>) target(%dma_start3A_654 : memref<128x32xf32, #tpu.memory_space<hbm>>) target_semaphore(%run_scoped3A_646 : memref<!tpu.dma_semaphore, #tpu.memory_space<semaphore_mem>>)
        %dma_wait3A_659 = arith.constant 0 : i32
        %dma_wait3A_660 = arith.constant 0 : i32
        %dma_wait3A_661 = tpu.memref_slice %arg6[%run_scoped3A_437, %dma_wait3A_659, %dma_wait3A_660] : memref<4x128x32xf32, #tpu.memory_space<vmem>> -> memref<1x128x32xf32, #tpu.memory_space<vmem>>
        %dma_wait3A_662 = tpu.memref_squeeze %dma_wait3A_661 : memref<1x128x32xf32, #tpu.memory_space<vmem>> -> memref<128x32xf32, #tpu.memory_space<vmem>>
        %dma_wait3A_663 = tpu.memref_slice %arg4[%select_n3A_415, %add3A_434, %mul3A_436] : memref<3x16384x128xf32, #tpu.memory_space<hbm>> -> memref<1x128x32xf32, #tpu.memory_space<hbm>>
        %dma_wait3A_664 = tpu.memref_squeeze %dma_wait3A_663 : memref<1x128x32xf32, #tpu.memory_space<hbm>> -> memref<128x32xf32, #tpu.memory_space<hbm>>
        %dma_wait3A_665 = tpu.memref_slice %arg4[%select_n3A_415, %add3A_434, %mul3A_436] : memref<3x16384x128xf32, #tpu.memory_space<hbm>> -> memref<1x128x32xf32, #tpu.memory_space<hbm>>
        %dma_wait3A_666 = tpu.memref_squeeze %dma_wait3A_665 : memref<1x128x32xf32, #tpu.memory_space<hbm>> -> memref<128x32xf32, #tpu.memory_space<hbm>>
        %dma_wait3A_667 = arith.constant 0 : i32
        %dma_wait3A_668 = arith.constant 0 : i32
        %dma_wait3A_669 = tpu.memref_slice %arg6[%run_scoped3A_437, %dma_wait3A_667, %dma_wait3A_668] : memref<4x128x32xf32, #tpu.memory_space<vmem>> -> memref<1x128x32xf32, #tpu.memory_space<vmem>>
        %dma_wait3A_670 = tpu.memref_squeeze %dma_wait3A_669 : memref<1x128x32xf32, #tpu.memory_space<vmem>> -> memref<128x32xf32, #tpu.memory_space<vmem>>
        tpu.wait_dma2 semaphore(%run_scoped3A_646 : memref<!tpu.dma_semaphore, #tpu.memory_space<semaphore_mem>>) src(%dma_wait3A_670 : memref<128x32xf32, #tpu.memory_space<vmem>>) dst(%dma_wait3A_666 : memref<128x32xf32, #tpu.memory_space<hbm>>)
        tpu.yield
      }) : () -> ()
      %add3A_438 = arith.constant 2 : i32
      %add3A_439 = arith.addi %mul3A_10, %add3A_438 : i32
      %jit3A_440 = arith.constant 10 : i32
      %eq3A_441 = arith.constant 0 : i32
      %eq3A_442 = arith.cmpi eq, %jit3A_440, %eq3A_441 : i32
      %jit3A_443 = arith.constant 1 : i32
      %select_n3A_444 = arith.select %eq3A_442, %jit3A_443, %jit3A_440 : i32
      %rem3A_445 = arith.remsi %add3A_439, %select_n3A_444 : i32
      %ne3A_446 = arith.constant 0 : i32
      %ne3A_447 = arith.cmpi ne, %rem3A_445, %ne3A_446 : i32
      %lt3A_448 = arith.constant 0 : i32
      %lt3A_449 = arith.cmpi slt, %rem3A_445, %lt3A_448 : i32
      %lt3A_450 = arith.constant 0 : i32
      %lt3A_451 = arith.cmpi slt, %select_n3A_444, %lt3A_450 : i32
      %ne3A_452 = arith.xori %lt3A_449, %lt3A_451 : i1
      %and3A_453 = arith.andi %ne3A_452, %ne3A_447 : i1
      %add3A_454 = arith.addi %rem3A_445, %select_n3A_444 : i32
      %select_n3A_455 = arith.select %and3A_453, %add3A_454, %rem3A_445 : i32
      %jit3A_456 = arith.constant 10 : i32
      %div3A_457 = arith.divsi %add3A_439, %jit3A_456 : i32
      %sign3A_458 = arith.constant 0 : i32
      %sign3A_459 = arith.cmpi sgt, %add3A_439, %sign3A_458 : i32
      %sign3A_460 = arith.extui %sign3A_459 : i1 to i32
      %sign3A_461 = arith.constant 0 : i32
      %sign3A_462 = arith.cmpi slt, %add3A_439, %sign3A_461 : i32
      %sign3A_463 = arith.extui %sign3A_462 : i1 to i32
      %sign3A_464 = arith.subi %sign3A_460, %sign3A_463 : i32
      %sign3A_465 = arith.constant 0 : i32
      %sign3A_466 = arith.cmpi sgt, %jit3A_456, %sign3A_465 : i32
      %sign3A_467 = arith.extui %sign3A_466 : i1 to i32
      %sign3A_468 = arith.constant 0 : i32
      %sign3A_469 = arith.cmpi slt, %jit3A_456, %sign3A_468 : i32
      %sign3A_470 = arith.extui %sign3A_469 : i1 to i32
      %sign3A_471 = arith.subi %sign3A_467, %sign3A_470 : i32
      %ne3A_472 = arith.cmpi ne, %sign3A_464, %sign3A_471 : i32
      %rem3A_473 = arith.remsi %add3A_439, %jit3A_456 : i32
      %ne3A_474 = arith.constant 0 : i32
      %ne3A_475 = arith.cmpi ne, %rem3A_473, %ne3A_474 : i32
      %and3A_476 = arith.andi %ne3A_472, %ne3A_475 : i1
      %sub3A_477 = arith.constant 1 : i32
      %sub3A_478 = arith.subi %div3A_457, %sub3A_477 : i32
      %select_n3A_479 = arith.select %and3A_476, %sub3A_478, %div3A_457 : i32
      %mul3A_480 = arith.constant 128 : i32
      %mul3A_481 = arith.muli %select_n3A_479, %mul3A_480 : i32
      %dma_wait3A_482 = arith.constant 2 : i32
      %dma_wait3A_483 = arith.constant 0 : i32
      %dma_wait3A_484 = arith.constant 0 : i32
      %dma_wait3A_485 = tpu.memref_slice %arg6[%dma_wait3A_482, %dma_wait3A_483, %dma_wait3A_484] : memref<4x128x32xf32, #tpu.memory_space<vmem>> -> memref<1x128x32xf32, #tpu.memory_space<vmem>>
      %dma_wait3A_486 = tpu.memref_squeeze %dma_wait3A_485 : memref<1x128x32xf32, #tpu.memory_space<vmem>> -> memref<128x32xf32, #tpu.memory_space<vmem>>
      %dma_wait3A_487 = tpu.memref_slice %arg5[%select_n3A_455, %mul3A_481] : memref<10x512xi32, #tpu.memory_space<vmem>> -> memref<1x128xi32, #tpu.memory_space<vmem>>
      %dma_wait3A_488 = tpu.memref_squeeze %dma_wait3A_487 : memref<1x128xi32, #tpu.memory_space<vmem>> -> memref<128xi32, #tpu.memory_space<vmem>>
      %dma_wait3A_489 = arith.constant 0 : i32
      %dma_wait3A_490 = arith.constant 0 : i32
      %dma_wait3A_491 = tpu.memref_slice %arg2[%select_n3A_455, %dma_wait3A_489, %dma_wait3A_490] : memref<10x100000x32xf32, #tpu.memory_space<hbm>> -> memref<1x100000x32xf32, #tpu.memory_space<hbm>>
      %dma_wait3A_492 = tpu.memref_squeeze %dma_wait3A_491 : memref<1x100000x32xf32, #tpu.memory_space<hbm>> -> memref<100000x32xf32, #tpu.memory_space<hbm>>
      %dma_wait3A_493 = arith.constant 0 : i32
      %dma_wait3A_494 = arith.constant 0 : i32
      %dma_wait3A_495 = tpu.memref_slice %dma_wait3A_492[%dma_wait3A_493, %dma_wait3A_494] : memref<100000x32xf32, #tpu.memory_space<hbm>> -> memref<100000x32xf32, #tpu.memory_space<hbm>>
      tpu.wait_indirect_dma semaphore(%arg7 : memref<!tpu.dma_semaphore, #tpu.memory_space<semaphore_mem>>) src(%dma_wait3A_495 : memref<100000x32xf32, #tpu.memory_space<hbm>>) dst(%dma_wait3A_486 : memref<128x32xf32, #tpu.memory_space<vmem>>)
      %jit3A_496 = arith.constant 4 : i32
      %div3A_497 = arith.divsi %select_n3A_455, %jit3A_496 : i32
      %sign3A_498 = arith.constant 0 : i32
      %sign3A_499 = arith.cmpi sgt, %select_n3A_455, %sign3A_498 : i32
      %sign3A_500 = arith.extui %sign3A_499 : i1 to i32
      %sign3A_501 = arith.constant 0 : i32
      %sign3A_502 = arith.cmpi slt, %select_n3A_455, %sign3A_501 : i32
      %sign3A_503 = arith.extui %sign3A_502 : i1 to i32
      %sign3A_504 = arith.subi %sign3A_500, %sign3A_503 : i32
      %sign3A_505 = arith.constant 0 : i32
      %sign3A_506 = arith.cmpi sgt, %jit3A_496, %sign3A_505 : i32
      %sign3A_507 = arith.extui %sign3A_506 : i1 to i32
      %sign3A_508 = arith.constant 0 : i32
      %sign3A_509 = arith.cmpi slt, %jit3A_496, %sign3A_508 : i32
      %sign3A_510 = arith.extui %sign3A_509 : i1 to i32
      %sign3A_511 = arith.subi %sign3A_507, %sign3A_510 : i32
      %ne3A_512 = arith.cmpi ne, %sign3A_504, %sign3A_511 : i32
      %rem3A_513 = arith.remsi %select_n3A_455, %jit3A_496 : i32
      %ne3A_514 = arith.constant 0 : i32
      %ne3A_515 = arith.cmpi ne, %rem3A_513, %ne3A_514 : i32
      %and3A_516 = arith.andi %ne3A_512, %ne3A_515 : i1
      %sub3A_517 = arith.constant 1 : i32
      %sub3A_518 = arith.subi %div3A_497, %sub3A_517 : i32
      %select_n3A_519 = arith.select %and3A_516, %sub3A_518, %div3A_497 : i32
      %jit3A_520 = arith.constant 4 : i32
      %eq3A_521 = arith.constant 0 : i32
      %eq3A_522 = arith.cmpi eq, %jit3A_520, %eq3A_521 : i32
      %jit3A_523 = arith.constant 1 : i32
      %select_n3A_524 = arith.select %eq3A_522, %jit3A_523, %jit3A_520 : i32
      %rem3A_525 = arith.remsi %select_n3A_455, %select_n3A_524 : i32
      %ne3A_526 = arith.constant 0 : i32
      %ne3A_527 = arith.cmpi ne, %rem3A_525, %ne3A_526 : i32
      %lt3A_528 = arith.constant 0 : i32
      %lt3A_529 = arith.cmpi slt, %rem3A_525, %lt3A_528 : i32
      %lt3A_530 = arith.constant 0 : i32
      %lt3A_531 = arith.cmpi slt, %select_n3A_524, %lt3A_530 : i32
      %ne3A_532 = arith.xori %lt3A_529, %lt3A_531 : i1
      %and3A_533 = arith.andi %ne3A_532, %ne3A_527 : i1
      %add3A_534 = arith.addi %rem3A_525, %select_n3A_524 : i32
      %select_n3A_535 = arith.select %and3A_533, %add3A_534, %rem3A_525 : i32
      %mul3A_536 = arith.constant 128 : i32
      %mul3A_537 = arith.muli %select_n3A_479, %mul3A_536 : i32
      %add3A_538 = arith.addi %mul3A_2, %mul3A_537 : i32
      %mul3A_539 = arith.constant 32 : i32
      %mul3A_540 = arith.muli %mul3A_539, %select_n3A_535 : i32
      %run_scoped3A_541 = arith.constant 2 : i32
      "tpu.region"() ({
        %run_scoped3A_646 = tpu.sem_alloc : memref<!tpu.dma_semaphore, #tpu.memory_space<semaphore_mem>>
        %dma_start3A_647 = arith.constant 0 : i32
        %dma_start3A_648 = arith.constant 0 : i32
        %dma_start3A_649 = tpu.memref_slice %arg6[%run_scoped3A_541, %dma_start3A_647, %dma_start3A_648] : memref<4x128x32xf32, #tpu.memory_space<vmem>> -> memref<1x128x32xf32, #tpu.memory_space<vmem>>
        %dma_start3A_650 = tpu.memref_squeeze %dma_start3A_649 : memref<1x128x32xf32, #tpu.memory_space<vmem>> -> memref<128x32xf32, #tpu.memory_space<vmem>>
        %dma_start3A_651 = tpu.memref_slice %arg4[%select_n3A_519, %add3A_538, %mul3A_540] : memref<3x16384x128xf32, #tpu.memory_space<hbm>> -> memref<1x128x32xf32, #tpu.memory_space<hbm>>
        %dma_start3A_652 = tpu.memref_squeeze %dma_start3A_651 : memref<1x128x32xf32, #tpu.memory_space<hbm>> -> memref<128x32xf32, #tpu.memory_space<hbm>>
        %dma_start3A_653 = tpu.memref_slice %arg4[%select_n3A_519, %add3A_538, %mul3A_540] : memref<3x16384x128xf32, #tpu.memory_space<hbm>> -> memref<1x128x32xf32, #tpu.memory_space<hbm>>
        %dma_start3A_654 = tpu.memref_squeeze %dma_start3A_653 : memref<1x128x32xf32, #tpu.memory_space<hbm>> -> memref<128x32xf32, #tpu.memory_space<hbm>>
        %dma_start3A_655 = arith.constant 0 : i32
        %dma_start3A_656 = arith.constant 0 : i32
        %dma_start3A_657 = tpu.memref_slice %arg6[%run_scoped3A_541, %dma_start3A_655, %dma_start3A_656] : memref<4x128x32xf32, #tpu.memory_space<vmem>> -> memref<1x128x32xf32, #tpu.memory_space<vmem>>
        %dma_start3A_658 = tpu.memref_squeeze %dma_start3A_657 : memref<1x128x32xf32, #tpu.memory_space<vmem>> -> memref<128x32xf32, #tpu.memory_space<vmem>>
        tpu.enqueue_dma source(%dma_start3A_658 : memref<128x32xf32, #tpu.memory_space<vmem>>) target(%dma_start3A_654 : memref<128x32xf32, #tpu.memory_space<hbm>>) target_semaphore(%run_scoped3A_646 : memref<!tpu.dma_semaphore, #tpu.memory_space<semaphore_mem>>)
        %dma_wait3A_659 = arith.constant 0 : i32
        %dma_wait3A_660 = arith.constant 0 : i32
        %dma_wait3A_661 = tpu.memref_slice %arg6[%run_scoped3A_541, %dma_wait3A_659, %dma_wait3A_660] : memref<4x128x32xf32, #tpu.memory_space<vmem>> -> memref<1x128x32xf32, #tpu.memory_space<vmem>>
        %dma_wait3A_662 = tpu.memref_squeeze %dma_wait3A_661 : memref<1x128x32xf32, #tpu.memory_space<vmem>> -> memref<128x32xf32, #tpu.memory_space<vmem>>
        %dma_wait3A_663 = tpu.memref_slice %arg4[%select_n3A_519, %add3A_538, %mul3A_540] : memref<3x16384x128xf32, #tpu.memory_space<hbm>> -> memref<1x128x32xf32, #tpu.memory_space<hbm>>
        %dma_wait3A_664 = tpu.memref_squeeze %dma_wait3A_663 : memref<1x128x32xf32, #tpu.memory_space<hbm>> -> memref<128x32xf32, #tpu.memory_space<hbm>>
        %dma_wait3A_665 = tpu.memref_slice %arg4[%select_n3A_519, %add3A_538, %mul3A_540] : memref<3x16384x128xf32, #tpu.memory_space<hbm>> -> memref<1x128x32xf32, #tpu.memory_space<hbm>>
        %dma_wait3A_666 = tpu.memref_squeeze %dma_wait3A_665 : memref<1x128x32xf32, #tpu.memory_space<hbm>> -> memref<128x32xf32, #tpu.memory_space<hbm>>
        %dma_wait3A_667 = arith.constant 0 : i32
        %dma_wait3A_668 = arith.constant 0 : i32
        %dma_wait3A_669 = tpu.memref_slice %arg6[%run_scoped3A_541, %dma_wait3A_667, %dma_wait3A_668] : memref<4x128x32xf32, #tpu.memory_space<vmem>> -> memref<1x128x32xf32, #tpu.memory_space<vmem>>
        %dma_wait3A_670 = tpu.memref_squeeze %dma_wait3A_669 : memref<1x128x32xf32, #tpu.memory_space<vmem>> -> memref<128x32xf32, #tpu.memory_space<vmem>>
        tpu.wait_dma2 semaphore(%run_scoped3A_646 : memref<!tpu.dma_semaphore, #tpu.memory_space<semaphore_mem>>) src(%dma_wait3A_670 : memref<128x32xf32, #tpu.memory_space<vmem>>) dst(%dma_wait3A_666 : memref<128x32xf32, #tpu.memory_space<hbm>>)
        tpu.yield
      }) : () -> ()
      %add3A_542 = arith.constant 3 : i32
      %add3A_543 = arith.addi %mul3A_10, %add3A_542 : i32
      %jit3A_544 = arith.constant 10 : i32
      %eq3A_545 = arith.constant 0 : i32
      %eq3A_546 = arith.cmpi eq, %jit3A_544, %eq3A_545 : i32
      %jit3A_547 = arith.constant 1 : i32
      %select_n3A_548 = arith.select %eq3A_546, %jit3A_547, %jit3A_544 : i32
      %rem3A_549 = arith.remsi %add3A_543, %select_n3A_548 : i32
      %ne3A_550 = arith.constant 0 : i32
      %ne3A_551 = arith.cmpi ne, %rem3A_549, %ne3A_550 : i32
      %lt3A_552 = arith.constant 0 : i32
      %lt3A_553 = arith.cmpi slt, %rem3A_549, %lt3A_552 : i32
      %lt3A_554 = arith.constant 0 : i32
      %lt3A_555 = arith.cmpi slt, %select_n3A_548, %lt3A_554 : i32
      %ne3A_556 = arith.xori %lt3A_553, %lt3A_555 : i1
      %and3A_557 = arith.andi %ne3A_556, %ne3A_551 : i1
      %add3A_558 = arith.addi %rem3A_549, %select_n3A_548 : i32
      %select_n3A_559 = arith.select %and3A_557, %add3A_558, %rem3A_549 : i32
      %jit3A_560 = arith.constant 10 : i32
      %div3A_561 = arith.divsi %add3A_543, %jit3A_560 : i32
      %sign3A_562 = arith.constant 0 : i32
      %sign3A_563 = arith.cmpi sgt, %add3A_543, %sign3A_562 : i32
      %sign3A_564 = arith.extui %sign3A_563 : i1 to i32
      %sign3A_565 = arith.constant 0 : i32
      %sign3A_566 = arith.cmpi slt, %add3A_543, %sign3A_565 : i32
      %sign3A_567 = arith.extui %sign3A_566 : i1 to i32
      %sign3A_568 = arith.subi %sign3A_564, %sign3A_567 : i32
      %sign3A_569 = arith.constant 0 : i32
      %sign3A_570 = arith.cmpi sgt, %jit3A_560, %sign3A_569 : i32
      %sign3A_571 = arith.extui %sign3A_570 : i1 to i32
      %sign3A_572 = arith.constant 0 : i32
      %sign3A_573 = arith.cmpi slt, %jit3A_560, %sign3A_572 : i32
      %sign3A_574 = arith.extui %sign3A_573 : i1 to i32
      %sign3A_575 = arith.subi %sign3A_571, %sign3A_574 : i32
      %ne3A_576 = arith.cmpi ne, %sign3A_568, %sign3A_575 : i32
      %rem3A_577 = arith.remsi %add3A_543, %jit3A_560 : i32
      %ne3A_578 = arith.constant 0 : i32
      %ne3A_579 = arith.cmpi ne, %rem3A_577, %ne3A_578 : i32
      %and3A_580 = arith.andi %ne3A_576, %ne3A_579 : i1
      %sub3A_581 = arith.constant 1 : i32
      %sub3A_582 = arith.subi %div3A_561, %sub3A_581 : i32
      %select_n3A_583 = arith.select %and3A_580, %sub3A_582, %div3A_561 : i32
      %mul3A_584 = arith.constant 128 : i32
      %mul3A_585 = arith.muli %select_n3A_583, %mul3A_584 : i32
      %dma_wait3A_586 = arith.constant 3 : i32
      %dma_wait3A_587 = arith.constant 0 : i32
      %dma_wait3A_588 = arith.constant 0 : i32
      %dma_wait3A_589 = tpu.memref_slice %arg6[%dma_wait3A_586, %dma_wait3A_587, %dma_wait3A_588] : memref<4x128x32xf32, #tpu.memory_space<vmem>> -> memref<1x128x32xf32, #tpu.memory_space<vmem>>
      %dma_wait3A_590 = tpu.memref_squeeze %dma_wait3A_589 : memref<1x128x32xf32, #tpu.memory_space<vmem>> -> memref<128x32xf32, #tpu.memory_space<vmem>>
      %dma_wait3A_591 = tpu.memref_slice %arg5[%select_n3A_559, %mul3A_585] : memref<10x512xi32, #tpu.memory_space<vmem>> -> memref<1x128xi32, #tpu.memory_space<vmem>>
      %dma_wait3A_592 = tpu.memref_squeeze %dma_wait3A_591 : memref<1x128xi32, #tpu.memory_space<vmem>> -> memref<128xi32, #tpu.memory_space<vmem>>
      %dma_wait3A_593 = arith.constant 0 : i32
      %dma_wait3A_594 = arith.constant 0 : i32
      %dma_wait3A_595 = tpu.memref_slice %arg2[%select_n3A_559, %dma_wait3A_593, %dma_wait3A_594] : memref<10x100000x32xf32, #tpu.memory_space<hbm>> -> memref<1x100000x32xf32, #tpu.memory_space<hbm>>
      %dma_wait3A_596 = tpu.memref_squeeze %dma_wait3A_595 : memref<1x100000x32xf32, #tpu.memory_space<hbm>> -> memref<100000x32xf32, #tpu.memory_space<hbm>>
      %dma_wait3A_597 = arith.constant 0 : i32
      %dma_wait3A_598 = arith.constant 0 : i32
      %dma_wait3A_599 = tpu.memref_slice %dma_wait3A_596[%dma_wait3A_597, %dma_wait3A_598] : memref<100000x32xf32, #tpu.memory_space<hbm>> -> memref<100000x32xf32, #tpu.memory_space<hbm>>
      tpu.wait_indirect_dma semaphore(%arg7 : memref<!tpu.dma_semaphore, #tpu.memory_space<semaphore_mem>>) src(%dma_wait3A_599 : memref<100000x32xf32, #tpu.memory_space<hbm>>) dst(%dma_wait3A_590 : memref<128x32xf32, #tpu.memory_space<vmem>>)
      %jit3A_600 = arith.constant 4 : i32
      %div3A_601 = arith.divsi %select_n3A_559, %jit3A_600 : i32
      %sign3A_602 = arith.constant 0 : i32
      %sign3A_603 = arith.cmpi sgt, %select_n3A_559, %sign3A_602 : i32
      %sign3A_604 = arith.extui %sign3A_603 : i1 to i32
      %sign3A_605 = arith.constant 0 : i32
      %sign3A_606 = arith.cmpi slt, %select_n3A_559, %sign3A_605 : i32
      %sign3A_607 = arith.extui %sign3A_606 : i1 to i32
      %sign3A_608 = arith.subi %sign3A_604, %sign3A_607 : i32
      %sign3A_609 = arith.constant 0 : i32
      %sign3A_610 = arith.cmpi sgt, %jit3A_600, %sign3A_609 : i32
      %sign3A_611 = arith.extui %sign3A_610 : i1 to i32
      %sign3A_612 = arith.constant 0 : i32
      %sign3A_613 = arith.cmpi slt, %jit3A_600, %sign3A_612 : i32
      %sign3A_614 = arith.extui %sign3A_613 : i1 to i32
      %sign3A_615 = arith.subi %sign3A_611, %sign3A_614 : i32
      %ne3A_616 = arith.cmpi ne, %sign3A_608, %sign3A_615 : i32
      %rem3A_617 = arith.remsi %select_n3A_559, %jit3A_600 : i32
      %ne3A_618 = arith.constant 0 : i32
      %ne3A_619 = arith.cmpi ne, %rem3A_617, %ne3A_618 : i32
      %and3A_620 = arith.andi %ne3A_616, %ne3A_619 : i1
      %sub3A_621 = arith.constant 1 : i32
      %sub3A_622 = arith.subi %div3A_601, %sub3A_621 : i32
      %select_n3A_623 = arith.select %and3A_620, %sub3A_622, %div3A_601 : i32
      %jit3A_624 = arith.constant 4 : i32
      %eq3A_625 = arith.constant 0 : i32
      %eq3A_626 = arith.cmpi eq, %jit3A_624, %eq3A_625 : i32
      %jit3A_627 = arith.constant 1 : i32
      %select_n3A_628 = arith.select %eq3A_626, %jit3A_627, %jit3A_624 : i32
      %rem3A_629 = arith.remsi %select_n3A_559, %select_n3A_628 : i32
      %ne3A_630 = arith.constant 0 : i32
      %ne3A_631 = arith.cmpi ne, %rem3A_629, %ne3A_630 : i32
      %lt3A_632 = arith.constant 0 : i32
      %lt3A_633 = arith.cmpi slt, %rem3A_629, %lt3A_632 : i32
      %lt3A_634 = arith.constant 0 : i32
      %lt3A_635 = arith.cmpi slt, %select_n3A_628, %lt3A_634 : i32
      %ne3A_636 = arith.xori %lt3A_633, %lt3A_635 : i1
      %and3A_637 = arith.andi %ne3A_636, %ne3A_631 : i1
      %add3A_638 = arith.addi %rem3A_629, %select_n3A_628 : i32
      %select_n3A_639 = arith.select %and3A_637, %add3A_638, %rem3A_629 : i32
      %mul3A_640 = arith.constant 128 : i32
      %mul3A_641 = arith.muli %select_n3A_583, %mul3A_640 : i32
      %add3A_642 = arith.addi %mul3A_2, %mul3A_641 : i32
      %mul3A_643 = arith.constant 32 : i32
      %mul3A_644 = arith.muli %mul3A_643, %select_n3A_639 : i32
      %run_scoped3A_645 = arith.constant 3 : i32
      "tpu.region"() ({
        %run_scoped3A_646 = tpu.sem_alloc : memref<!tpu.dma_semaphore, #tpu.memory_space<semaphore_mem>>
        %dma_start3A_647 = arith.constant 0 : i32
        %dma_start3A_648 = arith.constant 0 : i32
        %dma_start3A_649 = tpu.memref_slice %arg6[%run_scoped3A_645, %dma_start3A_647, %dma_start3A_648] : memref<4x128x32xf32, #tpu.memory_space<vmem>> -> memref<1x128x32xf32, #tpu.memory_space<vmem>>
        %dma_start3A_650 = tpu.memref_squeeze %dma_start3A_649 : memref<1x128x32xf32, #tpu.memory_space<vmem>> -> memref<128x32xf32, #tpu.memory_space<vmem>>
        %dma_start3A_651 = tpu.memref_slice %arg4[%select_n3A_623, %add3A_642, %mul3A_644] : memref<3x16384x128xf32, #tpu.memory_space<hbm>> -> memref<1x128x32xf32, #tpu.memory_space<hbm>>
        %dma_start3A_652 = tpu.memref_squeeze %dma_start3A_651 : memref<1x128x32xf32, #tpu.memory_space<hbm>> -> memref<128x32xf32, #tpu.memory_space<hbm>>
        %dma_start3A_653 = tpu.memref_slice %arg4[%select_n3A_623, %add3A_642, %mul3A_644] : memref<3x16384x128xf32, #tpu.memory_space<hbm>> -> memref<1x128x32xf32, #tpu.memory_space<hbm>>
        %dma_start3A_654 = tpu.memref_squeeze %dma_start3A_653 : memref<1x128x32xf32, #tpu.memory_space<hbm>> -> memref<128x32xf32, #tpu.memory_space<hbm>>
        %dma_start3A_655 = arith.constant 0 : i32
        %dma_start3A_656 = arith.constant 0 : i32
        %dma_start3A_657 = tpu.memref_slice %arg6[%run_scoped3A_645, %dma_start3A_655, %dma_start3A_656] : memref<4x128x32xf32, #tpu.memory_space<vmem>> -> memref<1x128x32xf32, #tpu.memory_space<vmem>>
        %dma_start3A_658 = tpu.memref_squeeze %dma_start3A_657 : memref<1x128x32xf32, #tpu.memory_space<vmem>> -> memref<128x32xf32, #tpu.memory_space<vmem>>
        tpu.enqueue_dma source(%dma_start3A_658 : memref<128x32xf32, #tpu.memory_space<vmem>>) target(%dma_start3A_654 : memref<128x32xf32, #tpu.memory_space<hbm>>) target_semaphore(%run_scoped3A_646 : memref<!tpu.dma_semaphore, #tpu.memory_space<semaphore_mem>>)
        %dma_wait3A_659 = arith.constant 0 : i32
        %dma_wait3A_660 = arith.constant 0 : i32
        %dma_wait3A_661 = tpu.memref_slice %arg6[%run_scoped3A_645, %dma_wait3A_659, %dma_wait3A_660] : memref<4x128x32xf32, #tpu.memory_space<vmem>> -> memref<1x128x32xf32, #tpu.memory_space<vmem>>
        %dma_wait3A_662 = tpu.memref_squeeze %dma_wait3A_661 : memref<1x128x32xf32, #tpu.memory_space<vmem>> -> memref<128x32xf32, #tpu.memory_space<vmem>>
        %dma_wait3A_663 = tpu.memref_slice %arg4[%select_n3A_623, %add3A_642, %mul3A_644] : memref<3x16384x128xf32, #tpu.memory_space<hbm>> -> memref<1x128x32xf32, #tpu.memory_space<hbm>>
        %dma_wait3A_664 = tpu.memref_squeeze %dma_wait3A_663 : memref<1x128x32xf32, #tpu.memory_space<hbm>> -> memref<128x32xf32, #tpu.memory_space<hbm>>
        %dma_wait3A_665 = tpu.memref_slice %arg4[%select_n3A_623, %add3A_642, %mul3A_644] : memref<3x16384x128xf32, #tpu.memory_space<hbm>> -> memref<1x128x32xf32, #tpu.memory_space<hbm>>
        %dma_wait3A_666 = tpu.memref_squeeze %dma_wait3A_665 : memref<1x128x32xf32, #tpu.memory_space<hbm>> -> memref<128x32xf32, #tpu.memory_space<hbm>>
        %dma_wait3A_667 = arith.constant 0 : i32
        %dma_wait3A_668 = arith.constant 0 : i32
        %dma_wait3A_669 = tpu.memref_slice %arg6[%run_scoped3A_645, %dma_wait3A_667, %dma_wait3A_668] : memref<4x128x32xf32, #tpu.memory_space<vmem>> -> memref<1x128x32xf32, #tpu.memory_space<vmem>>
        %dma_wait3A_670 = tpu.memref_squeeze %dma_wait3A_669 : memref<1x128x32xf32, #tpu.memory_space<vmem>> -> memref<128x32xf32, #tpu.memory_space<vmem>>
        tpu.wait_dma2 semaphore(%run_scoped3A_646 : memref<!tpu.dma_semaphore, #tpu.memory_space<semaphore_mem>>) src(%dma_wait3A_670 : memref<128x32xf32, #tpu.memory_space<vmem>>) dst(%dma_wait3A_666 : memref<128x32xf32, #tpu.memory_space<hbm>>)
        tpu.yield
      }) : () -> ()
    }
    %scan3A_7 = arith.constant 10 : i32
    return
  }
}

#map = affine_map<(d0, d1) -> (0, 0, 0)>
#map1 = affine_map<(d0, d1) -> (0, 0)>
module attributes {stable_mosaic.version = 14 : i64} {
  func.func @body(%arg0: i32, %arg1: i32, %arg2: memref<16x100000x32xf32, #tpu.memory_space<hbm>>, %arg3: memref<16x16384xi32, #tpu.memory_space<hbm>>, %arg4: memref<4x16384x128xf32, #tpu.memory_space<hbm>>, %arg5: memref<16x512xi32, #tpu.memory_space<vmem>>, %arg6: memref<4x128x32xf32, #tpu.memory_space<vmem>>, %arg7: memref<!tpu.dma_semaphore, #tpu.memory_space<semaphore_mem>>) attributes {dimension_semantics = [#tpu.dimension_semantics<core_parallel>, #tpu.dimension_semantics<subcore_parallel>], iteration_bounds = array<i64: 2, 16>, scalar_prefetch = 0 : i64, scratch_operands = 3 : i64, tpu.core_type = #tpu.core_type<sc_vector_subcore>, window_params = [{transform_indices = #map}, {transform_indices = #map1}, {transform_indices = #map}]} {
    %mul3A = arith.constant 2 : i32
    %mul3A_0 = arith.muli %arg1, %mul3A : i32
    %add3A = arith.addi %mul3A_0, %arg0 : i32
    %mul3A_1 = arith.constant 512 : i32
    %mul3A_2 = arith.muli %add3A, %mul3A_1 : i32
    "tpu.region"() ({
      %run_scoped3A = tpu.sem_alloc : memref<!tpu.dma_semaphore, #tpu.memory_space<semaphore_mem>>
      %dma_start3A = arith.constant 0 : i32
      %dma_start3A_8 = tpu.memref_slice %arg3[%dma_start3A, %mul3A_2] : memref<16x16384xi32, #tpu.memory_space<hbm>> -> memref<16x512xi32, #tpu.memory_space<hbm>>
      %dma_start3A_9 = arith.constant 0 : i32
      %dma_start3A_10 = tpu.memref_slice %arg3[%dma_start3A_9, %mul3A_2] : memref<16x16384xi32, #tpu.memory_space<hbm>> -> memref<16x512xi32, #tpu.memory_space<hbm>>
      tpu.enqueue_dma source(%dma_start3A_10 : memref<16x512xi32, #tpu.memory_space<hbm>>) target(%arg5 : memref<16x512xi32, #tpu.memory_space<vmem>>) target_semaphore(%run_scoped3A : memref<!tpu.dma_semaphore, #tpu.memory_space<semaphore_mem>>)
      %dma_wait3A = arith.constant 0 : i32
      %dma_wait3A_11 = tpu.memref_slice %arg3[%dma_wait3A, %mul3A_2] : memref<16x16384xi32, #tpu.memory_space<hbm>> -> memref<16x512xi32, #tpu.memory_space<hbm>>
      %dma_wait3A_12 = arith.constant 0 : i32
      %dma_wait3A_13 = tpu.memref_slice %arg3[%dma_wait3A_12, %mul3A_2] : memref<16x16384xi32, #tpu.memory_space<hbm>> -> memref<16x512xi32, #tpu.memory_space<hbm>>
      tpu.wait_dma2 semaphore(%run_scoped3A : memref<!tpu.dma_semaphore, #tpu.memory_space<semaphore_mem>>) src(%dma_wait3A_13 : memref<16x512xi32, #tpu.memory_space<hbm>>) dst(%arg5 : memref<16x512xi32, #tpu.memory_space<vmem>>)
      tpu.yield
    }) : () -> ()
    %scan3A = arith.constant 0 : i32
    %scan3A_3 = arith.constant 0 : i32
    %scan3A_4 = arith.constant 16 : i32
    %scan3A_5 = arith.addi %scan3A_3, %scan3A_4 : i32
    %scan3A_6 = arith.constant 1 : i32
    scf.for %scan3A_8 = %scan3A_3 to %scan3A_5 step %scan3A_6  : i32 {
      %mul3A_9 = arith.constant 4 : i32
      %mul3A_10 = arith.muli %scan3A_8, %mul3A_9 : i32
      %add3A_11 = arith.constant 0 : i32
      %add3A_12 = arith.addi %mul3A_10, %add3A_11 : i32
      %jit3A = arith.constant 16 : i32
      %eq3A = arith.constant 0 : i32
      %eq3A_13 = arith.cmpi eq, %jit3A, %eq3A : i32
      %jit3A_14 = arith.constant 1 : i32
      %select_n3A = arith.select %eq3A_13, %jit3A_14, %jit3A : i32
      %rem3A = arith.remsi %add3A_12, %select_n3A : i32
      %ne3A = arith.constant 0 : i32
      %ne3A_15 = arith.cmpi ne, %rem3A, %ne3A : i32
      %lt3A = arith.constant 0 : i32
      %lt3A_16 = arith.cmpi slt, %rem3A, %lt3A : i32
      %lt3A_17 = arith.constant 0 : i32
      %lt3A_18 = arith.cmpi slt, %select_n3A, %lt3A_17 : i32
      %ne3A_19 = arith.xori %lt3A_16, %lt3A_18 : i1
      %and3A = arith.andi %ne3A_19, %ne3A_15 : i1
      %add3A_20 = arith.addi %rem3A, %select_n3A : i32
      %select_n3A_21 = arith.select %and3A, %add3A_20, %rem3A : i32
      %jit3A_22 = arith.constant 16 : i32
      %div3A = arith.divsi %add3A_12, %jit3A_22 : i32
      %sign3A = arith.constant 0 : i32
      %sign3A_23 = arith.cmpi sgt, %add3A_12, %sign3A : i32
      %sign3A_24 = arith.extui %sign3A_23 : i1 to i32
      %sign3A_25 = arith.constant 0 : i32
      %sign3A_26 = arith.cmpi slt, %add3A_12, %sign3A_25 : i32
      %sign3A_27 = arith.extui %sign3A_26 : i1 to i32
      %sign3A_28 = arith.subi %sign3A_24, %sign3A_27 : i32
      %sign3A_29 = arith.constant 0 : i32
      %sign3A_30 = arith.cmpi sgt, %jit3A_22, %sign3A_29 : i32
      %sign3A_31 = arith.extui %sign3A_30 : i1 to i32
      %sign3A_32 = arith.constant 0 : i32
      %sign3A_33 = arith.cmpi slt, %jit3A_22, %sign3A_32 : i32
      %sign3A_34 = arith.extui %sign3A_33 : i1 to i32
      %sign3A_35 = arith.subi %sign3A_31, %sign3A_34 : i32
      %ne3A_36 = arith.cmpi ne, %sign3A_28, %sign3A_35 : i32
      %rem3A_37 = arith.remsi %add3A_12, %jit3A_22 : i32
      %ne3A_38 = arith.constant 0 : i32
      %ne3A_39 = arith.cmpi ne, %rem3A_37, %ne3A_38 : i32
      %and3A_40 = arith.andi %ne3A_36, %ne3A_39 : i1
      %sub3A = arith.constant 1 : i32
      %sub3A_41 = arith.subi %div3A, %sub3A : i32
      %select_n3A_42 = arith.select %and3A_40, %sub3A_41, %div3A : i32
      %mul3A_43 = arith.constant 128 : i32
      %mul3A_44 = arith.muli %select_n3A_42, %mul3A_43 : i32
      %dma_start3A = arith.constant 0 : i32
      %dma_start3A_45 = arith.constant 0 : i32
      %dma_start3A_46 = arith.constant 0 : i32
      %dma_start3A_47 = tpu.memref_slice %arg6[%dma_start3A, %dma_start3A_45, %dma_start3A_46] : memref<4x128x32xf32, #tpu.memory_space<vmem>> -> memref<1x128x32xf32, #tpu.memory_space<vmem>>
      %dma_start3A_48 = tpu.memref_squeeze %dma_start3A_47 : memref<1x128x32xf32, #tpu.memory_space<vmem>> -> memref<128x32xf32, #tpu.memory_space<vmem>>
      %dma_start3A_49 = tpu.memref_slice %arg5[%select_n3A_21, %mul3A_44] : memref<16x512xi32, #tpu.memory_space<vmem>> -> memref<1x128xi32, #tpu.memory_space<vmem>>
      %dma_start3A_50 = tpu.memref_squeeze %dma_start3A_49 : memref<1x128xi32, #tpu.memory_space<vmem>> -> memref<128xi32, #tpu.memory_space<vmem>>
      %dma_start3A_51 = arith.constant 0 : i32
      %dma_start3A_52 = arith.constant 0 : i32
      %dma_start3A_53 = tpu.memref_slice %arg2[%select_n3A_21, %dma_start3A_51, %dma_start3A_52] : memref<16x100000x32xf32, #tpu.memory_space<hbm>> -> memref<1x100000x32xf32, #tpu.memory_space<hbm>>
      %dma_start3A_54 = tpu.memref_squeeze %dma_start3A_53 : memref<1x100000x32xf32, #tpu.memory_space<hbm>> -> memref<100000x32xf32, #tpu.memory_space<hbm>>
      %dma_start3A_55 = arith.constant 0 : i32
      %dma_start3A_56 = arith.constant 0 : i32
      %dma_start3A_57 = tpu.memref_slice %dma_start3A_54[%dma_start3A_55, %dma_start3A_56] : memref<100000x32xf32, #tpu.memory_space<hbm>> -> memref<100000x32xf32, #tpu.memory_space<hbm>>
      tpu.enqueue_indirect_dma source(%dma_start3A_57 : memref<100000x32xf32, #tpu.memory_space<hbm>>) target(%dma_start3A_48 : memref<128x32xf32, #tpu.memory_space<vmem>>) offsets(%dma_start3A_50 : memref<128xi32, #tpu.memory_space<vmem>>) semaphore(%arg7 : memref<!tpu.dma_semaphore, #tpu.memory_space<semaphore_mem>>)
      %add3A_58 = arith.constant 1 : i32
      %add3A_59 = arith.addi %mul3A_10, %add3A_58 : i32
      %jit3A_60 = arith.constant 16 : i32
      %eq3A_61 = arith.constant 0 : i32
      %eq3A_62 = arith.cmpi eq, %jit3A_60, %eq3A_61 : i32
      %jit3A_63 = arith.constant 1 : i32
      %select_n3A_64 = arith.select %eq3A_62, %jit3A_63, %jit3A_60 : i32
      %rem3A_65 = arith.remsi %add3A_59, %select_n3A_64 : i32
      %ne3A_66 = arith.constant 0 : i32
      %ne3A_67 = arith.cmpi ne, %rem3A_65, %ne3A_66 : i32
      %lt3A_68 = arith.constant 0 : i32
      %lt3A_69 = arith.cmpi slt, %rem3A_65, %lt3A_68 : i32
      %lt3A_70 = arith.constant 0 : i32
      %lt3A_71 = arith.cmpi slt, %select_n3A_64, %lt3A_70 : i32
      %ne3A_72 = arith.xori %lt3A_69, %lt3A_71 : i1
      %and3A_73 = arith.andi %ne3A_72, %ne3A_67 : i1
      %add3A_74 = arith.addi %rem3A_65, %select_n3A_64 : i32
      %select_n3A_75 = arith.select %and3A_73, %add3A_74, %rem3A_65 : i32
      %jit3A_76 = arith.constant 16 : i32
      %div3A_77 = arith.divsi %add3A_59, %jit3A_76 : i32
      %sign3A_78 = arith.constant 0 : i32
      %sign3A_79 = arith.cmpi sgt, %add3A_59, %sign3A_78 : i32
      %sign3A_80 = arith.extui %sign3A_79 : i1 to i32
      %sign3A_81 = arith.constant 0 : i32
      %sign3A_82 = arith.cmpi slt, %add3A_59, %sign3A_81 : i32
      %sign3A_83 = arith.extui %sign3A_82 : i1 to i32
      %sign3A_84 = arith.subi %sign3A_80, %sign3A_83 : i32
      %sign3A_85 = arith.constant 0 : i32
      %sign3A_86 = arith.cmpi sgt, %jit3A_76, %sign3A_85 : i32
      %sign3A_87 = arith.extui %sign3A_86 : i1 to i32
      %sign3A_88 = arith.constant 0 : i32
      %sign3A_89 = arith.cmpi slt, %jit3A_76, %sign3A_88 : i32
      %sign3A_90 = arith.extui %sign3A_89 : i1 to i32
      %sign3A_91 = arith.subi %sign3A_87, %sign3A_90 : i32
      %ne3A_92 = arith.cmpi ne, %sign3A_84, %sign3A_91 : i32
      %rem3A_93 = arith.remsi %add3A_59, %jit3A_76 : i32
      %ne3A_94 = arith.constant 0 : i32
      %ne3A_95 = arith.cmpi ne, %rem3A_93, %ne3A_94 : i32
      %and3A_96 = arith.andi %ne3A_92, %ne3A_95 : i1
      %sub3A_97 = arith.constant 1 : i32
      %sub3A_98 = arith.subi %div3A_77, %sub3A_97 : i32
      %select_n3A_99 = arith.select %and3A_96, %sub3A_98, %div3A_77 : i32
      %mul3A_100 = arith.constant 128 : i32
      %mul3A_101 = arith.muli %select_n3A_99, %mul3A_100 : i32
      %dma_start3A_102 = arith.constant 1 : i32
      %dma_start3A_103 = arith.constant 0 : i32
      %dma_start3A_104 = arith.constant 0 : i32
      %dma_start3A_105 = tpu.memref_slice %arg6[%dma_start3A_102, %dma_start3A_103, %dma_start3A_104] : memref<4x128x32xf32, #tpu.memory_space<vmem>> -> memref<1x128x32xf32, #tpu.memory_space<vmem>>
      %dma_start3A_106 = tpu.memref_squeeze %dma_start3A_105 : memref<1x128x32xf32, #tpu.memory_space<vmem>> -> memref<128x32xf32, #tpu.memory_space<vmem>>
      %dma_start3A_107 = tpu.memref_slice %arg5[%select_n3A_75, %mul3A_101] : memref<16x512xi32, #tpu.memory_space<vmem>> -> memref<1x128xi32, #tpu.memory_space<vmem>>
      %dma_start3A_108 = tpu.memref_squeeze %dma_start3A_107 : memref<1x128xi32, #tpu.memory_space<vmem>> -> memref<128xi32, #tpu.memory_space<vmem>>
      %dma_start3A_109 = arith.constant 0 : i32
      %dma_start3A_110 = arith.constant 0 : i32
      %dma_start3A_111 = tpu.memref_slice %arg2[%select_n3A_75, %dma_start3A_109, %dma_start3A_110] : memref<16x100000x32xf32, #tpu.memory_space<hbm>> -> memref<1x100000x32xf32, #tpu.memory_space<hbm>>
      %dma_start3A_112 = tpu.memref_squeeze %dma_start3A_111 : memref<1x100000x32xf32, #tpu.memory_space<hbm>> -> memref<100000x32xf32, #tpu.memory_space<hbm>>
      %dma_start3A_113 = arith.constant 0 : i32
      %dma_start3A_114 = arith.constant 0 : i32
      %dma_start3A_115 = tpu.memref_slice %dma_start3A_112[%dma_start3A_113, %dma_start3A_114] : memref<100000x32xf32, #tpu.memory_space<hbm>> -> memref<100000x32xf32, #tpu.memory_space<hbm>>
      tpu.enqueue_indirect_dma source(%dma_start3A_115 : memref<100000x32xf32, #tpu.memory_space<hbm>>) target(%dma_start3A_106 : memref<128x32xf32, #tpu.memory_space<vmem>>) offsets(%dma_start3A_108 : memref<128xi32, #tpu.memory_space<vmem>>) semaphore(%arg7 : memref<!tpu.dma_semaphore, #tpu.memory_space<semaphore_mem>>)
      %add3A_116 = arith.constant 2 : i32
      %add3A_117 = arith.addi %mul3A_10, %add3A_116 : i32
      %jit3A_118 = arith.constant 16 : i32
      %eq3A_119 = arith.constant 0 : i32
      %eq3A_120 = arith.cmpi eq, %jit3A_118, %eq3A_119 : i32
      %jit3A_121 = arith.constant 1 : i32
      %select_n3A_122 = arith.select %eq3A_120, %jit3A_121, %jit3A_118 : i32
      %rem3A_123 = arith.remsi %add3A_117, %select_n3A_122 : i32
      %ne3A_124 = arith.constant 0 : i32
      %ne3A_125 = arith.cmpi ne, %rem3A_123, %ne3A_124 : i32
      %lt3A_126 = arith.constant 0 : i32
      %lt3A_127 = arith.cmpi slt, %rem3A_123, %lt3A_126 : i32
      %lt3A_128 = arith.constant 0 : i32
      %lt3A_129 = arith.cmpi slt, %select_n3A_122, %lt3A_128 : i32
      %ne3A_130 = arith.xori %lt3A_127, %lt3A_129 : i1
      %and3A_131 = arith.andi %ne3A_130, %ne3A_125 : i1
      %add3A_132 = arith.addi %rem3A_123, %select_n3A_122 : i32
      %select_n3A_133 = arith.select %and3A_131, %add3A_132, %rem3A_123 : i32
      %jit3A_134 = arith.constant 16 : i32
      %div3A_135 = arith.divsi %add3A_117, %jit3A_134 : i32
      %sign3A_136 = arith.constant 0 : i32
      %sign3A_137 = arith.cmpi sgt, %add3A_117, %sign3A_136 : i32
      %sign3A_138 = arith.extui %sign3A_137 : i1 to i32
      %sign3A_139 = arith.constant 0 : i32
      %sign3A_140 = arith.cmpi slt, %add3A_117, %sign3A_139 : i32
      %sign3A_141 = arith.extui %sign3A_140 : i1 to i32
      %sign3A_142 = arith.subi %sign3A_138, %sign3A_141 : i32
      %sign3A_143 = arith.constant 0 : i32
      %sign3A_144 = arith.cmpi sgt, %jit3A_134, %sign3A_143 : i32
      %sign3A_145 = arith.extui %sign3A_144 : i1 to i32
      %sign3A_146 = arith.constant 0 : i32
      %sign3A_147 = arith.cmpi slt, %jit3A_134, %sign3A_146 : i32
      %sign3A_148 = arith.extui %sign3A_147 : i1 to i32
      %sign3A_149 = arith.subi %sign3A_145, %sign3A_148 : i32
      %ne3A_150 = arith.cmpi ne, %sign3A_142, %sign3A_149 : i32
      %rem3A_151 = arith.remsi %add3A_117, %jit3A_134 : i32
      %ne3A_152 = arith.constant 0 : i32
      %ne3A_153 = arith.cmpi ne, %rem3A_151, %ne3A_152 : i32
      %and3A_154 = arith.andi %ne3A_150, %ne3A_153 : i1
      %sub3A_155 = arith.constant 1 : i32
      %sub3A_156 = arith.subi %div3A_135, %sub3A_155 : i32
      %select_n3A_157 = arith.select %and3A_154, %sub3A_156, %div3A_135 : i32
      %mul3A_158 = arith.constant 128 : i32
      %mul3A_159 = arith.muli %select_n3A_157, %mul3A_158 : i32
      %dma_start3A_160 = arith.constant 2 : i32
      %dma_start3A_161 = arith.constant 0 : i32
      %dma_start3A_162 = arith.constant 0 : i32
      %dma_start3A_163 = tpu.memref_slice %arg6[%dma_start3A_160, %dma_start3A_161, %dma_start3A_162] : memref<4x128x32xf32, #tpu.memory_space<vmem>> -> memref<1x128x32xf32, #tpu.memory_space<vmem>>
      %dma_start3A_164 = tpu.memref_squeeze %dma_start3A_163 : memref<1x128x32xf32, #tpu.memory_space<vmem>> -> memref<128x32xf32, #tpu.memory_space<vmem>>
      %dma_start3A_165 = tpu.memref_slice %arg5[%select_n3A_133, %mul3A_159] : memref<16x512xi32, #tpu.memory_space<vmem>> -> memref<1x128xi32, #tpu.memory_space<vmem>>
      %dma_start3A_166 = tpu.memref_squeeze %dma_start3A_165 : memref<1x128xi32, #tpu.memory_space<vmem>> -> memref<128xi32, #tpu.memory_space<vmem>>
      %dma_start3A_167 = arith.constant 0 : i32
      %dma_start3A_168 = arith.constant 0 : i32
      %dma_start3A_169 = tpu.memref_slice %arg2[%select_n3A_133, %dma_start3A_167, %dma_start3A_168] : memref<16x100000x32xf32, #tpu.memory_space<hbm>> -> memref<1x100000x32xf32, #tpu.memory_space<hbm>>
      %dma_start3A_170 = tpu.memref_squeeze %dma_start3A_169 : memref<1x100000x32xf32, #tpu.memory_space<hbm>> -> memref<100000x32xf32, #tpu.memory_space<hbm>>
      %dma_start3A_171 = arith.constant 0 : i32
      %dma_start3A_172 = arith.constant 0 : i32
      %dma_start3A_173 = tpu.memref_slice %dma_start3A_170[%dma_start3A_171, %dma_start3A_172] : memref<100000x32xf32, #tpu.memory_space<hbm>> -> memref<100000x32xf32, #tpu.memory_space<hbm>>
      tpu.enqueue_indirect_dma source(%dma_start3A_173 : memref<100000x32xf32, #tpu.memory_space<hbm>>) target(%dma_start3A_164 : memref<128x32xf32, #tpu.memory_space<vmem>>) offsets(%dma_start3A_166 : memref<128xi32, #tpu.memory_space<vmem>>) semaphore(%arg7 : memref<!tpu.dma_semaphore, #tpu.memory_space<semaphore_mem>>)
      %add3A_174 = arith.constant 3 : i32
      %add3A_175 = arith.addi %mul3A_10, %add3A_174 : i32
      %jit3A_176 = arith.constant 16 : i32
      %eq3A_177 = arith.constant 0 : i32
      %eq3A_178 = arith.cmpi eq, %jit3A_176, %eq3A_177 : i32
      %jit3A_179 = arith.constant 1 : i32
      %select_n3A_180 = arith.select %eq3A_178, %jit3A_179, %jit3A_176 : i32
      %rem3A_181 = arith.remsi %add3A_175, %select_n3A_180 : i32
      %ne3A_182 = arith.constant 0 : i32
      %ne3A_183 = arith.cmpi ne, %rem3A_181, %ne3A_182 : i32
      %lt3A_184 = arith.constant 0 : i32
      %lt3A_185 = arith.cmpi slt, %rem3A_181, %lt3A_184 : i32
      %lt3A_186 = arith.constant 0 : i32
      %lt3A_187 = arith.cmpi slt, %select_n3A_180, %lt3A_186 : i32
      %ne3A_188 = arith.xori %lt3A_185, %lt3A_187 : i1
      %and3A_189 = arith.andi %ne3A_188, %ne3A_183 : i1
      %add3A_190 = arith.addi %rem3A_181, %select_n3A_180 : i32
      %select_n3A_191 = arith.select %and3A_189, %add3A_190, %rem3A_181 : i32
      %jit3A_192 = arith.constant 16 : i32
      %div3A_193 = arith.divsi %add3A_175, %jit3A_192 : i32
      %sign3A_194 = arith.constant 0 : i32
      %sign3A_195 = arith.cmpi sgt, %add3A_175, %sign3A_194 : i32
      %sign3A_196 = arith.extui %sign3A_195 : i1 to i32
      %sign3A_197 = arith.constant 0 : i32
      %sign3A_198 = arith.cmpi slt, %add3A_175, %sign3A_197 : i32
      %sign3A_199 = arith.extui %sign3A_198 : i1 to i32
      %sign3A_200 = arith.subi %sign3A_196, %sign3A_199 : i32
      %sign3A_201 = arith.constant 0 : i32
      %sign3A_202 = arith.cmpi sgt, %jit3A_192, %sign3A_201 : i32
      %sign3A_203 = arith.extui %sign3A_202 : i1 to i32
      %sign3A_204 = arith.constant 0 : i32
      %sign3A_205 = arith.cmpi slt, %jit3A_192, %sign3A_204 : i32
      %sign3A_206 = arith.extui %sign3A_205 : i1 to i32
      %sign3A_207 = arith.subi %sign3A_203, %sign3A_206 : i32
      %ne3A_208 = arith.cmpi ne, %sign3A_200, %sign3A_207 : i32
      %rem3A_209 = arith.remsi %add3A_175, %jit3A_192 : i32
      %ne3A_210 = arith.constant 0 : i32
      %ne3A_211 = arith.cmpi ne, %rem3A_209, %ne3A_210 : i32
      %and3A_212 = arith.andi %ne3A_208, %ne3A_211 : i1
      %sub3A_213 = arith.constant 1 : i32
      %sub3A_214 = arith.subi %div3A_193, %sub3A_213 : i32
      %select_n3A_215 = arith.select %and3A_212, %sub3A_214, %div3A_193 : i32
      %mul3A_216 = arith.constant 128 : i32
      %mul3A_217 = arith.muli %select_n3A_215, %mul3A_216 : i32
      %dma_start3A_218 = arith.constant 3 : i32
      %dma_start3A_219 = arith.constant 0 : i32
      %dma_start3A_220 = arith.constant 0 : i32
      %dma_start3A_221 = tpu.memref_slice %arg6[%dma_start3A_218, %dma_start3A_219, %dma_start3A_220] : memref<4x128x32xf32, #tpu.memory_space<vmem>> -> memref<1x128x32xf32, #tpu.memory_space<vmem>>
      %dma_start3A_222 = tpu.memref_squeeze %dma_start3A_221 : memref<1x128x32xf32, #tpu.memory_space<vmem>> -> memref<128x32xf32, #tpu.memory_space<vmem>>
      %dma_start3A_223 = tpu.memref_slice %arg5[%select_n3A_191, %mul3A_217] : memref<16x512xi32, #tpu.memory_space<vmem>> -> memref<1x128xi32, #tpu.memory_space<vmem>>
      %dma_start3A_224 = tpu.memref_squeeze %dma_start3A_223 : memref<1x128xi32, #tpu.memory_space<vmem>> -> memref<128xi32, #tpu.memory_space<vmem>>
      %dma_start3A_225 = arith.constant 0 : i32
      %dma_start3A_226 = arith.constant 0 : i32
      %dma_start3A_227 = tpu.memref_slice %arg2[%select_n3A_191, %dma_start3A_225, %dma_start3A_226] : memref<16x100000x32xf32, #tpu.memory_space<hbm>> -> memref<1x100000x32xf32, #tpu.memory_space<hbm>>
      %dma_start3A_228 = tpu.memref_squeeze %dma_start3A_227 : memref<1x100000x32xf32, #tpu.memory_space<hbm>> -> memref<100000x32xf32, #tpu.memory_space<hbm>>
      %dma_start3A_229 = arith.constant 0 : i32
      %dma_start3A_230 = arith.constant 0 : i32
      %dma_start3A_231 = tpu.memref_slice %dma_start3A_228[%dma_start3A_229, %dma_start3A_230] : memref<100000x32xf32, #tpu.memory_space<hbm>> -> memref<100000x32xf32, #tpu.memory_space<hbm>>
      tpu.enqueue_indirect_dma source(%dma_start3A_231 : memref<100000x32xf32, #tpu.memory_space<hbm>>) target(%dma_start3A_222 : memref<128x32xf32, #tpu.memory_space<vmem>>) offsets(%dma_start3A_224 : memref<128xi32, #tpu.memory_space<vmem>>) semaphore(%arg7 : memref<!tpu.dma_semaphore, #tpu.memory_space<semaphore_mem>>)
      %add3A_232 = arith.constant 0 : i32
      %add3A_233 = arith.addi %mul3A_10, %add3A_232 : i32
      %jit3A_234 = arith.constant 16 : i32
      %eq3A_235 = arith.constant 0 : i32
      %eq3A_236 = arith.cmpi eq, %jit3A_234, %eq3A_235 : i32
      %jit3A_237 = arith.constant 1 : i32
      %select_n3A_238 = arith.select %eq3A_236, %jit3A_237, %jit3A_234 : i32
      %rem3A_239 = arith.remsi %add3A_233, %select_n3A_238 : i32
      %ne3A_240 = arith.constant 0 : i32
      %ne3A_241 = arith.cmpi ne, %rem3A_239, %ne3A_240 : i32
      %lt3A_242 = arith.constant 0 : i32
      %lt3A_243 = arith.cmpi slt, %rem3A_239, %lt3A_242 : i32
      %lt3A_244 = arith.constant 0 : i32
      %lt3A_245 = arith.cmpi slt, %select_n3A_238, %lt3A_244 : i32
      %ne3A_246 = arith.xori %lt3A_243, %lt3A_245 : i1
      %and3A_247 = arith.andi %ne3A_246, %ne3A_241 : i1
      %add3A_248 = arith.addi %rem3A_239, %select_n3A_238 : i32
      %select_n3A_249 = arith.select %and3A_247, %add3A_248, %rem3A_239 : i32
      %jit3A_250 = arith.constant 16 : i32
      %div3A_251 = arith.divsi %add3A_233, %jit3A_250 : i32
      %sign3A_252 = arith.constant 0 : i32
      %sign3A_253 = arith.cmpi sgt, %add3A_233, %sign3A_252 : i32
      %sign3A_254 = arith.extui %sign3A_253 : i1 to i32
      %sign3A_255 = arith.constant 0 : i32
      %sign3A_256 = arith.cmpi slt, %add3A_233, %sign3A_255 : i32
      %sign3A_257 = arith.extui %sign3A_256 : i1 to i32
      %sign3A_258 = arith.subi %sign3A_254, %sign3A_257 : i32
      %sign3A_259 = arith.constant 0 : i32
      %sign3A_260 = arith.cmpi sgt, %jit3A_250, %sign3A_259 : i32
      %sign3A_261 = arith.extui %sign3A_260 : i1 to i32
      %sign3A_262 = arith.constant 0 : i32
      %sign3A_263 = arith.cmpi slt, %jit3A_250, %sign3A_262 : i32
      %sign3A_264 = arith.extui %sign3A_263 : i1 to i32
      %sign3A_265 = arith.subi %sign3A_261, %sign3A_264 : i32
      %ne3A_266 = arith.cmpi ne, %sign3A_258, %sign3A_265 : i32
      %rem3A_267 = arith.remsi %add3A_233, %jit3A_250 : i32
      %ne3A_268 = arith.constant 0 : i32
      %ne3A_269 = arith.cmpi ne, %rem3A_267, %ne3A_268 : i32
      %and3A_270 = arith.andi %ne3A_266, %ne3A_269 : i1
      %sub3A_271 = arith.constant 1 : i32
      %sub3A_272 = arith.subi %div3A_251, %sub3A_271 : i32
      %select_n3A_273 = arith.select %and3A_270, %sub3A_272, %div3A_251 : i32
      %mul3A_274 = arith.constant 128 : i32
      %mul3A_275 = arith.muli %select_n3A_273, %mul3A_274 : i32
      %dma_wait3A = arith.constant 0 : i32
      %dma_wait3A_276 = arith.constant 0 : i32
      %dma_wait3A_277 = arith.constant 0 : i32
      %dma_wait3A_278 = tpu.memref_slice %arg6[%dma_wait3A, %dma_wait3A_276, %dma_wait3A_277] : memref<4x128x32xf32, #tpu.memory_space<vmem>> -> memref<1x128x32xf32, #tpu.memory_space<vmem>>
      %dma_wait3A_279 = tpu.memref_squeeze %dma_wait3A_278 : memref<1x128x32xf32, #tpu.memory_space<vmem>> -> memref<128x32xf32, #tpu.memory_space<vmem>>
      %dma_wait3A_280 = tpu.memref_slice %arg5[%select_n3A_249, %mul3A_275] : memref<16x512xi32, #tpu.memory_space<vmem>> -> memref<1x128xi32, #tpu.memory_space<vmem>>
      %dma_wait3A_281 = tpu.memref_squeeze %dma_wait3A_280 : memref<1x128xi32, #tpu.memory_space<vmem>> -> memref<128xi32, #tpu.memory_space<vmem>>
      %dma_wait3A_282 = arith.constant 0 : i32
      %dma_wait3A_283 = arith.constant 0 : i32
      %dma_wait3A_284 = tpu.memref_slice %arg2[%select_n3A_249, %dma_wait3A_282, %dma_wait3A_283] : memref<16x100000x32xf32, #tpu.memory_space<hbm>> -> memref<1x100000x32xf32, #tpu.memory_space<hbm>>
      %dma_wait3A_285 = tpu.memref_squeeze %dma_wait3A_284 : memref<1x100000x32xf32, #tpu.memory_space<hbm>> -> memref<100000x32xf32, #tpu.memory_space<hbm>>
      %dma_wait3A_286 = arith.constant 0 : i32
      %dma_wait3A_287 = arith.constant 0 : i32
      %dma_wait3A_288 = tpu.memref_slice %dma_wait3A_285[%dma_wait3A_286, %dma_wait3A_287] : memref<100000x32xf32, #tpu.memory_space<hbm>> -> memref<100000x32xf32, #tpu.memory_space<hbm>>
      tpu.wait_indirect_dma semaphore(%arg7 : memref<!tpu.dma_semaphore, #tpu.memory_space<semaphore_mem>>) src(%dma_wait3A_288 : memref<100000x32xf32, #tpu.memory_space<hbm>>) dst(%dma_wait3A_279 : memref<128x32xf32, #tpu.memory_space<vmem>>)
      %jit3A_289 = arith.constant 4 : i32
      %div3A_290 = arith.divsi %select_n3A_249, %jit3A_289 : i32
      %sign3A_291 = arith.constant 0 : i32
      %sign3A_292 = arith.cmpi sgt, %select_n3A_249, %sign3A_291 : i32
      %sign3A_293 = arith.extui %sign3A_292 : i1 to i32
      %sign3A_294 = arith.constant 0 : i32
      %sign3A_295 = arith.cmpi slt, %select_n3A_249, %sign3A_294 : i32
      %sign3A_296 = arith.extui %sign3A_295 : i1 to i32
      %sign3A_297 = arith.subi %sign3A_293, %sign3A_296 : i32
      %sign3A_298 = arith.constant 0 : i32
      %sign3A_299 = arith.cmpi sgt, %jit3A_289, %sign3A_298 : i32
      %sign3A_300 = arith.extui %sign3A_299 : i1 to i32
      %sign3A_301 = arith.constant 0 : i32
      %sign3A_302 = arith.cmpi slt, %jit3A_289, %sign3A_301 : i32
      %sign3A_303 = arith.extui %sign3A_302 : i1 to i32
      %sign3A_304 = arith.subi %sign3A_300, %sign3A_303 : i32
      %ne3A_305 = arith.cmpi ne, %sign3A_297, %sign3A_304 : i32
      %rem3A_306 = arith.remsi %select_n3A_249, %jit3A_289 : i32
      %ne3A_307 = arith.constant 0 : i32
      %ne3A_308 = arith.cmpi ne, %rem3A_306, %ne3A_307 : i32
      %and3A_309 = arith.andi %ne3A_305, %ne3A_308 : i1
      %sub3A_310 = arith.constant 1 : i32
      %sub3A_311 = arith.subi %div3A_290, %sub3A_310 : i32
      %select_n3A_312 = arith.select %and3A_309, %sub3A_311, %div3A_290 : i32
      %jit3A_313 = arith.constant 4 : i32
      %eq3A_314 = arith.constant 0 : i32
      %eq3A_315 = arith.cmpi eq, %jit3A_313, %eq3A_314 : i32
      %jit3A_316 = arith.constant 1 : i32
      %select_n3A_317 = arith.select %eq3A_315, %jit3A_316, %jit3A_313 : i32
      %rem3A_318 = arith.remsi %select_n3A_249, %select_n3A_317 : i32
      %ne3A_319 = arith.constant 0 : i32
      %ne3A_320 = arith.cmpi ne, %rem3A_318, %ne3A_319 : i32
      %lt3A_321 = arith.constant 0 : i32
      %lt3A_322 = arith.cmpi slt, %rem3A_318, %lt3A_321 : i32
      %lt3A_323 = arith.constant 0 : i32
      %lt3A_324 = arith.cmpi slt, %select_n3A_317, %lt3A_323 : i32
      %ne3A_325 = arith.xori %lt3A_322, %lt3A_324 : i1
      %and3A_326 = arith.andi %ne3A_325, %ne3A_320 : i1
      %add3A_327 = arith.addi %rem3A_318, %select_n3A_317 : i32
      %select_n3A_328 = arith.select %and3A_326, %add3A_327, %rem3A_318 : i32
      %mul3A_329 = arith.constant 128 : i32
      %mul3A_330 = arith.muli %select_n3A_273, %mul3A_329 : i32
      %add3A_331 = arith.addi %mul3A_2, %mul3A_330 : i32
      %mul3A_332 = arith.constant 32 : i32
      %mul3A_333 = arith.muli %mul3A_332, %select_n3A_328 : i32
      %run_scoped3A = arith.constant 0 : i32
      "tpu.region"() ({
        %run_scoped3A_646 = tpu.sem_alloc : memref<!tpu.dma_semaphore, #tpu.memory_space<semaphore_mem>>
        %dma_start3A_647 = arith.constant 0 : i32
        %dma_start3A_648 = arith.constant 0 : i32
        %dma_start3A_649 = tpu.memref_slice %arg6[%run_scoped3A, %dma_start3A_647, %dma_start3A_648] : memref<4x128x32xf32, #tpu.memory_space<vmem>> -> memref<1x128x32xf32, #tpu.memory_space<vmem>>
        %dma_start3A_650 = tpu.memref_squeeze %dma_start3A_649 : memref<1x128x32xf32, #tpu.memory_space<vmem>> -> memref<128x32xf32, #tpu.memory_space<vmem>>
        %dma_start3A_651 = tpu.memref_slice %arg4[%select_n3A_312, %add3A_331, %mul3A_333] : memref<4x16384x128xf32, #tpu.memory_space<hbm>> -> memref<1x128x32xf32, #tpu.memory_space<hbm>>
        %dma_start3A_652 = tpu.memref_squeeze %dma_start3A_651 : memref<1x128x32xf32, #tpu.memory_space<hbm>> -> memref<128x32xf32, #tpu.memory_space<hbm>>
        %dma_start3A_653 = tpu.memref_slice %arg4[%select_n3A_312, %add3A_331, %mul3A_333] : memref<4x16384x128xf32, #tpu.memory_space<hbm>> -> memref<1x128x32xf32, #tpu.memory_space<hbm>>
        %dma_start3A_654 = tpu.memref_squeeze %dma_start3A_653 : memref<1x128x32xf32, #tpu.memory_space<hbm>> -> memref<128x32xf32, #tpu.memory_space<hbm>>
        %dma_start3A_655 = arith.constant 0 : i32
        %dma_start3A_656 = arith.constant 0 : i32
        %dma_start3A_657 = tpu.memref_slice %arg6[%run_scoped3A, %dma_start3A_655, %dma_start3A_656] : memref<4x128x32xf32, #tpu.memory_space<vmem>> -> memref<1x128x32xf32, #tpu.memory_space<vmem>>
        %dma_start3A_658 = tpu.memref_squeeze %dma_start3A_657 : memref<1x128x32xf32, #tpu.memory_space<vmem>> -> memref<128x32xf32, #tpu.memory_space<vmem>>
        tpu.enqueue_dma source(%dma_start3A_658 : memref<128x32xf32, #tpu.memory_space<vmem>>) target(%dma_start3A_654 : memref<128x32xf32, #tpu.memory_space<hbm>>) target_semaphore(%run_scoped3A_646 : memref<!tpu.dma_semaphore, #tpu.memory_space<semaphore_mem>>)
        %dma_wait3A_659 = arith.constant 0 : i32
        %dma_wait3A_660 = arith.constant 0 : i32
        %dma_wait3A_661 = tpu.memref_slice %arg6[%run_scoped3A, %dma_wait3A_659, %dma_wait3A_660] : memref<4x128x32xf32, #tpu.memory_space<vmem>> -> memref<1x128x32xf32, #tpu.memory_space<vmem>>
        %dma_wait3A_662 = tpu.memref_squeeze %dma_wait3A_661 : memref<1x128x32xf32, #tpu.memory_space<vmem>> -> memref<128x32xf32, #tpu.memory_space<vmem>>
        %dma_wait3A_663 = tpu.memref_slice %arg4[%select_n3A_312, %add3A_331, %mul3A_333] : memref<4x16384x128xf32, #tpu.memory_space<hbm>> -> memref<1x128x32xf32, #tpu.memory_space<hbm>>
        %dma_wait3A_664 = tpu.memref_squeeze %dma_wait3A_663 : memref<1x128x32xf32, #tpu.memory_space<hbm>> -> memref<128x32xf32, #tpu.memory_space<hbm>>
        %dma_wait3A_665 = tpu.memref_slice %arg4[%select_n3A_312, %add3A_331, %mul3A_333] : memref<4x16384x128xf32, #tpu.memory_space<hbm>> -> memref<1x128x32xf32, #tpu.memory_space<hbm>>
        %dma_wait3A_666 = tpu.memref_squeeze %dma_wait3A_665 : memref<1x128x32xf32, #tpu.memory_space<hbm>> -> memref<128x32xf32, #tpu.memory_space<hbm>>
        %dma_wait3A_667 = arith.constant 0 : i32
        %dma_wait3A_668 = arith.constant 0 : i32
        %dma_wait3A_669 = tpu.memref_slice %arg6[%run_scoped3A, %dma_wait3A_667, %dma_wait3A_668] : memref<4x128x32xf32, #tpu.memory_space<vmem>> -> memref<1x128x32xf32, #tpu.memory_space<vmem>>
        %dma_wait3A_670 = tpu.memref_squeeze %dma_wait3A_669 : memref<1x128x32xf32, #tpu.memory_space<vmem>> -> memref<128x32xf32, #tpu.memory_space<vmem>>
        tpu.wait_dma2 semaphore(%run_scoped3A_646 : memref<!tpu.dma_semaphore, #tpu.memory_space<semaphore_mem>>) src(%dma_wait3A_670 : memref<128x32xf32, #tpu.memory_space<vmem>>) dst(%dma_wait3A_666 : memref<128x32xf32, #tpu.memory_space<hbm>>)
        tpu.yield
      }) : () -> ()
      %add3A_334 = arith.constant 1 : i32
      %add3A_335 = arith.addi %mul3A_10, %add3A_334 : i32
      %jit3A_336 = arith.constant 16 : i32
      %eq3A_337 = arith.constant 0 : i32
      %eq3A_338 = arith.cmpi eq, %jit3A_336, %eq3A_337 : i32
      %jit3A_339 = arith.constant 1 : i32
      %select_n3A_340 = arith.select %eq3A_338, %jit3A_339, %jit3A_336 : i32
      %rem3A_341 = arith.remsi %add3A_335, %select_n3A_340 : i32
      %ne3A_342 = arith.constant 0 : i32
      %ne3A_343 = arith.cmpi ne, %rem3A_341, %ne3A_342 : i32
      %lt3A_344 = arith.constant 0 : i32
      %lt3A_345 = arith.cmpi slt, %rem3A_341, %lt3A_344 : i32
      %lt3A_346 = arith.constant 0 : i32
      %lt3A_347 = arith.cmpi slt, %select_n3A_340, %lt3A_346 : i32
      %ne3A_348 = arith.xori %lt3A_345, %lt3A_347 : i1
      %and3A_349 = arith.andi %ne3A_348, %ne3A_343 : i1
      %add3A_350 = arith.addi %rem3A_341, %select_n3A_340 : i32
      %select_n3A_351 = arith.select %and3A_349, %add3A_350, %rem3A_341 : i32
      %jit3A_352 = arith.constant 16 : i32
      %div3A_353 = arith.divsi %add3A_335, %jit3A_352 : i32
      %sign3A_354 = arith.constant 0 : i32
      %sign3A_355 = arith.cmpi sgt, %add3A_335, %sign3A_354 : i32
      %sign3A_356 = arith.extui %sign3A_355 : i1 to i32
      %sign3A_357 = arith.constant 0 : i32
      %sign3A_358 = arith.cmpi slt, %add3A_335, %sign3A_357 : i32
      %sign3A_359 = arith.extui %sign3A_358 : i1 to i32
      %sign3A_360 = arith.subi %sign3A_356, %sign3A_359 : i32
      %sign3A_361 = arith.constant 0 : i32
      %sign3A_362 = arith.cmpi sgt, %jit3A_352, %sign3A_361 : i32
      %sign3A_363 = arith.extui %sign3A_362 : i1 to i32
      %sign3A_364 = arith.constant 0 : i32
      %sign3A_365 = arith.cmpi slt, %jit3A_352, %sign3A_364 : i32
      %sign3A_366 = arith.extui %sign3A_365 : i1 to i32
      %sign3A_367 = arith.subi %sign3A_363, %sign3A_366 : i32
      %ne3A_368 = arith.cmpi ne, %sign3A_360, %sign3A_367 : i32
      %rem3A_369 = arith.remsi %add3A_335, %jit3A_352 : i32
      %ne3A_370 = arith.constant 0 : i32
      %ne3A_371 = arith.cmpi ne, %rem3A_369, %ne3A_370 : i32
      %and3A_372 = arith.andi %ne3A_368, %ne3A_371 : i1
      %sub3A_373 = arith.constant 1 : i32
      %sub3A_374 = arith.subi %div3A_353, %sub3A_373 : i32
      %select_n3A_375 = arith.select %and3A_372, %sub3A_374, %div3A_353 : i32
      %mul3A_376 = arith.constant 128 : i32
      %mul3A_377 = arith.muli %select_n3A_375, %mul3A_376 : i32
      %dma_wait3A_378 = arith.constant 1 : i32
      %dma_wait3A_379 = arith.constant 0 : i32
      %dma_wait3A_380 = arith.constant 0 : i32
      %dma_wait3A_381 = tpu.memref_slice %arg6[%dma_wait3A_378, %dma_wait3A_379, %dma_wait3A_380] : memref<4x128x32xf32, #tpu.memory_space<vmem>> -> memref<1x128x32xf32, #tpu.memory_space<vmem>>
      %dma_wait3A_382 = tpu.memref_squeeze %dma_wait3A_381 : memref<1x128x32xf32, #tpu.memory_space<vmem>> -> memref<128x32xf32, #tpu.memory_space<vmem>>
      %dma_wait3A_383 = tpu.memref_slice %arg5[%select_n3A_351, %mul3A_377] : memref<16x512xi32, #tpu.memory_space<vmem>> -> memref<1x128xi32, #tpu.memory_space<vmem>>
      %dma_wait3A_384 = tpu.memref_squeeze %dma_wait3A_383 : memref<1x128xi32, #tpu.memory_space<vmem>> -> memref<128xi32, #tpu.memory_space<vmem>>
      %dma_wait3A_385 = arith.constant 0 : i32
      %dma_wait3A_386 = arith.constant 0 : i32
      %dma_wait3A_387 = tpu.memref_slice %arg2[%select_n3A_351, %dma_wait3A_385, %dma_wait3A_386] : memref<16x100000x32xf32, #tpu.memory_space<hbm>> -> memref<1x100000x32xf32, #tpu.memory_space<hbm>>
      %dma_wait3A_388 = tpu.memref_squeeze %dma_wait3A_387 : memref<1x100000x32xf32, #tpu.memory_space<hbm>> -> memref<100000x32xf32, #tpu.memory_space<hbm>>
      %dma_wait3A_389 = arith.constant 0 : i32
      %dma_wait3A_390 = arith.constant 0 : i32
      %dma_wait3A_391 = tpu.memref_slice %dma_wait3A_388[%dma_wait3A_389, %dma_wait3A_390] : memref<100000x32xf32, #tpu.memory_space<hbm>> -> memref<100000x32xf32, #tpu.memory_space<hbm>>
      tpu.wait_indirect_dma semaphore(%arg7 : memref<!tpu.dma_semaphore, #tpu.memory_space<semaphore_mem>>) src(%dma_wait3A_391 : memref<100000x32xf32, #tpu.memory_space<hbm>>) dst(%dma_wait3A_382 : memref<128x32xf32, #tpu.memory_space<vmem>>)
      %jit3A_392 = arith.constant 4 : i32
      %div3A_393 = arith.divsi %select_n3A_351, %jit3A_392 : i32
      %sign3A_394 = arith.constant 0 : i32
      %sign3A_395 = arith.cmpi sgt, %select_n3A_351, %sign3A_394 : i32
      %sign3A_396 = arith.extui %sign3A_395 : i1 to i32
      %sign3A_397 = arith.constant 0 : i32
      %sign3A_398 = arith.cmpi slt, %select_n3A_351, %sign3A_397 : i32
      %sign3A_399 = arith.extui %sign3A_398 : i1 to i32
      %sign3A_400 = arith.subi %sign3A_396, %sign3A_399 : i32
      %sign3A_401 = arith.constant 0 : i32
      %sign3A_402 = arith.cmpi sgt, %jit3A_392, %sign3A_401 : i32
      %sign3A_403 = arith.extui %sign3A_402 : i1 to i32
      %sign3A_404 = arith.constant 0 : i32
      %sign3A_405 = arith.cmpi slt, %jit3A_392, %sign3A_404 : i32
      %sign3A_406 = arith.extui %sign3A_405 : i1 to i32
      %sign3A_407 = arith.subi %sign3A_403, %sign3A_406 : i32
      %ne3A_408 = arith.cmpi ne, %sign3A_400, %sign3A_407 : i32
      %rem3A_409 = arith.remsi %select_n3A_351, %jit3A_392 : i32
      %ne3A_410 = arith.constant 0 : i32
      %ne3A_411 = arith.cmpi ne, %rem3A_409, %ne3A_410 : i32
      %and3A_412 = arith.andi %ne3A_408, %ne3A_411 : i1
      %sub3A_413 = arith.constant 1 : i32
      %sub3A_414 = arith.subi %div3A_393, %sub3A_413 : i32
      %select_n3A_415 = arith.select %and3A_412, %sub3A_414, %div3A_393 : i32
      %jit3A_416 = arith.constant 4 : i32
      %eq3A_417 = arith.constant 0 : i32
      %eq3A_418 = arith.cmpi eq, %jit3A_416, %eq3A_417 : i32
      %jit3A_419 = arith.constant 1 : i32
      %select_n3A_420 = arith.select %eq3A_418, %jit3A_419, %jit3A_416 : i32
      %rem3A_421 = arith.remsi %select_n3A_351, %select_n3A_420 : i32
      %ne3A_422 = arith.constant 0 : i32
      %ne3A_423 = arith.cmpi ne, %rem3A_421, %ne3A_422 : i32
      %lt3A_424 = arith.constant 0 : i32
      %lt3A_425 = arith.cmpi slt, %rem3A_421, %lt3A_424 : i32
      %lt3A_426 = arith.constant 0 : i32
      %lt3A_427 = arith.cmpi slt, %select_n3A_420, %lt3A_426 : i32
      %ne3A_428 = arith.xori %lt3A_425, %lt3A_427 : i1
      %and3A_429 = arith.andi %ne3A_428, %ne3A_423 : i1
      %add3A_430 = arith.addi %rem3A_421, %select_n3A_420 : i32
      %select_n3A_431 = arith.select %and3A_429, %add3A_430, %rem3A_421 : i32
      %mul3A_432 = arith.constant 128 : i32
      %mul3A_433 = arith.muli %select_n3A_375, %mul3A_432 : i32
      %add3A_434 = arith.addi %mul3A_2, %mul3A_433 : i32
      %mul3A_435 = arith.constant 32 : i32
      %mul3A_436 = arith.muli %mul3A_435, %select_n3A_431 : i32
      %run_scoped3A_437 = arith.constant 1 : i32
      "tpu.region"() ({
        %run_scoped3A_646 = tpu.sem_alloc : memref<!tpu.dma_semaphore, #tpu.memory_space<semaphore_mem>>
        %dma_start3A_647 = arith.constant 0 : i32
        %dma_start3A_648 = arith.constant 0 : i32
        %dma_start3A_649 = tpu.memref_slice %arg6[%run_scoped3A_437, %dma_start3A_647, %dma_start3A_648] : memref<4x128x32xf32, #tpu.memory_space<vmem>> -> memref<1x128x32xf32, #tpu.memory_space<vmem>>
        %dma_start3A_650 = tpu.memref_squeeze %dma_start3A_649 : memref<1x128x32xf32, #tpu.memory_space<vmem>> -> memref<128x32xf32, #tpu.memory_space<vmem>>
        %dma_start3A_651 = tpu.memref_slice %arg4[%select_n3A_415, %add3A_434, %mul3A_436] : memref<4x16384x128xf32, #tpu.memory_space<hbm>> -> memref<1x128x32xf32, #tpu.memory_space<hbm>>
        %dma_start3A_652 = tpu.memref_squeeze %dma_start3A_651 : memref<1x128x32xf32, #tpu.memory_space<hbm>> -> memref<128x32xf32, #tpu.memory_space<hbm>>
        %dma_start3A_653 = tpu.memref_slice %arg4[%select_n3A_415, %add3A_434, %mul3A_436] : memref<4x16384x128xf32, #tpu.memory_space<hbm>> -> memref<1x128x32xf32, #tpu.memory_space<hbm>>
        %dma_start3A_654 = tpu.memref_squeeze %dma_start3A_653 : memref<1x128x32xf32, #tpu.memory_space<hbm>> -> memref<128x32xf32, #tpu.memory_space<hbm>>
        %dma_start3A_655 = arith.constant 0 : i32
        %dma_start3A_656 = arith.constant 0 : i32
        %dma_start3A_657 = tpu.memref_slice %arg6[%run_scoped3A_437, %dma_start3A_655, %dma_start3A_656] : memref<4x128x32xf32, #tpu.memory_space<vmem>> -> memref<1x128x32xf32, #tpu.memory_space<vmem>>
        %dma_start3A_658 = tpu.memref_squeeze %dma_start3A_657 : memref<1x128x32xf32, #tpu.memory_space<vmem>> -> memref<128x32xf32, #tpu.memory_space<vmem>>
        tpu.enqueue_dma source(%dma_start3A_658 : memref<128x32xf32, #tpu.memory_space<vmem>>) target(%dma_start3A_654 : memref<128x32xf32, #tpu.memory_space<hbm>>) target_semaphore(%run_scoped3A_646 : memref<!tpu.dma_semaphore, #tpu.memory_space<semaphore_mem>>)
        %dma_wait3A_659 = arith.constant 0 : i32
        %dma_wait3A_660 = arith.constant 0 : i32
        %dma_wait3A_661 = tpu.memref_slice %arg6[%run_scoped3A_437, %dma_wait3A_659, %dma_wait3A_660] : memref<4x128x32xf32, #tpu.memory_space<vmem>> -> memref<1x128x32xf32, #tpu.memory_space<vmem>>
        %dma_wait3A_662 = tpu.memref_squeeze %dma_wait3A_661 : memref<1x128x32xf32, #tpu.memory_space<vmem>> -> memref<128x32xf32, #tpu.memory_space<vmem>>
        %dma_wait3A_663 = tpu.memref_slice %arg4[%select_n3A_415, %add3A_434, %mul3A_436] : memref<4x16384x128xf32, #tpu.memory_space<hbm>> -> memref<1x128x32xf32, #tpu.memory_space<hbm>>
        %dma_wait3A_664 = tpu.memref_squeeze %dma_wait3A_663 : memref<1x128x32xf32, #tpu.memory_space<hbm>> -> memref<128x32xf32, #tpu.memory_space<hbm>>
        %dma_wait3A_665 = tpu.memref_slice %arg4[%select_n3A_415, %add3A_434, %mul3A_436] : memref<4x16384x128xf32, #tpu.memory_space<hbm>> -> memref<1x128x32xf32, #tpu.memory_space<hbm>>
        %dma_wait3A_666 = tpu.memref_squeeze %dma_wait3A_665 : memref<1x128x32xf32, #tpu.memory_space<hbm>> -> memref<128x32xf32, #tpu.memory_space<hbm>>
        %dma_wait3A_667 = arith.constant 0 : i32
        %dma_wait3A_668 = arith.constant 0 : i32
        %dma_wait3A_669 = tpu.memref_slice %arg6[%run_scoped3A_437, %dma_wait3A_667, %dma_wait3A_668] : memref<4x128x32xf32, #tpu.memory_space<vmem>> -> memref<1x128x32xf32, #tpu.memory_space<vmem>>
        %dma_wait3A_670 = tpu.memref_squeeze %dma_wait3A_669 : memref<1x128x32xf32, #tpu.memory_space<vmem>> -> memref<128x32xf32, #tpu.memory_space<vmem>>
        tpu.wait_dma2 semaphore(%run_scoped3A_646 : memref<!tpu.dma_semaphore, #tpu.memory_space<semaphore_mem>>) src(%dma_wait3A_670 : memref<128x32xf32, #tpu.memory_space<vmem>>) dst(%dma_wait3A_666 : memref<128x32xf32, #tpu.memory_space<hbm>>)
        tpu.yield
      }) : () -> ()
      %add3A_438 = arith.constant 2 : i32
      %add3A_439 = arith.addi %mul3A_10, %add3A_438 : i32
      %jit3A_440 = arith.constant 16 : i32
      %eq3A_441 = arith.constant 0 : i32
      %eq3A_442 = arith.cmpi eq, %jit3A_440, %eq3A_441 : i32
      %jit3A_443 = arith.constant 1 : i32
      %select_n3A_444 = arith.select %eq3A_442, %jit3A_443, %jit3A_440 : i32
      %rem3A_445 = arith.remsi %add3A_439, %select_n3A_444 : i32
      %ne3A_446 = arith.constant 0 : i32
      %ne3A_447 = arith.cmpi ne, %rem3A_445, %ne3A_446 : i32
      %lt3A_448 = arith.constant 0 : i32
      %lt3A_449 = arith.cmpi slt, %rem3A_445, %lt3A_448 : i32
      %lt3A_450 = arith.constant 0 : i32
      %lt3A_451 = arith.cmpi slt, %select_n3A_444, %lt3A_450 : i32
      %ne3A_452 = arith.xori %lt3A_449, %lt3A_451 : i1
      %and3A_453 = arith.andi %ne3A_452, %ne3A_447 : i1
      %add3A_454 = arith.addi %rem3A_445, %select_n3A_444 : i32
      %select_n3A_455 = arith.select %and3A_453, %add3A_454, %rem3A_445 : i32
      %jit3A_456 = arith.constant 16 : i32
      %div3A_457 = arith.divsi %add3A_439, %jit3A_456 : i32
      %sign3A_458 = arith.constant 0 : i32
      %sign3A_459 = arith.cmpi sgt, %add3A_439, %sign3A_458 : i32
      %sign3A_460 = arith.extui %sign3A_459 : i1 to i32
      %sign3A_461 = arith.constant 0 : i32
      %sign3A_462 = arith.cmpi slt, %add3A_439, %sign3A_461 : i32
      %sign3A_463 = arith.extui %sign3A_462 : i1 to i32
      %sign3A_464 = arith.subi %sign3A_460, %sign3A_463 : i32
      %sign3A_465 = arith.constant 0 : i32
      %sign3A_466 = arith.cmpi sgt, %jit3A_456, %sign3A_465 : i32
      %sign3A_467 = arith.extui %sign3A_466 : i1 to i32
      %sign3A_468 = arith.constant 0 : i32
      %sign3A_469 = arith.cmpi slt, %jit3A_456, %sign3A_468 : i32
      %sign3A_470 = arith.extui %sign3A_469 : i1 to i32
      %sign3A_471 = arith.subi %sign3A_467, %sign3A_470 : i32
      %ne3A_472 = arith.cmpi ne, %sign3A_464, %sign3A_471 : i32
      %rem3A_473 = arith.remsi %add3A_439, %jit3A_456 : i32
      %ne3A_474 = arith.constant 0 : i32
      %ne3A_475 = arith.cmpi ne, %rem3A_473, %ne3A_474 : i32
      %and3A_476 = arith.andi %ne3A_472, %ne3A_475 : i1
      %sub3A_477 = arith.constant 1 : i32
      %sub3A_478 = arith.subi %div3A_457, %sub3A_477 : i32
      %select_n3A_479 = arith.select %and3A_476, %sub3A_478, %div3A_457 : i32
      %mul3A_480 = arith.constant 128 : i32
      %mul3A_481 = arith.muli %select_n3A_479, %mul3A_480 : i32
      %dma_wait3A_482 = arith.constant 2 : i32
      %dma_wait3A_483 = arith.constant 0 : i32
      %dma_wait3A_484 = arith.constant 0 : i32
      %dma_wait3A_485 = tpu.memref_slice %arg6[%dma_wait3A_482, %dma_wait3A_483, %dma_wait3A_484] : memref<4x128x32xf32, #tpu.memory_space<vmem>> -> memref<1x128x32xf32, #tpu.memory_space<vmem>>
      %dma_wait3A_486 = tpu.memref_squeeze %dma_wait3A_485 : memref<1x128x32xf32, #tpu.memory_space<vmem>> -> memref<128x32xf32, #tpu.memory_space<vmem>>
      %dma_wait3A_487 = tpu.memref_slice %arg5[%select_n3A_455, %mul3A_481] : memref<16x512xi32, #tpu.memory_space<vmem>> -> memref<1x128xi32, #tpu.memory_space<vmem>>
      %dma_wait3A_488 = tpu.memref_squeeze %dma_wait3A_487 : memref<1x128xi32, #tpu.memory_space<vmem>> -> memref<128xi32, #tpu.memory_space<vmem>>
      %dma_wait3A_489 = arith.constant 0 : i32
      %dma_wait3A_490 = arith.constant 0 : i32
      %dma_wait3A_491 = tpu.memref_slice %arg2[%select_n3A_455, %dma_wait3A_489, %dma_wait3A_490] : memref<16x100000x32xf32, #tpu.memory_space<hbm>> -> memref<1x100000x32xf32, #tpu.memory_space<hbm>>
      %dma_wait3A_492 = tpu.memref_squeeze %dma_wait3A_491 : memref<1x100000x32xf32, #tpu.memory_space<hbm>> -> memref<100000x32xf32, #tpu.memory_space<hbm>>
      %dma_wait3A_493 = arith.constant 0 : i32
      %dma_wait3A_494 = arith.constant 0 : i32
      %dma_wait3A_495 = tpu.memref_slice %dma_wait3A_492[%dma_wait3A_493, %dma_wait3A_494] : memref<100000x32xf32, #tpu.memory_space<hbm>> -> memref<100000x32xf32, #tpu.memory_space<hbm>>
      tpu.wait_indirect_dma semaphore(%arg7 : memref<!tpu.dma_semaphore, #tpu.memory_space<semaphore_mem>>) src(%dma_wait3A_495 : memref<100000x32xf32, #tpu.memory_space<hbm>>) dst(%dma_wait3A_486 : memref<128x32xf32, #tpu.memory_space<vmem>>)
      %jit3A_496 = arith.constant 4 : i32
      %div3A_497 = arith.divsi %select_n3A_455, %jit3A_496 : i32
      %sign3A_498 = arith.constant 0 : i32
      %sign3A_499 = arith.cmpi sgt, %select_n3A_455, %sign3A_498 : i32
      %sign3A_500 = arith.extui %sign3A_499 : i1 to i32
      %sign3A_501 = arith.constant 0 : i32
      %sign3A_502 = arith.cmpi slt, %select_n3A_455, %sign3A_501 : i32
      %sign3A_503 = arith.extui %sign3A_502 : i1 to i32
      %sign3A_504 = arith.subi %sign3A_500, %sign3A_503 : i32
      %sign3A_505 = arith.constant 0 : i32
      %sign3A_506 = arith.cmpi sgt, %jit3A_496, %sign3A_505 : i32
      %sign3A_507 = arith.extui %sign3A_506 : i1 to i32
      %sign3A_508 = arith.constant 0 : i32
      %sign3A_509 = arith.cmpi slt, %jit3A_496, %sign3A_508 : i32
      %sign3A_510 = arith.extui %sign3A_509 : i1 to i32
      %sign3A_511 = arith.subi %sign3A_507, %sign3A_510 : i32
      %ne3A_512 = arith.cmpi ne, %sign3A_504, %sign3A_511 : i32
      %rem3A_513 = arith.remsi %select_n3A_455, %jit3A_496 : i32
      %ne3A_514 = arith.constant 0 : i32
      %ne3A_515 = arith.cmpi ne, %rem3A_513, %ne3A_514 : i32
      %and3A_516 = arith.andi %ne3A_512, %ne3A_515 : i1
      %sub3A_517 = arith.constant 1 : i32
      %sub3A_518 = arith.subi %div3A_497, %sub3A_517 : i32
      %select_n3A_519 = arith.select %and3A_516, %sub3A_518, %div3A_497 : i32
      %jit3A_520 = arith.constant 4 : i32
      %eq3A_521 = arith.constant 0 : i32
      %eq3A_522 = arith.cmpi eq, %jit3A_520, %eq3A_521 : i32
      %jit3A_523 = arith.constant 1 : i32
      %select_n3A_524 = arith.select %eq3A_522, %jit3A_523, %jit3A_520 : i32
      %rem3A_525 = arith.remsi %select_n3A_455, %select_n3A_524 : i32
      %ne3A_526 = arith.constant 0 : i32
      %ne3A_527 = arith.cmpi ne, %rem3A_525, %ne3A_526 : i32
      %lt3A_528 = arith.constant 0 : i32
      %lt3A_529 = arith.cmpi slt, %rem3A_525, %lt3A_528 : i32
      %lt3A_530 = arith.constant 0 : i32
      %lt3A_531 = arith.cmpi slt, %select_n3A_524, %lt3A_530 : i32
      %ne3A_532 = arith.xori %lt3A_529, %lt3A_531 : i1
      %and3A_533 = arith.andi %ne3A_532, %ne3A_527 : i1
      %add3A_534 = arith.addi %rem3A_525, %select_n3A_524 : i32
      %select_n3A_535 = arith.select %and3A_533, %add3A_534, %rem3A_525 : i32
      %mul3A_536 = arith.constant 128 : i32
      %mul3A_537 = arith.muli %select_n3A_479, %mul3A_536 : i32
      %add3A_538 = arith.addi %mul3A_2, %mul3A_537 : i32
      %mul3A_539 = arith.constant 32 : i32
      %mul3A_540 = arith.muli %mul3A_539, %select_n3A_535 : i32
      %run_scoped3A_541 = arith.constant 2 : i32
      "tpu.region"() ({
        %run_scoped3A_646 = tpu.sem_alloc : memref<!tpu.dma_semaphore, #tpu.memory_space<semaphore_mem>>
        %dma_start3A_647 = arith.constant 0 : i32
        %dma_start3A_648 = arith.constant 0 : i32
        %dma_start3A_649 = tpu.memref_slice %arg6[%run_scoped3A_541, %dma_start3A_647, %dma_start3A_648] : memref<4x128x32xf32, #tpu.memory_space<vmem>> -> memref<1x128x32xf32, #tpu.memory_space<vmem>>
        %dma_start3A_650 = tpu.memref_squeeze %dma_start3A_649 : memref<1x128x32xf32, #tpu.memory_space<vmem>> -> memref<128x32xf32, #tpu.memory_space<vmem>>
        %dma_start3A_651 = tpu.memref_slice %arg4[%select_n3A_519, %add3A_538, %mul3A_540] : memref<4x16384x128xf32, #tpu.memory_space<hbm>> -> memref<1x128x32xf32, #tpu.memory_space<hbm>>
        %dma_start3A_652 = tpu.memref_squeeze %dma_start3A_651 : memref<1x128x32xf32, #tpu.memory_space<hbm>> -> memref<128x32xf32, #tpu.memory_space<hbm>>
        %dma_start3A_653 = tpu.memref_slice %arg4[%select_n3A_519, %add3A_538, %mul3A_540] : memref<4x16384x128xf32, #tpu.memory_space<hbm>> -> memref<1x128x32xf32, #tpu.memory_space<hbm>>
        %dma_start3A_654 = tpu.memref_squeeze %dma_start3A_653 : memref<1x128x32xf32, #tpu.memory_space<hbm>> -> memref<128x32xf32, #tpu.memory_space<hbm>>
        %dma_start3A_655 = arith.constant 0 : i32
        %dma_start3A_656 = arith.constant 0 : i32
        %dma_start3A_657 = tpu.memref_slice %arg6[%run_scoped3A_541, %dma_start3A_655, %dma_start3A_656] : memref<4x128x32xf32, #tpu.memory_space<vmem>> -> memref<1x128x32xf32, #tpu.memory_space<vmem>>
        %dma_start3A_658 = tpu.memref_squeeze %dma_start3A_657 : memref<1x128x32xf32, #tpu.memory_space<vmem>> -> memref<128x32xf32, #tpu.memory_space<vmem>>
        tpu.enqueue_dma source(%dma_start3A_658 : memref<128x32xf32, #tpu.memory_space<vmem>>) target(%dma_start3A_654 : memref<128x32xf32, #tpu.memory_space<hbm>>) target_semaphore(%run_scoped3A_646 : memref<!tpu.dma_semaphore, #tpu.memory_space<semaphore_mem>>)
        %dma_wait3A_659 = arith.constant 0 : i32
        %dma_wait3A_660 = arith.constant 0 : i32
        %dma_wait3A_661 = tpu.memref_slice %arg6[%run_scoped3A_541, %dma_wait3A_659, %dma_wait3A_660] : memref<4x128x32xf32, #tpu.memory_space<vmem>> -> memref<1x128x32xf32, #tpu.memory_space<vmem>>
        %dma_wait3A_662 = tpu.memref_squeeze %dma_wait3A_661 : memref<1x128x32xf32, #tpu.memory_space<vmem>> -> memref<128x32xf32, #tpu.memory_space<vmem>>
        %dma_wait3A_663 = tpu.memref_slice %arg4[%select_n3A_519, %add3A_538, %mul3A_540] : memref<4x16384x128xf32, #tpu.memory_space<hbm>> -> memref<1x128x32xf32, #tpu.memory_space<hbm>>
        %dma_wait3A_664 = tpu.memref_squeeze %dma_wait3A_663 : memref<1x128x32xf32, #tpu.memory_space<hbm>> -> memref<128x32xf32, #tpu.memory_space<hbm>>
        %dma_wait3A_665 = tpu.memref_slice %arg4[%select_n3A_519, %add3A_538, %mul3A_540] : memref<4x16384x128xf32, #tpu.memory_space<hbm>> -> memref<1x128x32xf32, #tpu.memory_space<hbm>>
        %dma_wait3A_666 = tpu.memref_squeeze %dma_wait3A_665 : memref<1x128x32xf32, #tpu.memory_space<hbm>> -> memref<128x32xf32, #tpu.memory_space<hbm>>
        %dma_wait3A_667 = arith.constant 0 : i32
        %dma_wait3A_668 = arith.constant 0 : i32
        %dma_wait3A_669 = tpu.memref_slice %arg6[%run_scoped3A_541, %dma_wait3A_667, %dma_wait3A_668] : memref<4x128x32xf32, #tpu.memory_space<vmem>> -> memref<1x128x32xf32, #tpu.memory_space<vmem>>
        %dma_wait3A_670 = tpu.memref_squeeze %dma_wait3A_669 : memref<1x128x32xf32, #tpu.memory_space<vmem>> -> memref<128x32xf32, #tpu.memory_space<vmem>>
        tpu.wait_dma2 semaphore(%run_scoped3A_646 : memref<!tpu.dma_semaphore, #tpu.memory_space<semaphore_mem>>) src(%dma_wait3A_670 : memref<128x32xf32, #tpu.memory_space<vmem>>) dst(%dma_wait3A_666 : memref<128x32xf32, #tpu.memory_space<hbm>>)
        tpu.yield
      }) : () -> ()
      %add3A_542 = arith.constant 3 : i32
      %add3A_543 = arith.addi %mul3A_10, %add3A_542 : i32
      %jit3A_544 = arith.constant 16 : i32
      %eq3A_545 = arith.constant 0 : i32
      %eq3A_546 = arith.cmpi eq, %jit3A_544, %eq3A_545 : i32
      %jit3A_547 = arith.constant 1 : i32
      %select_n3A_548 = arith.select %eq3A_546, %jit3A_547, %jit3A_544 : i32
      %rem3A_549 = arith.remsi %add3A_543, %select_n3A_548 : i32
      %ne3A_550 = arith.constant 0 : i32
      %ne3A_551 = arith.cmpi ne, %rem3A_549, %ne3A_550 : i32
      %lt3A_552 = arith.constant 0 : i32
      %lt3A_553 = arith.cmpi slt, %rem3A_549, %lt3A_552 : i32
      %lt3A_554 = arith.constant 0 : i32
      %lt3A_555 = arith.cmpi slt, %select_n3A_548, %lt3A_554 : i32
      %ne3A_556 = arith.xori %lt3A_553, %lt3A_555 : i1
      %and3A_557 = arith.andi %ne3A_556, %ne3A_551 : i1
      %add3A_558 = arith.addi %rem3A_549, %select_n3A_548 : i32
      %select_n3A_559 = arith.select %and3A_557, %add3A_558, %rem3A_549 : i32
      %jit3A_560 = arith.constant 16 : i32
      %div3A_561 = arith.divsi %add3A_543, %jit3A_560 : i32
      %sign3A_562 = arith.constant 0 : i32
      %sign3A_563 = arith.cmpi sgt, %add3A_543, %sign3A_562 : i32
      %sign3A_564 = arith.extui %sign3A_563 : i1 to i32
      %sign3A_565 = arith.constant 0 : i32
      %sign3A_566 = arith.cmpi slt, %add3A_543, %sign3A_565 : i32
      %sign3A_567 = arith.extui %sign3A_566 : i1 to i32
      %sign3A_568 = arith.subi %sign3A_564, %sign3A_567 : i32
      %sign3A_569 = arith.constant 0 : i32
      %sign3A_570 = arith.cmpi sgt, %jit3A_560, %sign3A_569 : i32
      %sign3A_571 = arith.extui %sign3A_570 : i1 to i32
      %sign3A_572 = arith.constant 0 : i32
      %sign3A_573 = arith.cmpi slt, %jit3A_560, %sign3A_572 : i32
      %sign3A_574 = arith.extui %sign3A_573 : i1 to i32
      %sign3A_575 = arith.subi %sign3A_571, %sign3A_574 : i32
      %ne3A_576 = arith.cmpi ne, %sign3A_568, %sign3A_575 : i32
      %rem3A_577 = arith.remsi %add3A_543, %jit3A_560 : i32
      %ne3A_578 = arith.constant 0 : i32
      %ne3A_579 = arith.cmpi ne, %rem3A_577, %ne3A_578 : i32
      %and3A_580 = arith.andi %ne3A_576, %ne3A_579 : i1
      %sub3A_581 = arith.constant 1 : i32
      %sub3A_582 = arith.subi %div3A_561, %sub3A_581 : i32
      %select_n3A_583 = arith.select %and3A_580, %sub3A_582, %div3A_561 : i32
      %mul3A_584 = arith.constant 128 : i32
      %mul3A_585 = arith.muli %select_n3A_583, %mul3A_584 : i32
      %dma_wait3A_586 = arith.constant 3 : i32
      %dma_wait3A_587 = arith.constant 0 : i32
      %dma_wait3A_588 = arith.constant 0 : i32
      %dma_wait3A_589 = tpu.memref_slice %arg6[%dma_wait3A_586, %dma_wait3A_587, %dma_wait3A_588] : memref<4x128x32xf32, #tpu.memory_space<vmem>> -> memref<1x128x32xf32, #tpu.memory_space<vmem>>
      %dma_wait3A_590 = tpu.memref_squeeze %dma_wait3A_589 : memref<1x128x32xf32, #tpu.memory_space<vmem>> -> memref<128x32xf32, #tpu.memory_space<vmem>>
      %dma_wait3A_591 = tpu.memref_slice %arg5[%select_n3A_559, %mul3A_585] : memref<16x512xi32, #tpu.memory_space<vmem>> -> memref<1x128xi32, #tpu.memory_space<vmem>>
      %dma_wait3A_592 = tpu.memref_squeeze %dma_wait3A_591 : memref<1x128xi32, #tpu.memory_space<vmem>> -> memref<128xi32, #tpu.memory_space<vmem>>
      %dma_wait3A_593 = arith.constant 0 : i32
      %dma_wait3A_594 = arith.constant 0 : i32
      %dma_wait3A_595 = tpu.memref_slice %arg2[%select_n3A_559, %dma_wait3A_593, %dma_wait3A_594] : memref<16x100000x32xf32, #tpu.memory_space<hbm>> -> memref<1x100000x32xf32, #tpu.memory_space<hbm>>
      %dma_wait3A_596 = tpu.memref_squeeze %dma_wait3A_595 : memref<1x100000x32xf32, #tpu.memory_space<hbm>> -> memref<100000x32xf32, #tpu.memory_space<hbm>>
      %dma_wait3A_597 = arith.constant 0 : i32
      %dma_wait3A_598 = arith.constant 0 : i32
      %dma_wait3A_599 = tpu.memref_slice %dma_wait3A_596[%dma_wait3A_597, %dma_wait3A_598] : memref<100000x32xf32, #tpu.memory_space<hbm>> -> memref<100000x32xf32, #tpu.memory_space<hbm>>
      tpu.wait_indirect_dma semaphore(%arg7 : memref<!tpu.dma_semaphore, #tpu.memory_space<semaphore_mem>>) src(%dma_wait3A_599 : memref<100000x32xf32, #tpu.memory_space<hbm>>) dst(%dma_wait3A_590 : memref<128x32xf32, #tpu.memory_space<vmem>>)
      %jit3A_600 = arith.constant 4 : i32
      %div3A_601 = arith.divsi %select_n3A_559, %jit3A_600 : i32
      %sign3A_602 = arith.constant 0 : i32
      %sign3A_603 = arith.cmpi sgt, %select_n3A_559, %sign3A_602 : i32
      %sign3A_604 = arith.extui %sign3A_603 : i1 to i32
      %sign3A_605 = arith.constant 0 : i32
      %sign3A_606 = arith.cmpi slt, %select_n3A_559, %sign3A_605 : i32
      %sign3A_607 = arith.extui %sign3A_606 : i1 to i32
      %sign3A_608 = arith.subi %sign3A_604, %sign3A_607 : i32
      %sign3A_609 = arith.constant 0 : i32
      %sign3A_610 = arith.cmpi sgt, %jit3A_600, %sign3A_609 : i32
      %sign3A_611 = arith.extui %sign3A_610 : i1 to i32
      %sign3A_612 = arith.constant 0 : i32
      %sign3A_613 = arith.cmpi slt, %jit3A_600, %sign3A_612 : i32
      %sign3A_614 = arith.extui %sign3A_613 : i1 to i32
      %sign3A_615 = arith.subi %sign3A_611, %sign3A_614 : i32
      %ne3A_616 = arith.cmpi ne, %sign3A_608, %sign3A_615 : i32
      %rem3A_617 = arith.remsi %select_n3A_559, %jit3A_600 : i32
      %ne3A_618 = arith.constant 0 : i32
      %ne3A_619 = arith.cmpi ne, %rem3A_617, %ne3A_618 : i32
      %and3A_620 = arith.andi %ne3A_616, %ne3A_619 : i1
      %sub3A_621 = arith.constant 1 : i32
      %sub3A_622 = arith.subi %div3A_601, %sub3A_621 : i32
      %select_n3A_623 = arith.select %and3A_620, %sub3A_622, %div3A_601 : i32
      %jit3A_624 = arith.constant 4 : i32
      %eq3A_625 = arith.constant 0 : i32
      %eq3A_626 = arith.cmpi eq, %jit3A_624, %eq3A_625 : i32
      %jit3A_627 = arith.constant 1 : i32
      %select_n3A_628 = arith.select %eq3A_626, %jit3A_627, %jit3A_624 : i32
      %rem3A_629 = arith.remsi %select_n3A_559, %select_n3A_628 : i32
      %ne3A_630 = arith.constant 0 : i32
      %ne3A_631 = arith.cmpi ne, %rem3A_629, %ne3A_630 : i32
      %lt3A_632 = arith.constant 0 : i32
      %lt3A_633 = arith.cmpi slt, %rem3A_629, %lt3A_632 : i32
      %lt3A_634 = arith.constant 0 : i32
      %lt3A_635 = arith.cmpi slt, %select_n3A_628, %lt3A_634 : i32
      %ne3A_636 = arith.xori %lt3A_633, %lt3A_635 : i1
      %and3A_637 = arith.andi %ne3A_636, %ne3A_631 : i1
      %add3A_638 = arith.addi %rem3A_629, %select_n3A_628 : i32
      %select_n3A_639 = arith.select %and3A_637, %add3A_638, %rem3A_629 : i32
      %mul3A_640 = arith.constant 128 : i32
      %mul3A_641 = arith.muli %select_n3A_583, %mul3A_640 : i32
      %add3A_642 = arith.addi %mul3A_2, %mul3A_641 : i32
      %mul3A_643 = arith.constant 32 : i32
      %mul3A_644 = arith.muli %mul3A_643, %select_n3A_639 : i32
      %run_scoped3A_645 = arith.constant 3 : i32
      "tpu.region"() ({
        %run_scoped3A_646 = tpu.sem_alloc : memref<!tpu.dma_semaphore, #tpu.memory_space<semaphore_mem>>
        %dma_start3A_647 = arith.constant 0 : i32
        %dma_start3A_648 = arith.constant 0 : i32
        %dma_start3A_649 = tpu.memref_slice %arg6[%run_scoped3A_645, %dma_start3A_647, %dma_start3A_648] : memref<4x128x32xf32, #tpu.memory_space<vmem>> -> memref<1x128x32xf32, #tpu.memory_space<vmem>>
        %dma_start3A_650 = tpu.memref_squeeze %dma_start3A_649 : memref<1x128x32xf32, #tpu.memory_space<vmem>> -> memref<128x32xf32, #tpu.memory_space<vmem>>
        %dma_start3A_651 = tpu.memref_slice %arg4[%select_n3A_623, %add3A_642, %mul3A_644] : memref<4x16384x128xf32, #tpu.memory_space<hbm>> -> memref<1x128x32xf32, #tpu.memory_space<hbm>>
        %dma_start3A_652 = tpu.memref_squeeze %dma_start3A_651 : memref<1x128x32xf32, #tpu.memory_space<hbm>> -> memref<128x32xf32, #tpu.memory_space<hbm>>
        %dma_start3A_653 = tpu.memref_slice %arg4[%select_n3A_623, %add3A_642, %mul3A_644] : memref<4x16384x128xf32, #tpu.memory_space<hbm>> -> memref<1x128x32xf32, #tpu.memory_space<hbm>>
        %dma_start3A_654 = tpu.memref_squeeze %dma_start3A_653 : memref<1x128x32xf32, #tpu.memory_space<hbm>> -> memref<128x32xf32, #tpu.memory_space<hbm>>
        %dma_start3A_655 = arith.constant 0 : i32
        %dma_start3A_656 = arith.constant 0 : i32
        %dma_start3A_657 = tpu.memref_slice %arg6[%run_scoped3A_645, %dma_start3A_655, %dma_start3A_656] : memref<4x128x32xf32, #tpu.memory_space<vmem>> -> memref<1x128x32xf32, #tpu.memory_space<vmem>>
        %dma_start3A_658 = tpu.memref_squeeze %dma_start3A_657 : memref<1x128x32xf32, #tpu.memory_space<vmem>> -> memref<128x32xf32, #tpu.memory_space<vmem>>
        tpu.enqueue_dma source(%dma_start3A_658 : memref<128x32xf32, #tpu.memory_space<vmem>>) target(%dma_start3A_654 : memref<128x32xf32, #tpu.memory_space<hbm>>) target_semaphore(%run_scoped3A_646 : memref<!tpu.dma_semaphore, #tpu.memory_space<semaphore_mem>>)
        %dma_wait3A_659 = arith.constant 0 : i32
        %dma_wait3A_660 = arith.constant 0 : i32
        %dma_wait3A_661 = tpu.memref_slice %arg6[%run_scoped3A_645, %dma_wait3A_659, %dma_wait3A_660] : memref<4x128x32xf32, #tpu.memory_space<vmem>> -> memref<1x128x32xf32, #tpu.memory_space<vmem>>
        %dma_wait3A_662 = tpu.memref_squeeze %dma_wait3A_661 : memref<1x128x32xf32, #tpu.memory_space<vmem>> -> memref<128x32xf32, #tpu.memory_space<vmem>>
        %dma_wait3A_663 = tpu.memref_slice %arg4[%select_n3A_623, %add3A_642, %mul3A_644] : memref<4x16384x128xf32, #tpu.memory_space<hbm>> -> memref<1x128x32xf32, #tpu.memory_space<hbm>>
        %dma_wait3A_664 = tpu.memref_squeeze %dma_wait3A_663 : memref<1x128x32xf32, #tpu.memory_space<hbm>> -> memref<128x32xf32, #tpu.memory_space<hbm>>
        %dma_wait3A_665 = tpu.memref_slice %arg4[%select_n3A_623, %add3A_642, %mul3A_644] : memref<4x16384x128xf32, #tpu.memory_space<hbm>> -> memref<1x128x32xf32, #tpu.memory_space<hbm>>
        %dma_wait3A_666 = tpu.memref_squeeze %dma_wait3A_665 : memref<1x128x32xf32, #tpu.memory_space<hbm>> -> memref<128x32xf32, #tpu.memory_space<hbm>>
        %dma_wait3A_667 = arith.constant 0 : i32
        %dma_wait3A_668 = arith.constant 0 : i32
        %dma_wait3A_669 = tpu.memref_slice %arg6[%run_scoped3A_645, %dma_wait3A_667, %dma_wait3A_668] : memref<4x128x32xf32, #tpu.memory_space<vmem>> -> memref<1x128x32xf32, #tpu.memory_space<vmem>>
        %dma_wait3A_670 = tpu.memref_squeeze %dma_wait3A_669 : memref<1x128x32xf32, #tpu.memory_space<vmem>> -> memref<128x32xf32, #tpu.memory_space<vmem>>
        tpu.wait_dma2 semaphore(%run_scoped3A_646 : memref<!tpu.dma_semaphore, #tpu.memory_space<semaphore_mem>>) src(%dma_wait3A_670 : memref<128x32xf32, #tpu.memory_space<vmem>>) dst(%dma_wait3A_666 : memref<128x32xf32, #tpu.memory_space<hbm>>)
        tpu.yield
      }) : () -> ()
    }
    %scan3A_7 = arith.constant 16 : i32
    return
  }
}

module attributes {stable_mosaic.version = 14 : i64} {
  func.func @_mlp_body(%arg0: i32, %arg1: memref<4x1024x128xf32, #tpu.memory_space<vmem>>, %arg2: memref<3x1024x128xf32, #tpu.memory_space<vmem>>, %arg3: memref<1024x13xf32, #tpu.memory_space<vmem>>, %arg4: memref<4x128x128xf32, #tpu.memory_space<vmem>>, %arg5: memref<3x128x128xf32, #tpu.memory_space<vmem>>, %arg6: memref<13x128xf32, #tpu.memory_space<vmem>>, %arg7: memref<1x128xf32, #tpu.memory_space<vmem>>, %arg8: memref<1x128xf32, #tpu.memory_space<vmem>>, %arg9: memref<1x128xf32, #tpu.memory_space<vmem>>, %arg10: memref<128x64xf32, #tpu.memory_space<vmem>>, %arg11: memref<1x64xf32, #tpu.memory_space<vmem>>, %arg12: memref<1x64xf32, #tpu.memory_space<vmem>>, %arg13: memref<1x64xf32, #tpu.memory_space<vmem>>, %arg14: memref<64x1xf32, #tpu.memory_space<vmem>>, %arg15: memref<1x1xf32, #tpu.memory_space<vmem>>, %arg16: memref<1024x1xf32, #tpu.memory_space<vmem>>) attributes {dimension_semantics = [#tpu.dimension_semantics<arbitrary>], iteration_bounds = array<i64: 16>, scalar_prefetch = 0 : i64, scratch_operands = 0 : i64, tpu.core_type = #tpu.core_type<tc>, window_params = [{transform_indices = @transform_0, window_bounds = array<i64: 4, 1024, 128>}, {transform_indices = @transform_1, window_bounds = array<i64: 3, 1024, 128>}, {transform_indices = @transform_2, window_bounds = array<i64: 1024, 13>}, {pipeline_mode = #tpu.pipeline_mode<synchronous>, transform_indices = @transform_3, window_bounds = array<i64: 4, 128, 128>}, {pipeline_mode = #tpu.pipeline_mode<synchronous>, transform_indices = @transform_4, window_bounds = array<i64: 3, 128, 128>}, {pipeline_mode = #tpu.pipeline_mode<synchronous>, transform_indices = @transform_5, window_bounds = array<i64: 13, 128>}, {pipeline_mode = #tpu.pipeline_mode<synchronous>, transform_indices = @transform_6, window_bounds = array<i64: 1, 128>}, {pipeline_mode = #tpu.pipeline_mode<synchronous>, transform_indices = @transform_7, window_bounds = array<i64: 1, 128>}, {pipeline_mode = #tpu.pipeline_mode<synchronous>, transform_indices = @transform_8, window_bounds = array<i64: 1, 128>}, {pipeline_mode = #tpu.pipeline_mode<synchronous>, transform_indices = @transform_9, window_bounds = array<i64: 128, 64>}, {pipeline_mode = #tpu.pipeline_mode<synchronous>, transform_indices = @transform_10, window_bounds = array<i64: 1, 64>}, {pipeline_mode = #tpu.pipeline_mode<synchronous>, transform_indices = @transform_11, window_bounds = array<i64: 1, 64>}, {pipeline_mode = #tpu.pipeline_mode<synchronous>, transform_indices = @transform_12, window_bounds = array<i64: 1, 64>}, {pipeline_mode = #tpu.pipeline_mode<synchronous>, transform_indices = @transform_13, window_bounds = array<i64: 64, 1>}, {pipeline_mode = #tpu.pipeline_mode<synchronous>, transform_indices = @transform_14, window_bounds = array<i64: 1, 1>}, {transform_indices = @transform_15, window_bounds = array<i64: 1024, 1>}]} {
    %get3A = arith.constant 0 : index
    %get3A_0 = arith.constant 0 : index
    %get3A_1 = arith.constant 0 : index
    %get3A_2 = vector.load %arg1[%get3A, %get3A_0, %get3A_1] : memref<4x1024x128xf32, #tpu.memory_space<vmem>>, vector<1x1024x128xf32>
    %get3A_3 = vector.shape_cast %get3A_2 : vector<1x1024x128xf32> to vector<1024x128xf32>
    %get3A_4 = arith.constant 0 : index
    %get3A_5 = arith.constant 0 : index
    %get3A_6 = arith.constant 0 : index
    %get3A_7 = vector.load %arg4[%get3A_4, %get3A_5, %get3A_6] : memref<4x128x128xf32, #tpu.memory_space<vmem>>, vector<1x128x128xf32>
    %get3A_8 = vector.shape_cast %get3A_7 : vector<1x128x128xf32> to vector<128x128xf32>
    %dot_general3A = arith.constant dense<0.000000e+00> : vector<1024x128xf32>
    %dot_general3A_9 = tpu.matmul %get3A_3, %get3A_8, %dot_general3A {dimension_numbers = #tpu.dot_dimension_numbers<[1], [0], [0], [1], [0, 0, 1, 1], [], []>, transpose_lhs_hint = false} : vector<1024x128xf32>, vector<128x128xf32>, vector<1024x128xf32> -> vector<1024x128xf32>
    %get3A_10 = arith.constant 1 : index
    %get3A_11 = arith.constant 0 : index
    %get3A_12 = arith.constant 0 : index
    %get3A_13 = vector.load %arg1[%get3A_10, %get3A_11, %get3A_12] : memref<4x1024x128xf32, #tpu.memory_space<vmem>>, vector<1x1024x128xf32>
    %get3A_14 = vector.shape_cast %get3A_13 : vector<1x1024x128xf32> to vector<1024x128xf32>
    %get3A_15 = arith.constant 1 : index
    %get3A_16 = arith.constant 0 : index
    %get3A_17 = arith.constant 0 : index
    %get3A_18 = vector.load %arg4[%get3A_15, %get3A_16, %get3A_17] : memref<4x128x128xf32, #tpu.memory_space<vmem>>, vector<1x128x128xf32>
    %get3A_19 = vector.shape_cast %get3A_18 : vector<1x128x128xf32> to vector<128x128xf32>
    %dot_general3A_20 = arith.constant dense<0.000000e+00> : vector<1024x128xf32>
    %dot_general3A_21 = tpu.matmul %get3A_14, %get3A_19, %dot_general3A_20 {dimension_numbers = #tpu.dot_dimension_numbers<[1], [0], [0], [1], [0, 0, 1, 1], [], []>, transpose_lhs_hint = false} : vector<1024x128xf32>, vector<128x128xf32>, vector<1024x128xf32> -> vector<1024x128xf32>
    %add3A = arith.addf %dot_general3A_9, %dot_general3A_21 : vector<1024x128xf32>
    %get3A_22 = arith.constant 2 : index
    %get3A_23 = arith.constant 0 : index
    %get3A_24 = arith.constant 0 : index
    %get3A_25 = vector.load %arg1[%get3A_22, %get3A_23, %get3A_24] : memref<4x1024x128xf32, #tpu.memory_space<vmem>>, vector<1x1024x128xf32>
    %get3A_26 = vector.shape_cast %get3A_25 : vector<1x1024x128xf32> to vector<1024x128xf32>
    %get3A_27 = arith.constant 2 : index
    %get3A_28 = arith.constant 0 : index
    %get3A_29 = arith.constant 0 : index
    %get3A_30 = vector.load %arg4[%get3A_27, %get3A_28, %get3A_29] : memref<4x128x128xf32, #tpu.memory_space<vmem>>, vector<1x128x128xf32>
    %get3A_31 = vector.shape_cast %get3A_30 : vector<1x128x128xf32> to vector<128x128xf32>
    %dot_general3A_32 = arith.constant dense<0.000000e+00> : vector<1024x128xf32>
    %dot_general3A_33 = tpu.matmul %get3A_26, %get3A_31, %dot_general3A_32 {dimension_numbers = #tpu.dot_dimension_numbers<[1], [0], [0], [1], [0, 0, 1, 1], [], []>, transpose_lhs_hint = false} : vector<1024x128xf32>, vector<128x128xf32>, vector<1024x128xf32> -> vector<1024x128xf32>
    %add3A_34 = arith.addf %add3A, %dot_general3A_33 : vector<1024x128xf32>
    %get3A_35 = arith.constant 3 : index
    %get3A_36 = arith.constant 0 : index
    %get3A_37 = arith.constant 0 : index
    %get3A_38 = vector.load %arg1[%get3A_35, %get3A_36, %get3A_37] : memref<4x1024x128xf32, #tpu.memory_space<vmem>>, vector<1x1024x128xf32>
    %get3A_39 = vector.shape_cast %get3A_38 : vector<1x1024x128xf32> to vector<1024x128xf32>
    %get3A_40 = arith.constant 3 : index
    %get3A_41 = arith.constant 0 : index
    %get3A_42 = arith.constant 0 : index
    %get3A_43 = vector.load %arg4[%get3A_40, %get3A_41, %get3A_42] : memref<4x128x128xf32, #tpu.memory_space<vmem>>, vector<1x128x128xf32>
    %get3A_44 = vector.shape_cast %get3A_43 : vector<1x128x128xf32> to vector<128x128xf32>
    %dot_general3A_45 = arith.constant dense<0.000000e+00> : vector<1024x128xf32>
    %dot_general3A_46 = tpu.matmul %get3A_39, %get3A_44, %dot_general3A_45 {dimension_numbers = #tpu.dot_dimension_numbers<[1], [0], [0], [1], [0, 0, 1, 1], [], []>, transpose_lhs_hint = false} : vector<1024x128xf32>, vector<128x128xf32>, vector<1024x128xf32> -> vector<1024x128xf32>
    %add3A_47 = arith.addf %add3A_34, %dot_general3A_46 : vector<1024x128xf32>
    %get3A_48 = arith.constant 0 : index
    %get3A_49 = arith.constant 0 : index
    %get3A_50 = arith.constant 0 : index
    %get3A_51 = vector.load %arg2[%get3A_48, %get3A_49, %get3A_50] : memref<3x1024x128xf32, #tpu.memory_space<vmem>>, vector<1x1024x128xf32>
    %get3A_52 = vector.shape_cast %get3A_51 : vector<1x1024x128xf32> to vector<1024x128xf32>
    %get3A_53 = arith.constant 0 : index
    %get3A_54 = arith.constant 0 : index
    %get3A_55 = arith.constant 0 : index
    %get3A_56 = vector.load %arg5[%get3A_53, %get3A_54, %get3A_55] : memref<3x128x128xf32, #tpu.memory_space<vmem>>, vector<1x128x128xf32>
    %get3A_57 = vector.shape_cast %get3A_56 : vector<1x128x128xf32> to vector<128x128xf32>
    %dot_general3A_58 = arith.constant dense<0.000000e+00> : vector<1024x128xf32>
    %dot_general3A_59 = tpu.matmul %get3A_52, %get3A_57, %dot_general3A_58 {dimension_numbers = #tpu.dot_dimension_numbers<[1], [0], [0], [1], [0, 0, 1, 1], [], []>, transpose_lhs_hint = false} : vector<1024x128xf32>, vector<128x128xf32>, vector<1024x128xf32> -> vector<1024x128xf32>
    %add3A_60 = arith.addf %add3A_47, %dot_general3A_59 : vector<1024x128xf32>
    %get3A_61 = arith.constant 1 : index
    %get3A_62 = arith.constant 0 : index
    %get3A_63 = arith.constant 0 : index
    %get3A_64 = vector.load %arg2[%get3A_61, %get3A_62, %get3A_63] : memref<3x1024x128xf32, #tpu.memory_space<vmem>>, vector<1x1024x128xf32>
    %get3A_65 = vector.shape_cast %get3A_64 : vector<1x1024x128xf32> to vector<1024x128xf32>
    %get3A_66 = arith.constant 1 : index
    %get3A_67 = arith.constant 0 : index
    %get3A_68 = arith.constant 0 : index
    %get3A_69 = vector.load %arg5[%get3A_66, %get3A_67, %get3A_68] : memref<3x128x128xf32, #tpu.memory_space<vmem>>, vector<1x128x128xf32>
    %get3A_70 = vector.shape_cast %get3A_69 : vector<1x128x128xf32> to vector<128x128xf32>
    %dot_general3A_71 = arith.constant dense<0.000000e+00> : vector<1024x128xf32>
    %dot_general3A_72 = tpu.matmul %get3A_65, %get3A_70, %dot_general3A_71 {dimension_numbers = #tpu.dot_dimension_numbers<[1], [0], [0], [1], [0, 0, 1, 1], [], []>, transpose_lhs_hint = false} : vector<1024x128xf32>, vector<128x128xf32>, vector<1024x128xf32> -> vector<1024x128xf32>
    %add3A_73 = arith.addf %add3A_60, %dot_general3A_72 : vector<1024x128xf32>
    %iota3A = tpu.iota {dimensions = array<i32: 1>} : vector<1024x128xi32>
    %lt3A = arith.constant 64 : i32
    %lt3A_74 = vector.broadcast %lt3A : i32 to vector<1024x128xi32>
    %lt3A_75 = arith.cmpi slt, %iota3A, %lt3A_74 : vector<1024x128xi32>
    %get3A_76 = arith.constant 2 : index
    %get3A_77 = arith.constant 0 : index
    %get3A_78 = arith.constant 0 : index
    %get3A_79 = vector.load %arg2[%get3A_76, %get3A_77, %get3A_78] : memref<3x1024x128xf32, #tpu.memory_space<vmem>>, vector<1x1024x128xf32>
    %get3A_80 = vector.shape_cast %get3A_79 : vector<1x1024x128xf32> to vector<1024x128xf32>
    %jit3A = arith.constant 0.000000e+00 : f32
    %broadcast_in_dim3A = vector.broadcast %jit3A : f32 to vector<1024x128xf32>
    %select_n3A = arith.select %lt3A_75, %get3A_80, %broadcast_in_dim3A : vector<1024x128xi1>, vector<1024x128xf32>
    %get3A_81 = arith.constant 2 : index
    %get3A_82 = arith.constant 0 : index
    %get3A_83 = arith.constant 0 : index
    %get3A_84 = vector.load %arg5[%get3A_81, %get3A_82, %get3A_83] : memref<3x128x128xf32, #tpu.memory_space<vmem>>, vector<1x128x128xf32>
    %get3A_85 = vector.shape_cast %get3A_84 : vector<1x128x128xf32> to vector<128x128xf32>
    %dot_general3A_86 = arith.constant dense<0.000000e+00> : vector<1024x128xf32>
    %dot_general3A_87 = tpu.matmul %select_n3A, %get3A_85, %dot_general3A_86 {dimension_numbers = #tpu.dot_dimension_numbers<[1], [0], [0], [1], [0, 0, 1, 1], [], []>, transpose_lhs_hint = false} : vector<1024x128xf32>, vector<128x128xf32>, vector<1024x128xf32> -> vector<1024x128xf32>
    %add3A_88 = arith.addf %add3A_73, %dot_general3A_87 : vector<1024x128xf32>
    %get3A_89 = arith.constant 0 : index
    %get3A_90 = arith.constant 0 : index
    %get3A_91 = vector.load %arg3[%get3A_89, %get3A_90] : memref<1024x13xf32, #tpu.memory_space<vmem>>, vector<1024x13xf32>
    %get3A_92 = arith.constant 0 : index
    %get3A_93 = arith.constant 0 : index
    %get3A_94 = vector.load %arg6[%get3A_92, %get3A_93] : memref<13x128xf32, #tpu.memory_space<vmem>>, vector<13x128xf32>
    %dot_general3A_95 = arith.constant dense<0.000000e+00> : vector<1024x128xf32>
    %dot_general3A_96 = tpu.matmul %get3A_91, %get3A_94, %dot_general3A_95 {dimension_numbers = #tpu.dot_dimension_numbers<[1], [0], [0], [1], [0, 0, 1, 1], [], []>, transpose_lhs_hint = false} : vector<1024x13xf32>, vector<13x128xf32>, vector<1024x128xf32> -> vector<1024x128xf32>
    %add3A_97 = arith.addf %add3A_88, %dot_general3A_96 : vector<1024x128xf32>
    %get3A_98 = arith.constant 0 : index
    %get3A_99 = arith.constant 0 : index
    %get3A_100 = vector.load %arg7[%get3A_98, %get3A_99] : memref<1x128xf32, #tpu.memory_space<vmem>>, vector<1x128xf32>
    %add3A_101 = vector.broadcast %get3A_100 : vector<1x128xf32> to vector<1024x128xf32>
    %add3A_102 = arith.addf %add3A_97, %add3A_101 : vector<1024x128xf32>
    %max3A = arith.constant 0.000000e+00 : f32
    %max3A_103 = vector.broadcast %max3A : f32 to vector<1024x128xf32>
    %max3A_104 = arith.maximumf %add3A_102, %max3A_103 : vector<1024x128xf32>
    %get3A_105 = arith.constant 0 : index
    %get3A_106 = arith.constant 0 : index
    %get3A_107 = vector.load %arg8[%get3A_105, %get3A_106] : memref<1x128xf32, #tpu.memory_space<vmem>>, vector<1x128xf32>
    %mul3A = arith.constant 0.999994993 : f32
    %mul3A_108 = vector.broadcast %mul3A : f32 to vector<1x128xf32>
    %mul3A_109 = arith.mulf %get3A_107, %mul3A_108 : vector<1x128xf32>
    %mul3A_110 = vector.broadcast %mul3A_109 : vector<1x128xf32> to vector<1024x128xf32>
    %mul3A_111 = arith.mulf %max3A_104, %mul3A_110 : vector<1024x128xf32>
    %get3A_112 = arith.constant 0 : index
    %get3A_113 = arith.constant 0 : index
    %get3A_114 = vector.load %arg9[%get3A_112, %get3A_113] : memref<1x128xf32, #tpu.memory_space<vmem>>, vector<1x128xf32>
    %add3A_115 = vector.broadcast %get3A_114 : vector<1x128xf32> to vector<1024x128xf32>
    %add3A_116 = arith.addf %mul3A_111, %add3A_115 : vector<1024x128xf32>
    %get3A_117 = arith.constant 0 : index
    %get3A_118 = arith.constant 0 : index
    %get3A_119 = vector.load %arg10[%get3A_117, %get3A_118] : memref<128x64xf32, #tpu.memory_space<vmem>>, vector<128x64xf32>
    %dot_general3A_120 = arith.constant dense<0.000000e+00> : vector<1024x64xf32>
    %dot_general3A_121 = tpu.matmul %add3A_116, %get3A_119, %dot_general3A_120 {dimension_numbers = #tpu.dot_dimension_numbers<[1], [0], [0], [1], [0, 0, 1, 1], [], []>, transpose_lhs_hint = false} : vector<1024x128xf32>, vector<128x64xf32>, vector<1024x64xf32> -> vector<1024x64xf32>
    %get3A_122 = arith.constant 0 : index
    %get3A_123 = arith.constant 0 : index
    %get3A_124 = vector.load %arg11[%get3A_122, %get3A_123] : memref<1x64xf32, #tpu.memory_space<vmem>>, vector<1x64xf32>
    %add3A_125 = vector.broadcast %get3A_124 : vector<1x64xf32> to vector<1024x64xf32>
    %add3A_126 = arith.addf %dot_general3A_121, %add3A_125 : vector<1024x64xf32>
    %max3A_127 = arith.constant 0.000000e+00 : f32
    %max3A_128 = vector.broadcast %max3A_127 : f32 to vector<1024x64xf32>
    %max3A_129 = arith.maximumf %add3A_126, %max3A_128 : vector<1024x64xf32>
    %get3A_130 = arith.constant 0 : index
    %get3A_131 = arith.constant 0 : index
    %get3A_132 = vector.load %arg12[%get3A_130, %get3A_131] : memref<1x64xf32, #tpu.memory_space<vmem>>, vector<1x64xf32>
    %mul3A_133 = arith.constant 0.999994993 : f32
    %mul3A_134 = vector.broadcast %mul3A_133 : f32 to vector<1x64xf32>
    %mul3A_135 = arith.mulf %get3A_132, %mul3A_134 : vector<1x64xf32>
    %mul3A_136 = vector.broadcast %mul3A_135 : vector<1x64xf32> to vector<1024x64xf32>
    %mul3A_137 = arith.mulf %max3A_129, %mul3A_136 : vector<1024x64xf32>
    %get3A_138 = arith.constant 0 : index
    %get3A_139 = arith.constant 0 : index
    %get3A_140 = vector.load %arg13[%get3A_138, %get3A_139] : memref<1x64xf32, #tpu.memory_space<vmem>>, vector<1x64xf32>
    %add3A_141 = vector.broadcast %get3A_140 : vector<1x64xf32> to vector<1024x64xf32>
    %add3A_142 = arith.addf %mul3A_137, %add3A_141 : vector<1024x64xf32>
    %get3A_143 = arith.constant 0 : index
    %get3A_144 = arith.constant 0 : index
    %get3A_145 = vector.load %arg14[%get3A_143, %get3A_144] : memref<64x1xf32, #tpu.memory_space<vmem>>, vector<64x1xf32>
    %dot_general3A_146 = arith.constant dense<0.000000e+00> : vector<1024x1xf32>
    %dot_general3A_147 = tpu.matmul %add3A_142, %get3A_145, %dot_general3A_146 {dimension_numbers = #tpu.dot_dimension_numbers<[1], [0], [0], [1], [0, 0, 1, 1], [], []>, transpose_lhs_hint = false} : vector<1024x64xf32>, vector<64x1xf32>, vector<1024x1xf32> -> vector<1024x1xf32>
    %get3A_148 = arith.constant 0 : index
    %get3A_149 = arith.constant 0 : index
    %get3A_150 = vector.load %arg15[%get3A_148, %get3A_149] : memref<1x1xf32, #tpu.memory_space<vmem>>, vector<1x1xf32>
    %add3A_151 = vector.broadcast %get3A_150 : vector<1x1xf32> to vector<1024x1xf32>
    %add3A_152 = arith.addf %dot_general3A_147, %add3A_151 : vector<1024x1xf32>
    %swap3A = arith.constant 0 : index
    %swap3A_153 = arith.constant 0 : index
    %swap3A_154 = vector.load %arg16[%swap3A, %swap3A_153] : memref<1024x1xf32, #tpu.memory_space<vmem>>, vector<1024x1xf32>
    tpu.vector_store %arg16[%swap3A, %swap3A_153], %add3A_152 {strides = array<i32>} : memref<1024x1xf32, #tpu.memory_space<vmem>>, vector<1024x1xf32>,
    return
  }
  func.func @transform_0(%arg0: i32) -> (i32, i32, i32) {
    %c0_i32 = arith.constant 0 : i32
    %c0_i32_0 = arith.constant 0 : i32
    %c0_i32_1 = arith.constant 0 : i32
    return %c0_i32, %arg0, %c0_i32_0 : i32, i32, i32
  }
  func.func @transform_1(%arg0: i32) -> (i32, i32, i32) {
    %c0_i32 = arith.constant 0 : i32
    %c0_i32_0 = arith.constant 0 : i32
    %c0_i32_1 = arith.constant 0 : i32
    return %c0_i32, %arg0, %c0_i32_0 : i32, i32, i32
  }
  func.func @transform_2(%arg0: i32) -> (i32, i32) {
    %c0_i32 = arith.constant 0 : i32
    %c0_i32_0 = arith.constant 0 : i32
    return %arg0, %c0_i32 : i32, i32
  }
  func.func @transform_3(%arg0: i32) -> (i32, i32, i32) {
    %c0_i32 = arith.constant 0 : i32
    %c0_i32_0 = arith.constant 0 : i32
    %c0_i32_1 = arith.constant 0 : i32
    %c0_i32_2 = arith.constant 0 : i32
    return %c0_i32, %c0_i32_0, %c0_i32_1 : i32, i32, i32
  }
  func.func @transform_4(%arg0: i32) -> (i32, i32, i32) {
    %c0_i32 = arith.constant 0 : i32
    %c0_i32_0 = arith.constant 0 : i32
    %c0_i32_1 = arith.constant 0 : i32
    %c0_i32_2 = arith.constant 0 : i32
    return %c0_i32, %c0_i32_0, %c0_i32_1 : i32, i32, i32
  }
  func.func @transform_5(%arg0: i32) -> (i32, i32) {
    %c0_i32 = arith.constant 0 : i32
    %c0_i32_0 = arith.constant 0 : i32
    %c0_i32_1 = arith.constant 0 : i32
    return %c0_i32, %c0_i32_0 : i32, i32
  }
  func.func @transform_6(%arg0: i32) -> (i32, i32) {
    %c0_i32 = arith.constant 0 : i32
    %c0_i32_0 = arith.constant 0 : i32
    %c0_i32_1 = arith.constant 0 : i32
    return %c0_i32, %c0_i32_0 : i32, i32
  }
  func.func @transform_7(%arg0: i32) -> (i32, i32) {
    %c0_i32 = arith.constant 0 : i32
    %c0_i32_0 = arith.constant 0 : i32
    %c0_i32_1 = arith.constant 0 : i32
    return %c0_i32, %c0_i32_0 : i32, i32
  }
  func.func @transform_8(%arg0: i32) -> (i32, i32) {
    %c0_i32 = arith.constant 0 : i32
    %c0_i32_0 = arith.constant 0 : i32
    %c0_i32_1 = arith.constant 0 : i32
    return %c0_i32, %c0_i32_0 : i32, i32
  }
  func.func @transform_9(%arg0: i32) -> (i32, i32) {
    %c0_i32 = arith.constant 0 : i32
    %c0_i32_0 = arith.constant 0 : i32
    %c0_i32_1 = arith.constant 0 : i32
    return %c0_i32, %c0_i32_0 : i32, i32
  }
  func.func @transform_10(%arg0: i32) -> (i32, i32) {
    %c0_i32 = arith.constant 0 : i32
    %c0_i32_0 = arith.constant 0 : i32
    %c0_i32_1 = arith.constant 0 : i32
    return %c0_i32, %c0_i32_0 : i32, i32
  }
  func.func @transform_11(%arg0: i32) -> (i32, i32) {
    %c0_i32 = arith.constant 0 : i32
    %c0_i32_0 = arith.constant 0 : i32
    %c0_i32_1 = arith.constant 0 : i32
    return %c0_i32, %c0_i32_0 : i32, i32
  }
  func.func @transform_12(%arg0: i32) -> (i32, i32) {
    %c0_i32 = arith.constant 0 : i32
    %c0_i32_0 = arith.constant 0 : i32
    %c0_i32_1 = arith.constant 0 : i32
    return %c0_i32, %c0_i32_0 : i32, i32
  }
  func.func @transform_13(%arg0: i32) -> (i32, i32) {
    %c0_i32 = arith.constant 0 : i32
    %c0_i32_0 = arith.constant 0 : i32
    %c0_i32_1 = arith.constant 0 : i32
    return %c0_i32, %c0_i32_0 : i32, i32
  }
  func.func @transform_14(%arg0: i32) -> (i32, i32) {
    %c0_i32 = arith.constant 0 : i32
    %c0_i32_0 = arith.constant 0 : i32
    %c0_i32_1 = arith.constant 0 : i32
    return %c0_i32, %c0_i32_0 : i32, i32
  }
  func.func @transform_15(%arg0: i32) -> (i32, i32) {
    %c0_i32 = arith.constant 0 : i32
    %c0_i32_0 = arith.constant 0 : i32
    return %arg0, %c0_i32 : i32, i32
  }
}

</mosaic_0001>

<sc_bundles>
// kernel: kernel.5.cloned.1.call-start
scs
__scs_entry_jumppad:
0x0: {  	(pc) =	sbr.rel $0x88, $3  }
0x1: {  	(tag) =	ssettag $0x0;
	lr =	simm.s32 $0x1  }
0x2: {  	[smem:$0x3F94] =	sst lr;
	_ =	strace $0xD0000000  }
0x3: {  	_ = 	snop  }
0x4: {  	_ = 	snop  }
0x5: {  	_ = 	snop  }
0x6: {  	_ = 	snop  }
0x7: {  	_ = 	snop  }
__scs_overlays_trampoline_lowered:
0x8: {  	[smem:$0x3FA3] =	sst s0  }
0x9: {  	[smem:$0x3FA4] =	sst s1  }
0xa: {  	[smem:$0x3FA5] =	sst s2  }
0xb: {  	[smem:$0x3FA6] =	sst s3  }
0xc: {  	[smem:$0x3FA7] =	sst s4  }
0xd: {  	[smem:$0x3FA8] =	sst s5  }
0xe: {  	[smem:$0x3FA9] =	sst s6  }
0xf: {  	[smem:$0x3FAA] =	sst s7  }
0x10: {  	[smem:$0x3FAB] =	sst s8  }
0x11: {  	[smem:$0x3FAC] =	sst s9;
	s0 =	simm.s32 @!p0 $0x0  }
0x12: {  	s1 =	sld [smem:$0x3F92];
	s0 =	simm.s32 @p0 $0x1  }
0x13: {  	[smem:$0x3FAD] =	sst s0;
	s0 =	simm.s32 @!p1 $0x0  }
0x14: {  	s2 =	sld [smem:$0x3F91];
	s0 =	simm.s32 @p1 $0x1  }
0x15: {  	[smem:$0x3FAE] =	sst s0;
	s0 =	simm.s32 @!p2 $0x0  }
0x16: {  	s3 =	sld [smem:$0x3FDB];
	s0 =	simm.s32 @p2 $0x1  }
0x17: {  	s4 =	simm.s32 $0x1BF5;
	[smem:$0x3FB0] =	sst s0  }
0x18: {  	s0 =	sld [smem:$0x3F93];
	_ =	swait.ge [sflag:s4], $0x0  }
0x19: {  	s7 =	sld [smem:$0x3F94]  }
0x1a: {  	s8 =	sadd.s32 $0xFFFFE003, lr  }
0x1b: {  	s9 =	sadd.s32 $0xFFFFFEF7, lr;
	s5 =	simm.s32 $0xFFFFFFFF;
	p2 =	slt.u32 s8, $0xFFFFF086  }
0x1c: {  	p1 =	slt.u32 s9, $0xF7A;
	s5 =	simm.s32 @!p2 $0x0  }
0x1d: {  	s5 =	simm.s32 @p1 $0x1;
	p0 =	seq.s32 s7, s2  }
0x1e: {  	s7 =	smul.u32 @!p0 $0xF7A, s2;
	p2 =	seq.s32 @!p0 s5, $0x0  }
0x1f: {  	s9 =	smul.u32 $0xF7A, s1;
	s8 =	simm.s32 @!p0 $0x1BF5;
	p2 =	por !p2, p0  }
0x20: {  	[sflag:s8] =	ssyncset.s32 @!p0 $0xFFFFF086;
	s6 =	sadd.s32 @!p0 s3, s7;
	s7 =	simm.s32 @!p0 $0x108  }
0x21: {  	s3 =	sadd.s32 s3, s9;
	s6 =	sadd.s32 @!p0 $0x88, s6;
	s7 =	simm.s32 @p2 $0x1082  }
0x22: {  	[simem:s7], [sflag:s8] =	dma.local @!p0 [hbm:s6], $0xF7A  }
0x23: {  	s9 =	sor.u32 $0xD0000000, s2;
	s6 =	simm.s32 $0x108;
	_ =	swait.ge @!p0 [sflag:s8], $0x0  }
0x24: {  	s3 =	sadd.s32 $0x88, s3;
	s6 =	simm.s32 @!p1 $0x1082;
	[sflag:s4] =	ssyncset.s32 $0xFFFFF086  }
0x25: {  	[simem:s6], [sflag:s4] =	dma.local [hbm:s3], $0xF7A  }
0x26: {  	[smem:$0x3F94] =	sst s1;
	(tag) =	ssettag s2;
	_ =	strace s9  }
0x27: {  	s1 =	sld [smem:$0x3FA4]  }
0x28: {  	s2 =	sld [smem:$0x3FA5]  }
0x29: {  	s4 =	sld [smem:$0x3FA7]  }
0x2a: {  	p0 =	seq.s32 s5, $0x0;
	s5 =	sld [smem:$0x3FA8]  }
0x2b: {  	s6 =	sld [smem:$0x3FA9]  }
0x2c: {  	s7 =	sld [smem:$0x3FAA]  }
0x2d: {  	s3 =	simm.s32 $0x108;
	s8 =	sld [smem:$0x3FAB]  }
0x2e: {  	s3 =	simm.s32 @!p0 $0x1082;
	s9 =	sld [smem:$0x3FAC]  }
0x2f: {  	lr =	sadd.s32 s0, s3;
	s0 =	sld [smem:$0x3FA3]  }
0x30: {  	s3 =	sld [smem:$0x3FA6]  }
0x31: {  	[smem:$0x3FAF] =	sst s10  }
0x32: {  	s10 =	sld [smem:$0x3FAD];
	_ =	sdelay $0x3  }
0x33: {  	p0 =	seq.s32 s10, $0x1;
	s10 =	sld [smem:$0x3FAF];
	_ =	sdelay $0x3  }
0x34: {  	[smem:$0x3FAF] =	sst s10  }
0x35: {  	s10 =	sld [smem:$0x3FAE];
	_ =	sdelay $0x3  }
0x36: {  	p1 =	seq.s32 s10, $0x1;
	s10 =	sld [smem:$0x3FAF];
	_ =	sdelay $0x3  }
0x37: {  	[smem:$0x3FAF] =	sst s10  }
0x38: {  	s10 =	sld [smem:$0x3FB0]  }
0x39: {  	_ = 	snop;
	(pc) =	sbr.ind lr, $3  }
0x3a: {  	_ = 	snop  }
0x3b: {  	_ = 	snop  }
0x3c: {  	p2 =	seq.s32 s10, $0x1;
	s10 =	sld [smem:$0x3FAF]  }
0x3d: {  	_ =	shalt  }
0x3e: {  	_ =	shalt  }
0x3f: {  	_ =	shalt  }
0x40: {  	_ =	shalt  }
0x41: {  	_ =	shalt  }
0x42: {  	_ =	shalt  }
0x43: {  	_ =	shalt  }
0x44: {  	_ =	shalt  }
0x45: {  	_ =	shalt  }
0x46: {  	_ =	shalt  }
0x47: {  	_ =	shalt  }
0x48: {  	_ =	shalt  }
0x49: {  	_ =	shalt  }
0x4a: {  	_ =	shalt  }
0x4b: {  	_ =	shalt  }
0x4c: {  	_ =	shalt  }
0x4d: {  	_ =	shalt  }
0x4e: {  	_ =	shalt  }
0x4f: {  	_ =	shalt  }
0x50: {  	_ =	shalt  }
0x51: {  	_ =	shalt  }
0x52: {  	_ =	shalt  }
0x53: {  	_ =	shalt  }
0x54: {  	_ =	shalt  }
0x55: {  	_ =	shalt  }
0x56: {  	_ =	shalt  }
0x57: {  	_ =	shalt  }
0x58: {  	_ =	shalt  }
0x59: {  	_ =	shalt  }
0x5a: {  	_ =	shalt  }
0x5b: {  	_ =	shalt  }
0x5c: {  	_ =	shalt  }
0x5d: {  	_ =	shalt  }
0x5e: {  	_ =	shalt  }
0x5f: {  	_ =	shalt  }
0x60: {  	_ =	shalt  }
0x61: {  	_ =	shalt  }
0x62: {  	_ =	shalt  }
0x63: {  	_ =	shalt  }
0x64: {  	_ =	shalt  }
0x65: {  	_ =	shalt  }
0x66: {  	_ =	shalt  }
0x67: {  	_ =	shalt  }
0x68: {  	_ =	shalt  }
0x69: {  	_ =	shalt  }
0x6a: {  	_ =	shalt  }
0x6b: {  	_ =	shalt  }
0x6c: {  	_ =	shalt  }
0x6d: {  	_ =	shalt  }
0x6e: {  	_ =	shalt  }
0x6f: {  	_ =	shalt  }
0x70: {  	_ =	shalt  }
0x71: {  	_ =	shalt  }
0x72: {  	_ =	shalt  }
0x73: {  	_ =	shalt  }
0x74: {  	_ =	shalt  }
0x75: {  	_ =	shalt  }
0x76: {  	_ =	shalt  }
0x77: {  	_ =	shalt  }
0x78: {  	_ =	shalt  }
0x79: {  	_ =	shalt  }
0x7a: {  	_ =	shalt  }
0x7b: {  	_ =	shalt  }
0x7c: {  	_ =	shalt  }
0x7d: {  	_ =	shalt  }
0x7e: {  	_ =	shalt  }
0x7f: {  	_ =	shalt  }
0x80: {  	_ =	shalt  }
0x81: {  	_ =	shalt  }
0x82: {  	_ =	shalt  }
0x83: {  	_ =	shalt  }
0x84: {  	_ =	shalt  }
0x85: {  	_ =	shalt  }
0x86: {  	_ =	shalt  }
0x87: {  	_ =	shalt  }
.Lfunc_end0:
.L_simem_size_0:
called_computation.2_lowered:
.L_overlay_start_0:
0x88: {  	s2 =	sld [smem:$0x3FD9]  }
0x89: {  	s3 =	sld [smem:$0x3FFE];
	_ =	sdelay $0x1  }
0x8a: {  	s1 =	srdreg.scid  }
0x8b: {  	s0 =	sand.u32 $0x1, s1  }
0x8c: {  	s17 =	sshll.u32 s0, $0xA;
	s2 =	sadd.s32 s3, s2  }
0x8d: {  	s2 =	sadd.s32 s2, s17  }
0x8e: {  	[smem:$0x3FBB] =	sst s2  }
0x8f: {  	_ = 	snop  }
0x90: {  	(tm) =	ssettm $0x1  }
0x91: {  	s18 =	sld [smem:$0x3FFB];
	_ =	sdelay $0x3  }
0x92: {  	_ =	strace s18  }
0x93: {  	s2 =	sld [smem:$0x3FFC];
	_ =	sdelay $0x3  }
0x94: {  	_ =	strace s2  }
0x95: {  	s2 =	sld [smem:$0x3FFD];
	_ =	sdelay $0x3  }
0x96: {  	_ =	strace s2  }
0x97: {  	_ =	strace $0x8FFFFFFF  }
0x98: {  	s19 =	sld [smem:$0x3FDB];
	_ =	sdelay $0x1  }
0x99: {  	s20 =	simm.s32 $_scs_section_size  }
0x9a: {  	s4 =	simm.s32 $_size__tile_overlayer_lowered;
	s5 =	simm.s32 $_tile_overlayer_lowered  }
0x9b: {  	s6 =	simm.s32 $0x1BFF;
	s21 =	sshll.u32 s5, $0x1;
	s3 =	sadd.s32 s20, s19  }
0x9c: {  	s22 =	simm.s32 $0x0;
	s4 =	sshll.u32 s4, $0x1;
	s5 =	sadd.s32 s21, s3  }
0x9d: {  	[timem:s22], [sflag:s6] =	dma.local [hbm:s5], s4  }
0x9e: {  	_ =	swait.ge [sflag:s6], s4  }
0x9f: {  	s4 =	ssub.s32 $0x0, s4;
	[sflag:s6] =	ssyncset.done $0x0  }
0xa0: {  	[sflag:s6] =	ssyncadd.s32 s4;
	_ =	sdelay $0x1  }
0xa1: {  	s23 =	simm.s32 $0x1B8B  }
0xa2: {  	_ =	swait.ge [sflag:s23], $0x1  }
0xa3: {  	[sflag:s23] =	ssyncset.done $0x0  }
0xa4: {  	[sflag:s23] =	ssyncadd.s32 $0xFFFFFFFF  }
0xa5: {  	s4 =	sld [smem:$0x0]  }
0xa6: {  	s5 =	sand.u32 $0xFFFFFFFE, s1  }
0xa7: {  	p0 =	sne.s32 s1, s5  }
0xa8: {  	s5 =	sshll.u32 @p0 s5, $0xE  }
0xa9: {  	s5 =	sadd.s32 @p0 $0x11B8D, s5;
	s6 =	sshll.u32 @p0 s4, $0x11  }
0xaa: {  	s5 =	sor.u32 @p0 s6, s5  }
0xab: {  	[sflag:s5] =	ssyncadd.remote.s32 @p0 $0x1;
	_ =	sdelay $0x1  }
0xac: {  	s5 =	simm.s32 @p0 $0x1B8D  }
0xad: {  	_ =	swait.eq @p0 [sflag:s5], $0x1  }
0xae: {  	[sflag:s5] =	ssyncadd.s32 @p0 $0xFFFFFFFF  }
0xaf: {  	s6 =	sshll.u32 @!p0 s1, $0xE  }
0xb0: {  	s6 =	sor.u32 @!p0 $0x4000, s6;
	s5 =	simm.s32 @!p0 $0x1B8D  }
0xb1: {  	s4 =	sshll.u32 @!p0 s4, $0x11;
	s6 =	sadd.s32 @!p0 $0x11B8D, s6;
	_ =	swait.eq @!p0 [sflag:s5], $0x1  }
0xb2: {  	s4 =	sor.u32 @!p0 s4, s6;
	[sflag:s5] =	ssyncadd.s32 @!p0 $0xFFFFFFFF  }
0xb3: {  	s25 =	simm.s32 $0x1B8E;
	s24 =	sld [smem:$0x3FFE];
	[sflag:s4] =	ssyncadd.remote.s32 @!p0 $0x1  }
0xb4: {  	s26 =	simm.s32 $execute0_lowered;
	[smem:$0x3FD2] =	sst s25  }
0xb5: {  	s5 =	sshll.u32 s26, $0x1;
	_ =	strace $0x8000004F;
	[dreg:$0x1] =	wrdreg $0xFFFFFFFF  }
0xb6: {  	s28 =	simm.s32 $_size_execute0_lowered;
	s3 =	sadd.s32 s3, s5;
	[dreg:$0x0] =	wrdreg $0x0  }
0xb7: {  	s5 =	sshll.u32 s28, $0x1;
	[dreg:$0x2] =	wrdreg s3  }
0xb8: {  	[dreg:$0x3] =	wrdreg s5  }
0xb9: {  	[dreg:$0x4] =	wrdreg $0xC0  }
0xba: {  	_ =	task [dreg:s22], $0x5FFFF  }
0xbb: {  	[dreg:$0x1] =	wrdreg $0xFFFFFFFF  }
0xbc: {  	[dreg:$0x0] =	wrdreg $0x60  }
0xbd: {  	[dreg:$0x2] =	wrdreg s24  }
0xbe: {  	[dreg:$0x3] =	wrdreg $0x9  }
0xbf: {  	_ =	task.clear_ibuf [dreg:s22], $0x4FFFF;
	_ =	strace $0x9000004F  }
0xc0: {  	s29 =	simm.s32 $0x9;
	_ =	strace $0x80000051  }
0xc1: {  	_ =	swait.ge [sflag:s29], $0x1  }
0xc2: {  	[sflag:s29] =	ssyncadd.s32 $0xFFFFFFFF  }
0xc3: {  	_ =	strace $0x90000051  }
0xc4: {  	_ =	sfence  }
0xc5: {  	s30 =	sld [smem:$0x0];
	_ =	sdelay $0x2  }
0xc6: {  	s31 =	sshll.u32 s1, $0xD;
	s1 =	sshrl.u32 s1, $0x2  }
0xc7: {  	s4 =	sand.u32 $0x4000, s31;
	s1 =	sadd.s32 s1, s30  }
0xc8: {  	s0 =	sor.u32 s4, s0;
	s1 =	sshll.u32 s1, $0x11  }
0xc9: {  	s0 =	sor.u32 s1, s0  }
0xca: {  	s0 =	sadd.s32 $0x8F2B, s0  }
0xcb: {  	[sflag:s0] =	ssyncadd.remote.s32 $0x1  }
0xcc: {  	_ =	sfence.sel $0xFFFF  }
0xcd: {  	[dreg:$0x0] =	wrdreg $0xFFFFFFFF;
	(pc) =	sbr.abs _section_cstart, $3  }
0xce: {  	[dreg:$0x1] =	wrdreg $0xFFFFFFFF  }
0xcf: {  	_ =	task.clear_ibuf [dreg:s22], $0x2FFFF;
	_ =	strace $0x9FFFFFFF  }
0xd0: {  	(tm) =	ssettm $0x7FFFFFFF  }
0xd1: {  	_ =	shalt  }
tec
execute0_lowered:
.L_overlay_start_1:
0x0: {  	(tag) =	ssettag $0x1  }
0x1: {  	s6 =	rddreg [dreg:$0x0];
	s2 =	srdreg.scid  }
0x2: {  	s0 =	rddreg [dreg:$0x1];
	s1 =	stileid.u32  }
0x3: {  	s10 =	simm.s32 $0x80;
	s11 =	simm.s32 $0x2000;
	s12 =	simm.s32 $0x3000  }
0x4: {  	s13 =	simm.s32 $0x5000;
	s14 =	simm.s32 $0x1;
	s15 =	simm.s32 $0x20  }
0x5: {  	s16 =	simm.s32 $0x0;
	s5 =	sand.u32 $0x1, s2;
	s3 =	sshll.u32 s1, $0xA  }
0x6: {  	s2 =	simm.s32 $0x0;
	s8 =	sadd.s32 $0xAB5E00, s6;
	s9 =	sadd.s32 $0xAB5E04, s6  }
0x7: {  	s31 =	sadd.s32 $0xAB5E08, s6;
	s4 =	sshll.u32 s5, $0x9;
	[smem:$0x7FF] =	sst s2  }
0x8: {  	s5 =	ssub.s32 $0x2, s5;
	_ =	strace $0x80000050;
	[dreg:$0x2] =	wrdreg s8  }
0x9: {  	s3 =	sor.u32 s4, s3;
	s4 =	sadd.s32 $0x49B600, s6;
	[dreg:$0x3] =	wrdreg s9  }
0xa: {  	s30 =	sshrl.u32 s5, $0x1;
	[dreg:$0x4] =	wrdreg s31;
	s7 =	sshrl.u32 s3, $0x3  }
0xb: {  	s9 =	simm.s32 $0x2;
	s7 =	sadd.s32 s7, s6;
	s6 =	sadd.s32 $0xAB5E0C, s6  }
0xc: {  	s8 =	ssub.s32 s5, s30;
	s5 =	sadd.s32 $0x493600, s7;
	[dreg:$0x5] =	wrdreg s6  }
0xd: {  	s6 =	smax.u32 s8, $0x1;
	s7 =	simm.s32 $0x200;
	s8 =	simm.s32 $0x4000  }
.LBB2_1:
0xe: {  	[tilespmem:s2], [sflag:$0x2] =	stream.strided.gather [hbm4b:s5+s7], $0x2000, s8, s7, $0x38;
	[tilespmem:$0x6000] =	vst v63  }
0xf: {  	s17 =	sand.u32 $0xC, s2  }
0x10: {  	s18 =	sand.u32 $0x180, s2;
	_ =	swait.ge [sflag:s9], $0x2000;
	s19 =	sshll.u32 s17, $0x9  }
0x11: {  	s20 =	smul.u32 $0x61A80, s17;
	s21 =	sor.u32 $0x1, s17;
	s23 =	sor.u32 $0x3, s17  }
0x12: {  	s24 =	sor.u32 $0x2, s17;
	[sflag:s9] =	ssyncset.done $0x0;
	s22 =	smul.u32 $0x61A80, s21  }
0x13: {  	s19 =	sor.u32 s18, s19;
	s21 =	sshll.u32 s21, $0x9;
	s25 =	smul.u32 $0x61A80, s24  }
0x14: {  	s31 =	sshll.u32 s24, $0x9;
	[sflag:s9] =	ssyncadd.s32 $0xFFFFE000;
	s20 =	sadd.s32 s4, s20  }
0x15: {  	[tilespmem:s11], [sflag:$0x1] =	stream.indirect.gather [hbm4b:s20+s10], $0x20, s19, s10, $0xb8;
	[tilespmem:$0x6000] =	vst v63  }
0x16: {  	s26 =	sshll.u32 s23, $0x9;
	s21 =	sor.u32 s18, s21;
	s24 =	sadd.s32 s4, s22  }
0x17: {  	[tilespmem:s12], [sflag:$0x1] =	stream.indirect.gather [hbm4b:s24+s10], $0x20, s21, s10, $0xb8;
	[tilespmem:$0x6000] =	vst v63  }
0x18: {  	s19 =	sor.u32 s18, s31;
	s30 =	sadd.s32 s4, s25;
	s31 =	smul.u32 $0x61A80, s23  }
0x19: {  	[tilespmem:s8], [sflag:$0x1] =	stream.indirect.gather [hbm4b:s30+s10], $0x20, s19, s10, $0xb8;
	[tilespmem:$0x6000] =	vst v63  }
0x1a: {  	s22 =	sor.u32 s18, s26;
	s23 =	sadd.s32 s4, s31  }
0x1b: {  	[tilespmem:s13], [sflag:$0x1] =	stream.indirect.gather [hbm4b:s23+s10], $0x20, s22, s10, $0xb8;
	[tilespmem:$0x6000] =	vst v63  }
0x1c: {  	_ =	swait.ge [sflag:s14], $0x1000  }
0x1d: {  	s17 =	sshll.u32 s17, $0x10;
	s18 =	sor.u32 s3, s18;
	s24 =	rddreg [dreg:$0x2]  }
0x1e: {  	s18 =	sshll.u32 s18, $0x4;
	[sflag:s14] =	ssyncset.done $0x0;
	s17 =	sadd.s32 s24, s17  }
0x1f: {  	[sflag:s14] =	ssyncadd.s32 $0xFFFFF000;
	s17 =	sadd.s32 s18, s17  }
0x20: {  	[hbm4b:s17+s15] =	stream.strided.scatter [tilespmem:s11], [sflag:$0x2], $0x1000, s10, s15, $0x38;
	[tilespmem:$0x6000] =	vst v63  }
0x21: {  	_ =	swait.ge [sflag:s9], $0x1000  }
0x22: {  	[sflag:s9] =	ssyncset.done $0x0  }
0x23: {  	[sflag:s9] =	ssyncadd.s32 $0xFFFFF000  }
0x24: {  	s26 =	sand.u32 $0xC0000, s2;
	_ =	swait.ge [sflag:s14], $0x1000  }
0x25: {  	s29 =	sor.u32 s26, s18;
	s25 =	rddreg [dreg:$0x3];
	[sflag:s14] =	ssyncset.done $0x0  }
0x26: {  	[sflag:s14] =	ssyncadd.s32 $0xFFFFF000;
	s17 =	sadd.s32 s29, s25  }
0x27: {  	[hbm4b:s17+s15] =	stream.strided.scatter [tilespmem:s12], [sflag:$0x2], $0x1000, s10, s15, $0x38;
	[tilespmem:$0x6000] =	vst v63  }
0x28: {  	_ =	swait.ge [sflag:s9], $0x1000  }
0x29: {  	[sflag:s9] =	ssyncset.done $0x0  }
0x2a: {  	[sflag:s9] =	ssyncadd.s32 $0xFFFFF000  }
0x2b: {  	_ =	swait.ge [sflag:s14], $0x1000  }
0x2c: {  	s20 =	simm.s32 $0x4;
	s30 =	rddreg [dreg:$0x4];
	[sflag:s14] =	ssyncset.done $0x0  }
0x2d: {  	s21 =	sand.u32 $0xC, s20;
	[sflag:s14] =	ssyncadd.s32 $0xFFFFF000;
	s17 =	sadd.s32 s29, s30  }
0x2e: {  	[hbm4b:s17+s15] =	stream.strided.scatter [tilespmem:s8], [sflag:$0x2], $0x1000, s10, s15, $0x38;
	[tilespmem:$0x6000] =	vst v63  }
0x2f: {  	s31 =	sshll.u32 s21, $0x9;
	s28 =	sor.u32 $0x1, s21;
	_ =	swait.ge [sflag:s9], $0x1000  }
0x30: {  	s19 =	simm.s32 $0x20;
	s26 =	smul.u32 $0x61A80, s28;
	[sflag:s9] =	ssyncset.done $0x0  }
0x31: {  	s22 =	sand.u32 $0x180, s19;
	s23 =	sor.u32 $0x3, s21;
	[sflag:s9] =	ssyncadd.s32 $0xFFFFF000  }
0x32: {  	s24 =	sor.u32 s22, s31;
	s18 =	simm.s32 $0x80000;
	_ =	swait.ge [sflag:s14], $0x1000  }
0x33: {  	s25 =	smul.u32 $0x61A80, s21;
	s30 =	rddreg [dreg:$0x5];
	[sflag:s14] =	ssyncset.done $0x0  }
0x34: {  	s17 =	simm.s32 $0x40000;
	[sflag:s14] =	ssyncadd.s32 $0xFFFFF000;
	s29 =	sadd.s32 s29, s30  }
.LBB2_2:
0x35: {  	[hbm4b:s29+s15] =	stream.strided.scatter [tilespmem:s13], [sflag:$0x2], $0x1000, s10, s15, $0x38;
	[tilespmem:$0x6000] =	vst v63  }
0x36: {  	s28 =	sshll.u32 s28, $0x9;
	_ =	swait.ge [sflag:s9], $0x1000  }
0x37: {  	s29 =	sor.u32 $0x2, s21;
	s28 =	sor.u32 s22, s28;
	[sflag:s9] =	ssyncset.done $0x0  }
0x38: {  	s30 =	smul.u32 $0x61A80, s29;
	s25 =	sadd.s32 s4, s25;
	[sflag:s9] =	ssyncadd.s32 $0xFFFFF000  }
0x39: {  	[tilespmem:s11], [sflag:$0x1] =	stream.indirect.gather [hbm4b:s25+s10], $0x20, s24, s10, $0xb8;
	[tilespmem:$0x6000] =	vst v63  }
0x3a: {  	s29 =	sshll.u32 s29, $0x9;
	s31 =	sadd.s32 s4, s26;
	s25 =	sshll.u32 s23, $0x9  }
0x3b: {  	[tilespmem:s12], [sflag:$0x1] =	stream.indirect.gather [hbm4b:s31+s10], $0x20, s28, s10, $0xb8;
	[tilespmem:$0x6000] =	vst v63  }
0x3c: {  	s31 =	sor.u32 s22, s29;
	s28 =	sadd.s32 s4, s30;
	s30 =	smul.u32 $0x61A80, s23  }
0x3d: {  	[tilespmem:s8], [sflag:$0x1] =	stream.indirect.gather [hbm4b:s28+s10], $0x20, s31, s10, $0xb8;
	[tilespmem:$0x6000] =	vst v63  }
0x3e: {  	s31 =	sor.u32 s22, s25;
	s23 =	sadd.s32 s4, s30  }
0x3f: {  	[tilespmem:s13], [sflag:$0x1] =	stream.indirect.gather [hbm4b:s23+s10], $0x20, s31, s10, $0xb8;
	[tilespmem:$0x6000] =	vst v63  }
0x40: {  	_ =	swait.ge [sflag:s14], $0x1000  }
0x41: {  	s26 =	sor.u32 s3, s22;
	s30 =	sshll.u32 s21, $0x10;
	s25 =	rddreg [dreg:$0x2]  }
0x42: {  	s31 =	sshll.u32 s26, $0x4;
	[sflag:s14] =	ssyncset.done $0x0;
	s21 =	sadd.s32 s25, s30  }
0x43: {  	[sflag:s14] =	ssyncadd.s32 $0xFFFFF000;
	s21 =	sadd.s32 s31, s21  }
0x44: {  	[hbm4b:s21+s15] =	stream.strided.scatter [tilespmem:s11], [sflag:$0x2], $0x1000, s10, s15, $0x38;
	[tilespmem:$0x6000] =	vst v63  }
0x45: {  	_ =	swait.ge [sflag:s9], $0x1000  }
0x46: {  	[sflag:s9] =	ssyncset.done $0x0  }
0x47: {  	[sflag:s9] =	ssyncadd.s32 $0xFFFFF000  }
0x48: {  	s26 =	sand.u32 $0xC0000, s17;
	_ =	swait.ge [sflag:s14], $0x1000  }
0x49: {  	s29 =	sor.u32 s26, s31;
	s25 =	rddreg [dreg:$0x3];
	[sflag:s14] =	ssyncset.done $0x0  }
0x4a: {  	[sflag:s14] =	ssyncadd.s32 $0xFFFFF000;
	s21 =	sadd.s32 s29, s25  }
0x4b: {  	[hbm4b:s21+s15] =	stream.strided.scatter [tilespmem:s12], [sflag:$0x2], $0x1000, s10, s15, $0x38;
	[tilespmem:$0x6000] =	vst v63  }
0x4c: {  	_ =	swait.ge [sflag:s9], $0x1000  }
0x4d: {  	[sflag:s9] =	ssyncset.done $0x0  }
0x4e: {  	p0 =	sne.s32 s18, $0x3C0000;
	[sflag:s9] =	ssyncadd.s32 $0xFFFFF000  }
0x4f: {  	s19 =	sadd.s32 $0x20, s19;
	s20 =	sadd.s32 $0x4, s20;
	_ =	swait.ge [sflag:s14], $0x1000  }
0x50: {  	s24 =	smov.u32 s18;
	s30 =	rddreg [dreg:$0x4];
	[sflag:s14] =	ssyncset.done $0x0  }
0x51: {  	s18 =	sadd.s32 $0x40000, s18;
	[sflag:s14] =	ssyncadd.s32 $0xFFFFF000;
	s21 =	sadd.s32 s29, s30  }
0x52: {  	[hbm4b:s21+s15] =	stream.strided.scatter [tilespmem:s8], [sflag:$0x2], $0x1000, s10, s15, $0x38;
	[tilespmem:$0x6000] =	vst v63  }
0x53: {  	s22 =	sand.u32 $0x180, s19;
	s17 =	smov.u32 s24;
	_ =	swait.ge [sflag:s9], $0x1000  }
.Ltmp0:
0x54: {  	s21 =	sand.u32 $0xC, s20;
	[sflag:s9] =	ssyncset.done $0x0;
	(pc) =	sbr.rel @p0 .LBB2_2-.Ltmp0, $4  }
0x55: {  	s31 =	sshll.u32 s21, $0x9;
	s25 =	smul.u32 $0x61A80, s21;
	[sflag:s9] =	ssyncadd.s32 $0xFFFFF000  }
0x56: {  	s28 =	sor.u32 $0x1, s21;
	s23 =	sor.u32 $0x3, s21;
	_ =	swait.ge [sflag:s14], $0x1000  }
0x57: {  	s24 =	sor.u32 s22, s31;
	s30 =	rddreg [dreg:$0x5];
	[sflag:s14] =	ssyncset.done $0x0  }
0x58: {  	s26 =	smul.u32 $0x61A80, s28;
	[sflag:s14] =	ssyncadd.s32 $0xFFFFF000;
	s29 =	sadd.s32 s29, s30  }
0x59: {  	[hbm4b:s29+s15] =	stream.strided.scatter [tilespmem:s13], [sflag:$0x2], $0x1000, s10, s15, $0x38;
	[tilespmem:$0x6000] =	vst v63  }
0x5a: {  	s18 =	sshll.u32 s28, $0x9;
	_ =	swait.ge [sflag:s9], $0x1000  }
0x5b: {  	s19 =	sor.u32 $0x2, s21;
	s25 =	sadd.s32 s4, s25;
	[sflag:s9] =	ssyncset.done $0x0  }
0x5c: {  	s28 =	sshll.u32 s23, $0x9;
	s18 =	sor.u32 s22, s18;
	[sflag:s9] =	ssyncadd.s32 $0xFFFFF000  }
0x5d: {  	[tilespmem:s11], [sflag:$0x1] =	stream.indirect.gather [hbm4b:s25+s10], $0x20, s24, s10, $0xb8;
	[tilespmem:$0x6000] =	vst v63  }
0x5e: {  	s20 =	smul.u32 $0x61A80, s19;
	s19 =	sshll.u32 s19, $0x9;
	s26 =	sadd.s32 s4, s26  }
0x5f: {  	[tilespmem:s12], [sflag:$0x1] =	stream.indirect.gather [hbm4b:s26+s10], $0x20, s18, s10, $0xb8;
	[tilespmem:$0x6000] =	vst v63  }
0x60: {  	s31 =	smul.u32 $0x61A80, s23;
	s29 =	sor.u32 s22, s19;
	s30 =	sadd.s32 s4, s20  }
0x61: {  	[tilespmem:s8], [sflag:$0x1] =	stream.indirect.gather [hbm4b:s30+s10], $0x20, s29, s10, $0xb8;
	[tilespmem:$0x6000] =	vst v63  }
0x62: {  	s23 =	sor.u32 s22, s28;
	s24 =	sadd.s32 s4, s31  }
0x63: {  	[tilespmem:s13], [sflag:$0x1] =	stream.indirect.gather [hbm4b:s24+s10], $0x20, s23, s10, $0xb8;
	[tilespmem:$0x6000] =	vst v63  }
0x64: {  	_ =	swait.ge [sflag:s14], $0x1000  }
0x65: {  	s28 =	sshll.u32 s21, $0x10;
	s26 =	sor.u32 s3, s22;
	s25 =	rddreg [dreg:$0x2]  }
0x66: {  	s19 =	sshll.u32 s26, $0x4;
	[sflag:s14] =	ssyncset.done $0x0;
	s18 =	sadd.s32 s25, s28  }
0x67: {  	[sflag:s14] =	ssyncadd.s32 $0xFFFFF000;
	s18 =	sadd.s32 s19, s18  }
0x68: {  	[hbm4b:s18+s15] =	stream.strided.scatter [tilespmem:s11], [sflag:$0x2], $0x1000, s10, s15, $0x38;
	[tilespmem:$0x6000] =	vst v63  }
0x69: {  	_ =	swait.ge [sflag:s9], $0x1000  }
0x6a: {  	[sflag:s9] =	ssyncset.done $0x0  }
0x6b: {  	[sflag:s9] =	ssyncadd.s32 $0xFFFFF000  }
0x6c: {  	s17 =	sand.u32 $0xC0000, s17;
	_ =	swait.ge [sflag:s14], $0x1000  }
0x6d: {  	s17 =	sor.u32 s17, s19;
	s29 =	rddreg [dreg:$0x3];
	[sflag:s14] =	ssyncset.done $0x0  }
0x6e: {  	[sflag:s14] =	ssyncadd.s32 $0xFFFFF000;
	s18 =	sadd.s32 s17, s29  }
0x6f: {  	[hbm4b:s18+s15] =	stream.strided.scatter [tilespmem:s12], [sflag:$0x2], $0x1000, s10, s15, $0x38;
	[tilespmem:$0x6000] =	vst v63  }
0x70: {  	_ =	swait.ge [sflag:s9], $0x1000  }
0x71: {  	[sflag:s9] =	ssyncset.done $0x0  }
0x72: {  	[sflag:s9] =	ssyncadd.s32 $0xFFFFF000  }
0x73: {  	_ =	swait.ge [sflag:s14], $0x1000  }
0x74: {  	s30 =	rddreg [dreg:$0x4];
	[sflag:s14] =	ssyncset.done $0x0  }
0x75: {  	[sflag:s14] =	ssyncadd.s32 $0xFFFFF000;
	s18 =	sadd.s32 s17, s30  }
0x76: {  	[hbm4b:s18+s15] =	stream.strided.scatter [tilespmem:s8], [sflag:$0x2], $0x1000, s10, s15, $0x38;
	[tilespmem:$0x6000] =	vst v63  }
0x77: {  	_ =	swait.ge [sflag:s9], $0x1000  }
0x78: {  	[sflag:s9] =	ssyncset.done $0x0  }
0x79: {  	[sflag:s9] =	ssyncadd.s32 $0xFFFFF000  }
0x7a: {  	s16 =	sadd.s32 $0x1, s16;
	_ =	swait.ge [sflag:s14], $0x1000  }
0x7b: {  	p0 =	sne.s32 s16, s6;
	s31 =	rddreg [dreg:$0x5];
	[sflag:s14] =	ssyncset.done $0x0  }
.Ltmp1:
0x7c: {  	[sflag:s14] =	ssyncadd.s32 $0xFFFFF000;
	s17 =	sadd.s32 s17, s31;
	(pc) =	sbr.rel @p0 .LBB2_1-.Ltmp1, $4  }
0x7d: {  	[hbm4b:s17+s15] =	stream.strided.scatter [tilespmem:s13], [sflag:$0x2], $0x1000, s10, s15, $0x38;
	[tilespmem:$0x6000] =	vst v63  }
0x7e: {  	_ =	swait.ge [sflag:s9], $0x1000  }
0x7f: {  	[sflag:s9] =	ssyncset.done $0x0  }
0x80: {  	[sflag:s9] =	ssyncadd.s32 $0xFFFFF000  }
0x81: {  	_ =	sfence.sel $0x180000  }
0x82: {  	[bflag:$0x0] =	sbarrier.arrive $0xFFFF  }
0x83: {  	p0 =	sne.s32 s1, $0x0;
	_ =	strace $0x90000050  }
0x84: {  	s0 =	sadd.s32 @!p0 $0x100000, s0;
	[bflag:$0x2] =	sbarrier.arrive $0xFFFF  }
0x85: {  	[sflag:s0] =	ssyncadd.tile.s32 @!p0 $0x1;
	_ =	shalt  }
.Lfunc_end2:
_tile_overlayer_lowered:
.L_overlay_start_2:
0x86: {  	(tag) =	ssettag $0x2  }
0x87: {  	s0 =	rddreg [dreg:$0x0];
	s2 =	stileid.u32  }
0x88: {  	s1 =	rddreg [dreg:$0x1];
	p0 =	sne.s32 s2, $0x0  }
0x89: {  	s3 =	rddreg [dreg:$0x2];
	[bflag:$0x3] =	sbarrier.arrive $0xFFFF;
	s2 =	simm.s32 @!p0 $0x1C02  }
0x8a: {  	[timem:s3], [sflag:s2] =	dma.local @!p0 [hbm:s0], s1  }
0x8b: {  	s0 =	simm.s32 @!p0 $0x2  }
0x8c: {  	_ =	swait.ge @!p0 [sflag:s0], s1  }
0x8d: {  	s1 =	ssub.s32 @!p0 $0x0, s1;
	[sflag:s0] =	ssyncset.done @!p0 $0x0  }
0x8e: {  	[sflag:s0] =	ssyncadd.s32 @!p0 s1  }
0x8f: {  	[bflag:$0x3] =	sbarrier.arrive $0xFFFF  }
0x90: {  	_ =	shalt  }

// kernel: kernel.8.cloned.1.call-start
scs
__scs_entry_jumppad:
0x0: {  	(pc) =	sbr.rel $0x88, $3  }
0x1: {  	(tag) =	ssettag $0x0;
	lr =	simm.s32 $0x1  }
0x2: {  	[smem:$0x3F94] =	sst lr;
	_ =	strace $0xD0000000  }
0x3: {  	_ = 	snop  }
0x4: {  	_ = 	snop  }
0x5: {  	_ = 	snop  }
0x6: {  	_ = 	snop  }
0x7: {  	_ = 	snop  }
__scs_overlays_trampoline_lowered:
0x8: {  	[smem:$0x3FA3] =	sst s0  }
0x9: {  	[smem:$0x3FA4] =	sst s1  }
0xa: {  	[smem:$0x3FA5] =	sst s2  }
0xb: {  	[smem:$0x3FA6] =	sst s3  }
0xc: {  	[smem:$0x3FA7] =	sst s4  }
0xd: {  	[smem:$0x3FA8] =	sst s5  }
0xe: {  	[smem:$0x3FA9] =	sst s6  }
0xf: {  	[smem:$0x3FAA] =	sst s7  }
0x10: {  	[smem:$0x3FAB] =	sst s8  }
0x11: {  	[smem:$0x3FAC] =	sst s9;
	s0 =	simm.s32 @!p0 $0x0  }
0x12: {  	s1 =	sld [smem:$0x3F92];
	s0 =	simm.s32 @p0 $0x1  }
0x13: {  	[smem:$0x3FAD] =	sst s0;
	s0 =	simm.s32 @!p1 $0x0  }
0x14: {  	s2 =	sld [smem:$0x3F91];
	s0 =	simm.s32 @p1 $0x1  }
0x15: {  	[smem:$0x3FAE] =	sst s0;
	s0 =	simm.s32 @!p2 $0x0  }
0x16: {  	s3 =	sld [smem:$0x3FDB];
	s0 =	simm.s32 @p2 $0x1  }
0x17: {  	s4 =	simm.s32 $0x1BF5;
	[smem:$0x3FB0] =	sst s0  }
0x18: {  	s0 =	sld [smem:$0x3F93];
	_ =	swait.ge [sflag:s4], $0x0  }
0x19: {  	s7 =	sld [smem:$0x3F94]  }
0x1a: {  	s8 =	sadd.s32 $0xFFFFE003, lr  }
0x1b: {  	s9 =	sadd.s32 $0xFFFFFEF7, lr;
	s5 =	simm.s32 $0xFFFFFFFF;
	p2 =	slt.u32 s8, $0xFFFFF086  }
0x1c: {  	p1 =	slt.u32 s9, $0xF7A;
	s5 =	simm.s32 @!p2 $0x0  }
0x1d: {  	s5 =	simm.s32 @p1 $0x1;
	p0 =	seq.s32 s7, s2  }
0x1e: {  	s7 =	smul.u32 @!p0 $0xF7A, s2;
	p2 =	seq.s32 @!p0 s5, $0x0  }
0x1f: {  	s9 =	smul.u32 $0xF7A, s1;
	s8 =	simm.s32 @!p0 $0x1BF5;
	p2 =	por !p2, p0  }
0x20: {  	[sflag:s8] =	ssyncset.s32 @!p0 $0xFFFFF086;
	s6 =	sadd.s32 @!p0 s3, s7;
	s7 =	simm.s32 @!p0 $0x108  }
0x21: {  	s3 =	sadd.s32 s3, s9;
	s6 =	sadd.s32 @!p0 $0x88, s6;
	s7 =	simm.s32 @p2 $0x1082  }
0x22: {  	[simem:s7], [sflag:s8] =	dma.local @!p0 [hbm:s6], $0xF7A  }
0x23: {  	s9 =	sor.u32 $0xD0000000, s2;
	s6 =	simm.s32 $0x108;
	_ =	swait.ge @!p0 [sflag:s8], $0x0  }
0x24: {  	s3 =	sadd.s32 $0x88, s3;
	s6 =	simm.s32 @!p1 $0x1082;
	[sflag:s4] =	ssyncset.s32 $0xFFFFF086  }
0x25: {  	[simem:s6], [sflag:s4] =	dma.local [hbm:s3], $0xF7A  }
0x26: {  	[smem:$0x3F94] =	sst s1;
	(tag) =	ssettag s2;
	_ =	strace s9  }
0x27: {  	s1 =	sld [smem:$0x3FA4]  }
0x28: {  	s2 =	sld [smem:$0x3FA5]  }
0x29: {  	s4 =	sld [smem:$0x3FA7]  }
0x2a: {  	p0 =	seq.s32 s5, $0x0;
	s5 =	sld [smem:$0x3FA8]  }
0x2b: {  	s6 =	sld [smem:$0x3FA9]  }
0x2c: {  	s7 =	sld [smem:$0x3FAA]  }
0x2d: {  	s3 =	simm.s32 $0x108;
	s8 =	sld [smem:$0x3FAB]  }
0x2e: {  	s3 =	simm.s32 @!p0 $0x1082;
	s9 =	sld [smem:$0x3FAC]  }
0x2f: {  	lr =	sadd.s32 s0, s3;
	s0 =	sld [smem:$0x3FA3]  }
0x30: {  	s3 =	sld [smem:$0x3FA6]  }
0x31: {  	[smem:$0x3FAF] =	sst s10  }
0x32: {  	s10 =	sld [smem:$0x3FAD];
	_ =	sdelay $0x3  }
0x33: {  	p0 =	seq.s32 s10, $0x1;
	s10 =	sld [smem:$0x3FAF];
	_ =	sdelay $0x3  }
0x34: {  	[smem:$0x3FAF] =	sst s10  }
0x35: {  	s10 =	sld [smem:$0x3FAE];
	_ =	sdelay $0x3  }
0x36: {  	p1 =	seq.s32 s10, $0x1;
	s10 =	sld [smem:$0x3FAF];
	_ =	sdelay $0x3  }
0x37: {  	[smem:$0x3FAF] =	sst s10  }
0x38: {  	s10 =	sld [smem:$0x3FB0]  }
0x39: {  	_ = 	snop;
	(pc) =	sbr.ind lr, $3  }
0x3a: {  	_ = 	snop  }
0x3b: {  	_ = 	snop  }
0x3c: {  	p2 =	seq.s32 s10, $0x1;
	s10 =	sld [smem:$0x3FAF]  }
0x3d: {  	_ =	shalt  }
0x3e: {  	_ =	shalt  }
0x3f: {  	_ =	shalt  }
0x40: {  	_ =	shalt  }
0x41: {  	_ =	shalt  }
0x42: {  	_ =	shalt  }
0x43: {  	_ =	shalt  }
0x44: {  	_ =	shalt  }
0x45: {  	_ =	shalt  }
0x46: {  	_ =	shalt  }
0x47: {  	_ =	shalt  }
0x48: {  	_ =	shalt  }
0x49: {  	_ =	shalt  }
0x4a: {  	_ =	shalt  }
0x4b: {  	_ =	shalt  }
0x4c: {  	_ =	shalt  }
0x4d: {  	_ =	shalt  }
0x4e: {  	_ =	shalt  }
0x4f: {  	_ =	shalt  }
0x50: {  	_ =	shalt  }
0x51: {  	_ =	shalt  }
0x52: {  	_ =	shalt  }
0x53: {  	_ =	shalt  }
0x54: {  	_ =	shalt  }
0x55: {  	_ =	shalt  }
0x56: {  	_ =	shalt  }
0x57: {  	_ =	shalt  }
0x58: {  	_ =	shalt  }
0x59: {  	_ =	shalt  }
0x5a: {  	_ =	shalt  }
0x5b: {  	_ =	shalt  }
0x5c: {  	_ =	shalt  }
0x5d: {  	_ =	shalt  }
0x5e: {  	_ =	shalt  }
0x5f: {  	_ =	shalt  }
0x60: {  	_ =	shalt  }
0x61: {  	_ =	shalt  }
0x62: {  	_ =	shalt  }
0x63: {  	_ =	shalt  }
0x64: {  	_ =	shalt  }
0x65: {  	_ =	shalt  }
0x66: {  	_ =	shalt  }
0x67: {  	_ =	shalt  }
0x68: {  	_ =	shalt  }
0x69: {  	_ =	shalt  }
0x6a: {  	_ =	shalt  }
0x6b: {  	_ =	shalt  }
0x6c: {  	_ =	shalt  }
0x6d: {  	_ =	shalt  }
0x6e: {  	_ =	shalt  }
0x6f: {  	_ =	shalt  }
0x70: {  	_ =	shalt  }
0x71: {  	_ =	shalt  }
0x72: {  	_ =	shalt  }
0x73: {  	_ =	shalt  }
0x74: {  	_ =	shalt  }
0x75: {  	_ =	shalt  }
0x76: {  	_ =	shalt  }
0x77: {  	_ =	shalt  }
0x78: {  	_ =	shalt  }
0x79: {  	_ =	shalt  }
0x7a: {  	_ =	shalt  }
0x7b: {  	_ =	shalt  }
0x7c: {  	_ =	shalt  }
0x7d: {  	_ =	shalt  }
0x7e: {  	_ =	shalt  }
0x7f: {  	_ =	shalt  }
0x80: {  	_ =	shalt  }
0x81: {  	_ =	shalt  }
0x82: {  	_ =	shalt  }
0x83: {  	_ =	shalt  }
0x84: {  	_ =	shalt  }
0x85: {  	_ =	shalt  }
0x86: {  	_ =	shalt  }
0x87: {  	_ =	shalt  }
.Lfunc_end0:
.L_simem_size_0:
called_computation.3_lowered:
.L_overlay_start_0:
0x88: {  	s2 =	sld [smem:$0x3FD9]  }
0x89: {  	s3 =	sld [smem:$0x3FFE];
	_ =	sdelay $0x1  }
0x8a: {  	s1 =	srdreg.scid  }
0x8b: {  	s0 =	sand.u32 $0x1, s1  }
0x8c: {  	s17 =	sshll.u32 s0, $0xA;
	s2 =	sadd.s32 s3, s2  }
0x8d: {  	s2 =	sadd.s32 s2, s17  }
0x8e: {  	[smem:$0x3FBB] =	sst s2  }
0x8f: {  	_ = 	snop  }
0x90: {  	(tm) =	ssettm $0x1  }
0x91: {  	s18 =	sld [smem:$0x3FFB];
	_ =	sdelay $0x3  }
0x92: {  	_ =	strace s18  }
0x93: {  	s2 =	sld [smem:$0x3FFC];
	_ =	sdelay $0x3  }
0x94: {  	_ =	strace s2  }
0x95: {  	s2 =	sld [smem:$0x3FFD];
	_ =	sdelay $0x3  }
0x96: {  	_ =	strace s2  }
0x97: {  	_ =	strace $0x8FFFFFFF  }
0x98: {  	s19 =	sld [smem:$0x3FDB];
	_ =	sdelay $0x1  }
0x99: {  	s20 =	simm.s32 $_scs_section_size  }
0x9a: {  	s4 =	simm.s32 $_size__tile_overlayer_lowered;
	s5 =	simm.s32 $_tile_overlayer_lowered  }
0x9b: {  	s6 =	simm.s32 $0x1BFF;
	s21 =	sshll.u32 s5, $0x1;
	s3 =	sadd.s32 s20, s19  }
0x9c: {  	s22 =	simm.s32 $0x0;
	s4 =	sshll.u32 s4, $0x1;
	s5 =	sadd.s32 s21, s3  }
0x9d: {  	[timem:s22], [sflag:s6] =	dma.local [hbm:s5], s4  }
0x9e: {  	_ =	swait.ge [sflag:s6], s4  }
0x9f: {  	s4 =	ssub.s32 $0x0, s4;
	[sflag:s6] =	ssyncset.done $0x0  }
0xa0: {  	[sflag:s6] =	ssyncadd.s32 s4;
	_ =	sdelay $0x1  }
0xa1: {  	s23 =	simm.s32 $0x1B8B  }
0xa2: {  	_ =	swait.ge [sflag:s23], $0x1  }
0xa3: {  	[sflag:s23] =	ssyncset.done $0x0  }
0xa4: {  	[sflag:s23] =	ssyncadd.s32 $0xFFFFFFFF  }
0xa5: {  	s4 =	sld [smem:$0x0]  }
0xa6: {  	s5 =	sand.u32 $0xFFFFFFFE, s1  }
0xa7: {  	p0 =	sne.s32 s1, s5  }
0xa8: {  	s5 =	sshll.u32 @p0 s5, $0xE  }
0xa9: {  	s5 =	sadd.s32 @p0 $0x11B8D, s5;
	s6 =	sshll.u32 @p0 s4, $0x11  }
0xaa: {  	s5 =	sor.u32 @p0 s6, s5  }
0xab: {  	[sflag:s5] =	ssyncadd.remote.s32 @p0 $0x1;
	_ =	sdelay $0x1  }
0xac: {  	s5 =	simm.s32 @p0 $0x1B8D  }
0xad: {  	_ =	swait.eq @p0 [sflag:s5], $0x1  }
0xae: {  	[sflag:s5] =	ssyncadd.s32 @p0 $0xFFFFFFFF  }
0xaf: {  	s6 =	sshll.u32 @!p0 s1, $0xE  }
0xb0: {  	s6 =	sor.u32 @!p0 $0x4000, s6;
	s5 =	simm.s32 @!p0 $0x1B8D  }
0xb1: {  	s4 =	sshll.u32 @!p0 s4, $0x11;
	s6 =	sadd.s32 @!p0 $0x11B8D, s6;
	_ =	swait.eq @!p0 [sflag:s5], $0x1  }
0xb2: {  	s4 =	sor.u32 @!p0 s4, s6;
	[sflag:s5] =	ssyncadd.s32 @!p0 $0xFFFFFFFF  }
0xb3: {  	s25 =	simm.s32 $0x1B8E;
	s24 =	sld [smem:$0x3FFE];
	[sflag:s4] =	ssyncadd.remote.s32 @!p0 $0x1  }
0xb4: {  	s26 =	simm.s32 $execute0_lowered;
	[smem:$0x3FD2] =	sst s25  }
0xb5: {  	s5 =	sshll.u32 s26, $0x1;
	_ =	strace $0x8000004C;
	[dreg:$0x1] =	wrdreg $0xFFFFFFFF  }
0xb6: {  	s28 =	simm.s32 $_size_execute0_lowered;
	s3 =	sadd.s32 s3, s5;
	[dreg:$0x0] =	wrdreg $0x0  }
0xb7: {  	s5 =	sshll.u32 s28, $0x1;
	[dreg:$0x2] =	wrdreg s3  }
0xb8: {  	[dreg:$0x3] =	wrdreg s5  }
0xb9: {  	[dreg:$0x4] =	wrdreg $0xC0  }
0xba: {  	_ =	task [dreg:s22], $0x5FFFF  }
0xbb: {  	[dreg:$0x1] =	wrdreg $0xFFFFFFFF  }
0xbc: {  	[dreg:$0x0] =	wrdreg $0x60  }
0xbd: {  	[dreg:$0x2] =	wrdreg s24  }
0xbe: {  	[dreg:$0x3] =	wrdreg $0xA  }
0xbf: {  	_ =	task.clear_ibuf [dreg:s22], $0x4FFFF;
	_ =	strace $0x9000004C  }
0xc0: {  	s29 =	simm.s32 $0xA;
	_ =	strace $0x8000004E  }
0xc1: {  	_ =	swait.ge [sflag:s29], $0x1  }
0xc2: {  	[sflag:s29] =	ssyncadd.s32 $0xFFFFFFFF  }
0xc3: {  	_ =	strace $0x9000004E  }
0xc4: {  	_ =	sfence  }
0xc5: {  	s30 =	sld [smem:$0x0];
	_ =	sdelay $0x2  }
0xc6: {  	s31 =	sshll.u32 s1, $0xD;
	s1 =	sshrl.u32 s1, $0x2  }
0xc7: {  	s4 =	sand.u32 $0x4000, s31;
	s1 =	sadd.s32 s1, s30  }
0xc8: {  	s0 =	sor.u32 s4, s0;
	s1 =	sshll.u32 s1, $0x11  }
0xc9: {  	s0 =	sor.u32 s1, s0  }
0xca: {  	s0 =	sadd.s32 $0x8F2B, s0  }
0xcb: {  	[sflag:s0] =	ssyncadd.remote.s32 $0x1  }
0xcc: {  	_ =	sfence.sel $0xFFFF  }
0xcd: {  	[dreg:$0x0] =	wrdreg $0xFFFFFFFF;
	(pc) =	sbr.abs _section_cstart, $3  }
0xce: {  	[dreg:$0x1] =	wrdreg $0xFFFFFFFF  }
0xcf: {  	_ =	task.clear_ibuf [dreg:s22], $0x2FFFF;
	_ =	strace $0x9FFFFFFF  }
0xd0: {  	(tm) =	ssettm $0x7FFFFFFF  }
0xd1: {  	_ =	shalt  }
tec
execute0_lowered:
.L_overlay_start_1:
0x0: {  	(tag) =	ssettag $0x1  }
0x1: {  	s5 =	rddreg [dreg:$0x0]  }
0x2: {  	s2 =	srdreg.scid;
	s0 =	stileid.u32  }
0x3: {  	s1 =	simm.s32 $0x0;
	s10 =	simm.s32 $0x2;
	s11 =	simm.s32 $0x80  }
0x4: {  	s12 =	simm.s32 $0x1400;
	s13 =	simm.s32 $0x2400;
	s14 =	simm.s32 $0x3400  }
0x5: {  	s15 =	simm.s32 $0x4400;
	s16 =	simm.s32 $0x1;
	s4 =	sand.u32 $0x1, s2  }
0x6: {  	s3 =	sshll.u32 s0, $0xA;
	s6 =	sshll.u32 s4, $0x9;
	s7 =	ssub.s32 $0x2, s4  }
0x7: {  	s17 =	simm.s32 $0x20;
	s3 =	sor.u32 s6, s3;
	s8 =	sshrl.u32 s7, $0x1  }
0x8: {  	[smem:$0x7FF] =	sst s1;
	s6 =	sshrl.u32 s3, $0x3;
	s7 =	ssub.s32 s7, s8  }
0x9: {  	s1 =	simm.s32 $0x0;
	s6 =	sadd.s32 s6, s5;
	s31 =	smax.u32 s7, $0x1  }
0xa: {  	_ =	strace $0x8000004D;
	s30 =	sadd.s32 $0x319C800, s6;
	[dreg:$0x3] =	wrdreg s31  }
0xb: {  	s4 =	sadd.s32 $0x2C00, s5;
	s5 =	sadd.s32 $0x3D3600, s5;
	[dreg:$0x2] =	wrdreg s30  }
.LBB2_1:
0xc: {  	s0 =	simm.s32 $0x0;
	s31 =	rddreg [dreg:$0x2]  }
0xd: {  	s2 =	simm.s32 $0x200;
	s6 =	simm.s32 $0x4000;
	s19 =	simm.s32 $0x0  }
0xe: {  	[tilespmem:s0], [sflag:$0x2] =	stream.strided.gather [hbm4b:s31+s2], $0x1400, s6, s2, $0x38;
	[tilespmem:$0x5400] =	vst v63  }
0xf: {  	s20 =	sand.u32 $0xFC, s19;
	s21 =	sor.u32 $0x1, s19  }
0x10: {  	s19 =	sor.u32 $0x2, s19;
	s20 =	smul.u32 $0xCD, s20;
	s22 =	sand.u32 $0xFD, s21  }
0x11: {  	s25 =	sshllo.u32 s0, $0x2;
	s24 =	sand.u32 $0xFE, s19;
	s22 =	smul.u32 $0xCD, s22  }
0x12: {  	s28 =	sand.u32 $0xFF, s25;
	s24 =	smul.u32 $0xCD, s24  }
0x13: {  	[dreg:$0x4] =	wrdreg s1;
	s28 =	smul.u32 $0xCD, s28;
	s20 =	sshrl.u32 s20, $0xB  }
0x14: {  	_ =	swait.ge [sflag:s10], $0x1400;
	s23 =	smul.u32 $0xA, s20;
	s22 =	sshrl.u32 s22, $0xB  }
0x15: {  	[sflag:s10] =	ssyncset.done $0x0;
	s24 =	sshrl.u32 s24, $0xB;
	s22 =	smul.u32 $0xA, s22  }
0x16: {  	[sflag:s10] =	ssyncadd.s32 $0xFFFFEC00;
	s28 =	sshrl.u32 s28, $0xB;
	s6 =	smul.u32 $0xA, s24  }
0x17: {  	s20 =	sshll.u32 s20, $0x7;
	s9 =	smul.u32 $0xA, s28;
	s28 =	sshll.u32 s28, $0x7  }
0x18: {  	s24 =	sshll.u32 s24, $0x7;
	s23 =	ssub.s32 $0x0, s23;
	s30 =	sadd.s32 s3, s28  }
0x19: {  	s26 =	sand.u32 $0xFE, s23;
	s21 =	ssub.s32 s21, s22;
	s19 =	ssub.s32 s19, s6  }
0x1a: {  	s25 =	ssub.s32 s25, s9;
	s0 =	sshll.u32 s23, $0x2;
	s23 =	sshll.u32 s23, $0x10  }
0x1b: {  	s1 =	smul.u32 $0x61A80, s26;
	s29 =	sand.u32 $0xFF, s21;
	s26 =	sshll.u32 s26, $0x9  }
0x1c: {  	s8 =	sand.u32 $0xFE, s19;
	s23 =	sand.u32 $0xC0000, s23;
	s6 =	sshll.u32 s19, $0x10  }
0x1d: {  	s19 =	sshll.u32 s19, $0x2;
	s26 =	sadd.s32 s20, s26;
	s2 =	smul.u32 $0x61A80, s29  }
0x1e: {  	s29 =	sshll.u32 s29, $0x9;
	s18 =	smul.u32 $0x61A80, s8;
	s23 =	sadd.s32 s5, s23  }
0x1f: {  	s19 =	sand.u32 $0x8, s19;
	s22 =	sadd.s32 s4, s1;
	s7 =	sadd.s32 s20, s29  }
0x20: {  	[tilespmem:s12], [sflag:$0x1] =	stream.indirect.gather [hbm4b:s22+s11], $0x20, s26, s11, $0xb8;
	[tilespmem:$0x5400] =	vst v63  }
0x21: {  	s1 =	sand.u32 $0x8, s0;
	s20 =	sadd.s32 s3, s20;
	s22 =	sadd.s32 s4, s2  }
0x22: {  	s26 =	sand.u32 $0xFF, s25;
	s29 =	sadd.s32 s4, s18;
	s2 =	sshll.u32 s21, $0x10  }
0x23: {  	s20 =	sshll.u32 s20, $0x4;
	s18 =	simm.s32 $0x1;
	s21 =	sshll.u32 s21, $0x2  }
0x24: {  	[tilespmem:s13], [sflag:$0x1] =	stream.indirect.gather [hbm4b:s22+s11], $0x20, s7, s11, $0xb8;
	[tilespmem:$0x5400] =	vst v63  }
0x25: {  	s31 =	smul.u32 $0x61A80, s26;
	s26 =	sshll.u32 s26, $0x9;
	s22 =	sshll.u32 s8, $0x9  }
0x26: {  	s26 =	sadd.s32 s28, s26;
	s7 =	sand.u32 $0xC0000, s6;
	s22 =	sadd.s32 s24, s22  }
0x27: {  	[tilespmem:s14], [sflag:$0x1] =	stream.indirect.gather [hbm4b:s29+s11], $0x20, s22, s11, $0xb8;
	[tilespmem:$0x5400] =	vst v63  }
0x28: {  	s8 =	sadd.s32 s5, s20;
	s24 =	sadd.s32 s3, s24;
	s22 =	sadd.s32 s4, s31  }
0x29: {  	s9 =	sshll.u32 s24, $0x4;
	s24 =	sshll.u32 s25, $0x10;
	s25 =	sshll.u32 s25, $0x2  }
0x2a: {  	[tilespmem:s15], [sflag:$0x1] =	stream.indirect.gather [hbm4b:s22+s11], $0x20, s26, s11, $0xb8;
	[tilespmem:$0x5400] =	vst v63  }
0x2b: {  	s22 =	sadd.s32 s1, s23;
	s23 =	sadd.s32 s5, s7;
	s26 =	sand.u32 $0xC0000, s2  }
0x2c: {  	s31 =	sand.u32 $0xC, s21;
	s26 =	sadd.s32 s26, s8;
	s19 =	sadd.s32 s19, s23  }
0x2d: {  	_ =	swait.ge [sflag:s16], $0x1000;
	s28 =	sadd.s32 s20, s22;
	s20 =	simm.s32 $0x2  }
0x2e: {  	s22 =	sshll.u32 s30, $0x4;
	s23 =	sadd.s32 s9, s19;
	s19 =	sand.u32 $0xC0000, s24  }
0x2f: {  	[sflag:s16] =	ssyncset.done $0x0;
	s30 =	sadd.s32 s31, s26;
	s26 =	simm.s32 $0x4  }
0x30: {  	s24 =	sadd.s32 s5, s19;
	[sflag:s16] =	ssyncadd.s32 $0xFFFFF000;
	s19 =	sshllo.u32 s18, $0x2  }
.LBB2_2:
0x31: {  	[hbm4b:s28+s17] =	stream.strided.scatter [tilespmem:s12], [sflag:$0x2], $0x1000, s11, s17, $0x38;
	[tilespmem:$0x5400] =	vst v63  }
0x32: {  	s21 =	smov.u32 s20;
	s28 =	sand.u32 $0xFC, s26  }
0x33: {  	s31 =	sor.u32 $0x1, s26;
	s25 =	sand.u32 $0xC, s25;
	_ =	swait.ge [sflag:s10], $0x1000  }
0x34: {  	s29 =	smul.u32 $0xCD, s28;
	s28 =	sand.u32 $0xFD, s31;
	[sflag:s10] =	ssyncset.done $0x0  }
0x35: {  	s0 =	smul.u32 $0xCD, s28;
	s28 =	sor.u32 $0x2, s26;
	[sflag:s10] =	ssyncadd.s32 $0xFFFFF000  }
0x36: {  	p0 =	sne.s32 s20, $0x9;
	s1 =	sand.u32 $0xFE, s28;
	_ =	swait.ge [sflag:s16], $0x1000  }
0x37: {  	s8 =	sshrl.u32 s29, $0xB;
	s1 =	smul.u32 $0xCD, s1;
	[sflag:s16] =	ssyncset.done $0x0  }
0x38: {  	s29 =	sadd.s32 s25, s24;
	s9 =	smul.u32 $0xA, s8;
	[sflag:s16] =	ssyncadd.s32 $0xFFFFF000  }
0x39: {  	[hbm4b:s30+s17] =	stream.strided.scatter [tilespmem:s13], [sflag:$0x2], $0x1000, s11, s17, $0x38;
	[tilespmem:$0x5400] =	vst v63  }
0x3a: {  	s0 =	sshrl.u32 s0, $0xB;
	s30 =	sand.u32 $0xFF, s19;
	_ =	swait.ge [sflag:s10], $0x1000  }
0x3b: {  	s0 =	smul.u32 $0xA, s0;
	s9 =	ssub.s32 s26, s9;
	[sflag:s10] =	ssyncset.done $0x0  }
0x3c: {  	s8 =	sshll.u32 s8, $0x7;
	s25 =	sshll.u32 s9, $0x2;
	[sflag:s10] =	ssyncadd.s32 $0xFFFFF000  }
0x3d: {  	s26 =	sand.u32 $0xFE, s9;
	s24 =	ssub.s32 s31, s0;
	_ =	swait.ge [sflag:s16], $0x1000  }
0x3e: {  	s9 =	sshll.u32 s9, $0x10;
	s0 =	smul.u32 $0x61A80, s26;
	s31 =	sand.u32 $0xFF, s24  }
0x3f: {  	s26 =	sshll.u32 s26, $0x9;
	s2 =	sand.u32 $0x8, s25;
	s25 =	sshll.u32 s24, $0x10  }
0x40: {  	s6 =	sadd.s32 s8, s26;
	s7 =	sshll.u32 s31, $0x9;
	s0 =	sadd.s32 s4, s0  }
0x41: {  	s26 =	smul.u32 $0xCD, s30;
	s30 =	sadd.s32 s3, s8;
	[sflag:s16] =	ssyncset.done $0x0  }
0x42: {  	s1 =	sshrl.u32 s1, $0xB;
	s31 =	smul.u32 $0x61A80, s31;
	[sflag:s16] =	ssyncadd.s32 $0xFFFFF000  }
0x43: {  	[hbm4b:s23+s17] =	stream.strided.scatter [tilespmem:s14], [sflag:$0x2], $0x1000, s11, s17, $0x38;
	[tilespmem:$0x5400] =	vst v63  }
0x44: {  	s18 =	sshrl.u32 s26, $0xB;
	s23 =	sshll.u32 s1, $0x7;
	_ =	swait.ge [sflag:s10], $0x1000  }
0x45: {  	s9 =	sand.u32 $0xC0000, s9;
	s1 =	smul.u32 $0xA, s1;
	[sflag:s10] =	ssyncset.done $0x0  }
0x46: {  	s9 =	sadd.s32 s5, s9;
	s31 =	sadd.s32 s4, s31;
	[sflag:s10] =	ssyncadd.s32 $0xFFFFF000  }
0x47: {  	s26 =	sadd.s32 s2, s9;
	s1 =	ssub.s32 s28, s1;
	_ =	swait.ge [sflag:s16], $0x1000  }
0x48: {  	s9 =	smul.u32 $0xA, s18;
	s2 =	sand.u32 $0xFE, s1;
	[sflag:s16] =	ssyncset.done $0x0  }
0x49: {  	s7 =	sadd.s32 s8, s7;
	s8 =	sadd.s32 s22, s29;
	[sflag:s16] =	ssyncadd.s32 $0xFFFFF000  }
0x4a: {  	[hbm4b:s8+s17] =	stream.strided.scatter [tilespmem:s15], [sflag:$0x2], $0x1000, s11, s17, $0x38;
	[tilespmem:$0x5400] =	vst v63  }
0x4b: {  	s8 =	ssub.s32 s19, s9;
	s9 =	sshll.u32 s1, $0x2;
	_ =	swait.ge [sflag:s10], $0x1000  }
0x4c: {  	s1 =	sshll.u32 s1, $0x10;
	s19 =	sand.u32 $0xFF, s8;
	[sflag:s10] =	ssyncset.done $0x0  }
0x4d: {  	s22 =	sshll.u32 s2, $0x9;
	s1 =	sand.u32 $0xC0000, s1;
	[sflag:s10] =	ssyncadd.s32 $0xFFFFF000  }
0x4e: {  	s2 =	smul.u32 $0x61A80, s2;
	s22 =	sadd.s32 s23, s22;
	s9 =	sand.u32 $0x8, s9  }
0x4f: {  	[tilespmem:s12], [sflag:$0x1] =	stream.indirect.gather [hbm4b:s0+s11], $0x20, s6, s11, $0xb8;
	[tilespmem:$0x5400] =	vst v63  }
0x50: {  	s1 =	sadd.s32 s5, s1;
	s0 =	sshll.u32 s30, $0x4;
	s6 =	sshll.u32 s8, $0x10  }
0x51: {  	s25 =	sand.u32 $0xC0000, s25;
	s2 =	sadd.s32 s4, s2;
	s28 =	sadd.s32 s5, s0  }
0x52: {  	s29 =	sshll.u32 s24, $0x2;
	s1 =	sadd.s32 s9, s1;
	s30 =	sadd.s32 s25, s28  }
0x53: {  	s9 =	smul.u32 $0x61A80, s19;
	s6 =	sand.u32 $0xC0000, s6;
	s25 =	sshll.u32 s8, $0x2  }
0x54: {  	s8 =	sshll.u32 s18, $0x7;
	s18 =	sshll.u32 s19, $0x9;
	s19 =	sadd.s32 s3, s23  }
0x55: {  	s9 =	sadd.s32 s4, s9;
	s18 =	sadd.s32 s8, s18;
	s19 =	sshll.u32 s19, $0x4  }
0x56: {  	[tilespmem:s13], [sflag:$0x1] =	stream.indirect.gather [hbm4b:s31+s11], $0x20, s7, s11, $0xb8;
	[tilespmem:$0x5400] =	vst v63  }
0x57: {  	s24 =	sadd.s32 s5, s6;
	s23 =	sadd.s32 s19, s1;
	s1 =	sadd.s32 s3, s8  }
0x58: {  	[tilespmem:s14], [sflag:$0x1] =	stream.indirect.gather [hbm4b:s2+s11], $0x20, s22, s11, $0xb8;
	[tilespmem:$0x5400] =	vst v63  }
0x59: {  	s28 =	sadd.s32 s0, s26;
	s2 =	sadd.s32 $0x1, s20;
	s22 =	sshll.u32 s1, $0x4  }
0x5a: {  	[tilespmem:s15], [sflag:$0x1] =	stream.indirect.gather [hbm4b:s9+s11], $0x20, s18, s11, $0xb8;
	[tilespmem:$0x5400] =	vst v63  }
.Ltmp0:
0x5b: {  	_ = 	snop;
	(pc) =	sbr.rel @p0 .LBB2_2-.Ltmp0, $4  }
0x5c: {  	_ =	swait.ge [sflag:s16], $0x1000  }
0x5d: {  	[sflag:s16] =	ssyncset.done $0x0  }
0x5e: {  	s0 =	sand.u32 $0xC, s29;
	s26 =	sshll.u32 s21, $0x2;
	[sflag:s16] =	ssyncadd.s32 $0xFFFFF000  }
0x5f: {  	s30 =	sadd.s32 s0, s30;
	s19 =	sshllo.u32 s21, $0x2;
	s20 =	smov.u32 s2  }
0x60: {  	[hbm4b:s28+s17] =	stream.strided.scatter [tilespmem:s12], [sflag:$0x2], $0x1000, s11, s17, $0x38;
	[tilespmem:$0x5400] =	vst v63  }
0x61: {  	_ =	swait.ge [sflag:s10], $0x1000  }
0x62: {  	[sflag:s10] =	ssyncset.done $0x0  }
0x63: {  	[sflag:s10] =	ssyncadd.s32 $0xFFFFF000  }
0x64: {  	s0 =	sand.u32 $0xFC, s26;
	_ =	swait.ge [sflag:s16], $0x1000  }
0x65: {  	s1 =	sor.u32 $0x1, s26;
	s6 =	sor.u32 $0x2, s26;
	[sflag:s16] =	ssyncset.done $0x0  }
0x66: {  	s8 =	sand.u32 $0xC, s25;
	s18 =	sand.u32 $0xFF, s19;
	[sflag:s16] =	ssyncadd.s32 $0xFFFFF000  }
0x67: {  	[hbm4b:s30+s17] =	stream.strided.scatter [tilespmem:s13], [sflag:$0x2], $0x1000, s11, s17, $0x38;
	[tilespmem:$0x5400] =	vst v63  }
0x68: {  	s0 =	smul.u32 $0xCD, s0;
	s2 =	sand.u32 $0xFD, s1;
	_ =	swait.ge [sflag:s10], $0x1000  }
0x69: {  	s7 =	sand.u32 $0xFE, s6;
	s18 =	smul.u32 $0xCD, s18;
	[sflag:s10] =	ssyncset.done $0x0  }
0x6a: {  	s8 =	sadd.s32 s8, s24;
	s2 =	smul.u32 $0xCD, s2;
	[sflag:s10] =	ssyncadd.s32 $0xFFFFF000  }
0x6b: {  	s7 =	smul.u32 $0xCD, s7;
	s8 =	sadd.s32 s22, s8;
	_ =	swait.ge [sflag:s16], $0x1000  }
0x6c: {  	s0 =	sshrl.u32 s0, $0xB;
	s18 =	sshrl.u32 s18, $0xB;
	[sflag:s16] =	ssyncset.done $0x0  }
0x6d: {  	s9 =	smul.u32 $0xA, s0;
	s2 =	sshrl.u32 s2, $0xB;
	[sflag:s16] =	ssyncadd.s32 $0xFFFFF000  }
0x6e: {  	[hbm4b:s23+s17] =	stream.strided.scatter [tilespmem:s14], [sflag:$0x2], $0x1000, s11, s17, $0x38;
	[tilespmem:$0x5400] =	vst v63  }
0x6f: {  	s0 =	sshll.u32 s0, $0x7;
	s7 =	sshrl.u32 s7, $0xB;
	_ =	swait.ge [sflag:s10], $0x1000  }
0x70: {  	s2 =	smul.u32 $0xA, s2;
	s9 =	ssub.s32 s26, s9;
	[sflag:s10] =	ssyncset.done $0x0  }
0x71: {  	s26 =	smul.u32 $0xA, s18;
	s20 =	sand.u32 $0xFE, s9;
	[sflag:s10] =	ssyncadd.s32 $0xFFFFF000  }
0x72: {  	s1 =	ssub.s32 s1, s2;
	s21 =	smul.u32 $0x61A80, s20;
	_ =	swait.ge [sflag:s16], $0x1000  }
0x73: {  	s2 =	sshll.u32 s20, $0x9;
	s20 =	sand.u32 $0xFF, s1;
	[sflag:s16] =	ssyncset.done $0x0  }
0x74: {  	s2 =	sadd.s32 s0, s2;
	s23 =	smul.u32 $0xA, s7;
	[sflag:s16] =	ssyncadd.s32 $0xFFFFF000  }
0x75: {  	[hbm4b:s8+s17] =	stream.strided.scatter [tilespmem:s15], [sflag:$0x2], $0x1000, s11, s17, $0x38;
	[tilespmem:$0x5400] =	vst v63  }
0x76: {  	s22 =	smul.u32 $0x61A80, s20;
	s20 =	sshll.u32 s20, $0x9;
	_ =	swait.ge [sflag:s10], $0x1000  }
0x77: {  	s24 =	sadd.s32 s0, s20;
	s6 =	ssub.s32 s6, s23;
	[sflag:s10] =	ssyncset.done $0x0  }
0x78: {  	s25 =	sand.u32 $0xFE, s6;
	s8 =	sadd.s32 s4, s21;
	[sflag:s10] =	ssyncadd.s32 $0xFFFFF000  }
0x79: {  	[tilespmem:s12], [sflag:$0x1] =	stream.indirect.gather [hbm4b:s8+s11], $0x20, s2, s11, $0xb8;
	[tilespmem:$0x5400] =	vst v63  }
0x7a: {  	s28 =	smul.u32 $0x61A80, s25;
	s2 =	sadd.s32 s4, s22;
	s8 =	ssub.s32 s19, s26  }
0x7b: {  	[tilespmem:s13], [sflag:$0x1] =	stream.indirect.gather [hbm4b:s2+s11], $0x20, s24, s11, $0xb8;
	[tilespmem:$0x5400] =	vst v63  }
0x7c: {  	s7 =	sshll.u32 s7, $0x7;
	s30 =	sand.u32 $0xFF, s8;
	s2 =	sshll.u32 s25, $0x9  }
0x7d: {  	s29 =	sadd.s32 s4, s28;
	s31 =	smul.u32 $0x61A80, s30;
	s2 =	sadd.s32 s7, s2  }
0x7e: {  	[tilespmem:s14], [sflag:$0x1] =	stream.indirect.gather [hbm4b:s29+s11], $0x20, s2, s11, $0xb8;
	[tilespmem:$0x5400] =	vst v63  }
0x7f: {  	s18 =	sshll.u32 s18, $0x7;
	s2 =	sshll.u32 s30, $0x9  }
0x80: {  	s19 =	sadd.s32 s4, s31;
	s2 =	sadd.s32 s18, s2  }
0x81: {  	[tilespmem:s15], [sflag:$0x1] =	stream.indirect.gather [hbm4b:s19+s11], $0x20, s2, s11, $0xb8;
	[tilespmem:$0x5400] =	vst v63  }
0x82: {  	s19 =	sshll.u32 s9, $0x2;
	s9 =	sshll.u32 s9, $0x10  }
0x83: {  	s0 =	sadd.s32 s3, s0;
	s9 =	sand.u32 $0xC0000, s9  }
0x84: {  	s2 =	sand.u32 $0x8, s19;
	_ =	swait.ge [sflag:s16], $0x1000;
	s9 =	sadd.s32 s5, s9  }
0x85: {  	s0 =	sshll.u32 s0, $0x4;
	[sflag:s16] =	ssyncset.done $0x0;
	s2 =	sadd.s32 s2, s9  }
0x86: {  	[sflag:s16] =	ssyncadd.s32 $0xFFFFF000;
	s2 =	sadd.s32 s0, s2  }
0x87: {  	[hbm4b:s2+s17] =	stream.strided.scatter [tilespmem:s12], [sflag:$0x2], $0x1000, s11, s17, $0x38;
	[tilespmem:$0x5400] =	vst v63  }
0x88: {  	_ =	swait.ge [sflag:s10], $0x1000  }
0x89: {  	[sflag:s10] =	ssyncset.done $0x0  }
0x8a: {  	s20 =	sshll.u32 s1, $0x10;
	s1 =	sshll.u32 s1, $0x2;
	[sflag:s10] =	ssyncadd.s32 $0xFFFFF000  }
0x8b: {  	s0 =	sadd.s32 s5, s0;
	s2 =	sand.u32 $0xC0000, s20;
	_ =	swait.ge [sflag:s16], $0x1000  }
0x8c: {  	s1 =	sand.u32 $0xC, s1;
	s0 =	sadd.s32 s2, s0;
	[sflag:s16] =	ssyncset.done $0x0  }
0x8d: {  	s0 =	sadd.s32 s1, s0;
	[sflag:s16] =	ssyncadd.s32 $0xFFFFF000  }
0x8e: {  	[hbm4b:s0+s17] =	stream.strided.scatter [tilespmem:s13], [sflag:$0x2], $0x1000, s11, s17, $0x38;
	[tilespmem:$0x5400] =	vst v63  }
0x8f: {  	_ =	swait.ge [sflag:s10], $0x1000  }
0x90: {  	s23 =	sadd.s32 s3, s7;
	s22 =	sshll.u32 s6, $0x10;
	[sflag:s10] =	ssyncset.done $0x0  }
0x91: {  	s21 =	sshll.u32 s6, $0x2;
	s1 =	sand.u32 $0xC0000, s22;
	[sflag:s10] =	ssyncadd.s32 $0xFFFFF000  }
0x92: {  	s1 =	sadd.s32 s5, s1;
	s0 =	sand.u32 $0x8, s21;
	_ =	swait.ge [sflag:s16], $0x1000  }
0x93: {  	s24 =	sshll.u32 s23, $0x4;
	s0 =	sadd.s32 s0, s1;
	[sflag:s16] =	ssyncset.done $0x0  }
0x94: {  	s0 =	sadd.s32 s24, s0;
	[sflag:s16] =	ssyncadd.s32 $0xFFFFF000  }
0x95: {  	[hbm4b:s0+s17] =	stream.strided.scatter [tilespmem:s14], [sflag:$0x2], $0x1000, s11, s17, $0x38;
	[tilespmem:$0x5400] =	vst v63  }
0x96: {  	_ =	swait.ge [sflag:s10], $0x1000  }
0x97: {  	s28 =	sadd.s32 s3, s18;
	s25 =	sshll.u32 s8, $0x10;
	[sflag:s10] =	ssyncset.done $0x0  }
0x98: {  	s26 =	sshll.u32 s8, $0x2;
	s0 =	sand.u32 $0xC0000, s25;
	[sflag:s10] =	ssyncadd.s32 $0xFFFFF000  }
0x99: {  	s1 =	sand.u32 $0xC, s26;
	s0 =	sadd.s32 s5, s0;
	_ =	swait.ge [sflag:s16], $0x1000  }
0x9a: {  	s29 =	sshll.u32 s28, $0x4;
	s0 =	sadd.s32 s1, s0;
	[sflag:s16] =	ssyncset.done $0x0  }
0x9b: {  	s0 =	sadd.s32 s29, s0;
	[sflag:s16] =	ssyncadd.s32 $0xFFFFF000  }
0x9c: {  	[hbm4b:s0+s17] =	stream.strided.scatter [tilespmem:s15], [sflag:$0x2], $0x1000, s11, s17, $0x38;
	[tilespmem:$0x5400] =	vst v63  }
0x9d: {  	_ =	swait.ge [sflag:s10], $0x1000  }
0x9e: {  	s30 =	rddreg [dreg:$0x4]  }
0x9f: {  	s31 =	rddreg [dreg:$0x3];
	s1 =	sadd.s32 $0x1, s30  }
0xa0: {  	p0 =	sne.s32 s1, s31  }
.Ltmp1:
0xa1: {  	_ = 	snop;
	(pc) =	sbr.rel @p0 .LBB2_1-.Ltmp1, $3  }
0xa2: {  	_ =	sdelay $0x1  }
0xa3: {  	[sflag:s10] =	ssyncset.done $0x0  }
0xa4: {  	[sflag:s10] =	ssyncadd.s32 $0xFFFFF000  }
0xa5: {  	_ =	sfence.sel $0x180000  }
0xa6: {  	[bflag:$0x0] =	sbarrier.arrive $0xFFFF  }
0xa7: {  	_ =	strace $0x9000004D  }
0xa8: {  	s0 =	stileid.u32;
	[bflag:$0x2] =	sbarrier.arrive $0xFFFF  }
0xa9: {  	p0 =	sne.s32 s0, $0x0;
	s0 =	rddreg [dreg:$0x1]  }
0xaa: {  	s0 =	sadd.s32 @!p0 $0x100000, s0  }
0xab: {  	[sflag:s0] =	ssyncadd.tile.s32 @!p0 $0x1;
	_ =	shalt  }
.Lfunc_end2:
_tile_overlayer_lowered:
.L_overlay_start_2:
0xac: {  	(tag) =	ssettag $0x2  }
0xad: {  	s0 =	rddreg [dreg:$0x0];
	s2 =	stileid.u32  }
0xae: {  	s1 =	rddreg [dreg:$0x1];
	p0 =	sne.s32 s2, $0x0  }
0xaf: {  	s3 =	rddreg [dreg:$0x2];
	[bflag:$0x3] =	sbarrier.arrive $0xFFFF;
	s2 =	simm.s32 @!p0 $0x1C02  }
0xb0: {  	[timem:s3], [sflag:s2] =	dma.local @!p0 [hbm:s0], s1  }
0xb1: {  	s0 =	simm.s32 @!p0 $0x2  }
0xb2: {  	_ =	swait.ge @!p0 [sflag:s0], s1  }
0xb3: {  	s1 =	ssub.s32 @!p0 $0x0, s1;
	[sflag:s0] =	ssyncset.done @!p0 $0x0  }
0xb4: {  	[sflag:s0] =	ssyncadd.s32 @!p0 s1  }
0xb5: {  	[bflag:$0x3] =	sbarrier.arrive $0xFFFF  }
0xb6: {  	_ =	shalt  }

// kernel: sparse-core-data-format-call.1.cloned.1.call-start
scs
called_computation.1_lowered:
.L_overlay_start_0:
0x0: {  	s2 =	sld [smem:$0x3FD9]  }
0x1: {  	s3 =	sld [smem:$0x3FFE];
	_ =	sdelay $0x1  }
0x2: {  	s1 =	srdreg.scid  }
0x3: {  	s0 =	sand.u32 $0x1, s1  }
0x4: {  	s18 =	sshll.u32 s0, $0xA;
	s2 =	sadd.s32 s3, s2  }
0x5: {  	s2 =	sadd.s32 s2, s18  }
0x6: {  	[smem:$0x3FBB] =	sst s2  }
0x7: {  	_ = 	snop  }
0x8: {  	(tm) =	ssettm $0x1  }
0x9: {  	s19 =	sld [smem:$0x3FFB];
	_ =	sdelay $0x3  }
0xa: {  	_ =	strace s19  }
0xb: {  	s2 =	sld [smem:$0x3FFC];
	_ =	sdelay $0x3  }
0xc: {  	_ =	strace s2  }
0xd: {  	s2 =	sld [smem:$0x3FFD];
	_ =	sdelay $0x3  }
0xe: {  	_ =	strace s2  }
0xf: {  	_ =	strace $0x8FFFFFFF  }
0x10: {  	s20 =	sld [smem:$0x3FDB];
	_ =	sdelay $0x1  }
0x11: {  	s21 =	simm.s32 $_scs_section_size  }
0x12: {  	s4 =	simm.s32 $_size__tile_overlayer_lowered;
	s5 =	simm.s32 $_tile_overlayer_lowered  }
0x13: {  	s6 =	simm.s32 $0x1BFF;
	s22 =	sshll.u32 s5, $0x1;
	s3 =	sadd.s32 s21, s20  }
0x14: {  	s23 =	simm.s32 $0x0;
	s4 =	sshll.u32 s4, $0x1;
	s5 =	sadd.s32 s22, s3  }
0x15: {  	[timem:s23], [sflag:s6] =	dma.local [hbm:s5], s4  }
0x16: {  	_ =	swait.ge [sflag:s6], s4  }
0x17: {  	s4 =	ssub.s32 $0x0, s4;
	[sflag:s6] =	ssyncset.done $0x0  }
0x18: {  	[sflag:s6] =	ssyncadd.s32 s4;
	_ =	sdelay $0x1  }
0x19: {  	s24 =	simm.s32 $0x1B8B  }
0x1a: {  	_ =	swait.ge [sflag:s24], $0x1  }
0x1b: {  	[sflag:s24] =	ssyncset.done $0x0  }
0x1c: {  	[sflag:s24] =	ssyncadd.s32 $0xFFFFFFFF  }
0x1d: {  	s4 =	sld [smem:$0x0]  }
0x1e: {  	s5 =	sand.u32 $0xFFFFFFFE, s1  }
0x1f: {  	p0 =	sne.s32 s1, s5  }
0x20: {  	s5 =	sshll.u32 @p0 s5, $0xE  }
0x21: {  	s5 =	sadd.s32 @p0 $0x11B8D, s5;
	s6 =	sshll.u32 @p0 s4, $0x11  }
0x22: {  	s5 =	sor.u32 @p0 s6, s5  }
0x23: {  	[sflag:s5] =	ssyncadd.remote.s32 @p0 $0x1;
	_ =	sdelay $0x1  }
0x24: {  	s5 =	simm.s32 @p0 $0x1B8D  }
0x25: {  	_ =	swait.eq @p0 [sflag:s5], $0x1  }
0x26: {  	[sflag:s5] =	ssyncadd.s32 @p0 $0xFFFFFFFF  }
0x27: {  	s6 =	sshll.u32 @!p0 s1, $0xE  }
0x28: {  	s6 =	sor.u32 @!p0 $0x4000, s6;
	s5 =	simm.s32 @!p0 $0x1B8D  }
0x29: {  	s4 =	sshll.u32 @!p0 s4, $0x11;
	s6 =	sadd.s32 @!p0 $0x11B8D, s6;
	_ =	swait.eq @!p0 [sflag:s5], $0x1  }
0x2a: {  	s4 =	sor.u32 @!p0 s4, s6;
	[sflag:s5] =	ssyncadd.s32 @!p0 $0xFFFFFFFF  }
0x2b: {  	s26 =	simm.s32 $0x1B8E;
	s25 =	sld [smem:$0x3FFE];
	[sflag:s4] =	ssyncadd.remote.s32 @!p0 $0x1  }
0x2c: {  	s27 =	simm.s32 $execute0_lowered;
	[smem:$0x3FD2] =	sst s26  }
0x2d: {  	s5 =	sshll.u32 s27, $0x1;
	_ =	strace $0x80000049;
	[dreg:$0x1] =	wrdreg $0xFFFFFFFF  }
0x2e: {  	s28 =	simm.s32 $_size_execute0_lowered;
	s3 =	sadd.s32 s3, s5;
	[dreg:$0x0] =	wrdreg $0x0  }
0x2f: {  	s5 =	sshll.u32 s28, $0x1;
	[dreg:$0x2] =	wrdreg s3  }
0x30: {  	[dreg:$0x3] =	wrdreg s5  }
0x31: {  	[dreg:$0x4] =	wrdreg $0xC0  }
0x32: {  	_ =	task [dreg:s23], $0x5FFFF  }
0x33: {  	[dreg:$0x1] =	wrdreg $0xFFFFFFFF  }
0x34: {  	[dreg:$0x0] =	wrdreg $0x60  }
0x35: {  	[dreg:$0x2] =	wrdreg s25  }
0x36: {  	[dreg:$0x3] =	wrdreg $0x9  }
0x37: {  	_ =	task.clear_ibuf [dreg:s23], $0x4FFFF;
	_ =	strace $0x90000049  }
0x38: {  	s29 =	simm.s32 $0x9;
	_ =	strace $0x8000004B  }
0x39: {  	_ =	swait.ge [sflag:s29], $0x1  }
0x3a: {  	[sflag:s29] =	ssyncadd.s32 $0xFFFFFFFF  }
0x3b: {  	_ =	strace $0x9000004B  }
0x3c: {  	_ =	sfence  }
0x3d: {  	s30 =	sld [smem:$0x0];
	_ =	sdelay $0x2  }
0x3e: {  	s31 =	sshll.u32 s1, $0xD;
	s1 =	sshrl.u32 s1, $0x2  }
0x3f: {  	s4 =	sand.u32 $0x4000, s31;
	s1 =	sadd.s32 s1, s30  }
0x40: {  	s0 =	sor.u32 s4, s0;
	s1 =	sshll.u32 s1, $0x11  }
0x41: {  	s0 =	sor.u32 s1, s0  }
0x42: {  	s0 =	sadd.s32 $0x8F2B, s0  }
0x43: {  	[sflag:s0] =	ssyncadd.remote.s32 $0x1  }
0x44: {  	_ =	sfence.sel $0xFFFF  }
0x45: {  	[dreg:$0x0] =	wrdreg $0xFFFFFFFF;
	(pc) =	sbr.abs _section_cstart, $3  }
0x46: {  	[dreg:$0x1] =	wrdreg $0xFFFFFFFF  }
0x47: {  	_ =	task.clear_ibuf [dreg:s23], $0x2FFFF;
	_ =	strace $0x9FFFFFFF  }
0x48: {  	(tm) =	ssettm $0x7FFFFFFF  }
0x49: {  	_ =	shalt  }
tec
execute0_lowered:
.L_overlay_start_1:
0x0: {  	(tag) =	ssettag $0x1  }
0x1: {  	s1 =	rddreg [dreg:$0x0]  }
0x2: {  	s0 =	rddreg [dreg:$0x1]  }
0x3: {  	s3 =	srdreg.scid;
	_ =	strace $0x8000004A;
	s5 =	simm.s32 $0x1  }
0x4: {  	s6 =	simm.s32 $0x2;
	s16 =	simm.s32 $0x0;
	p0 =	por $0x0, $0x0  }
0x5: {  	s8 =	simm.s32 $0x80;
	s17 =	simm.s32 $0x0;
	s18 =	simm.s32 $0x0  }
0x6: {  	s9 =	simm.s32 $0x0;
	s10 =	simm.s32 $0x0;
	s11 =	simm.s32 $0x0  }
.Ltmp0:
0x7: {  	s13 =	simm.s32 $0x0;
	s4 =	sshll.u32 s3, $0x8;
	(pc) =	sbr.rel .LBB1_1-.Ltmp0, $4  }
0x8: {  	s14 =	stileid.u32;
	s15 =	simm.s32 $0x0;
	s4 =	sand.u32 $0x100, s4  }
0x9: {  	s2 =	sadd.s32 $0x1316800, s1;
	[sflag:s5] =	ssyncpa.u1 $0x0;
	s7 =	ssub.s32 $0x18600, s4  }
0xa: {  	s3 =	sadd.s32 $0x1932800, s1;
	[sflag:s6] =	ssyncpa.u1 $0x0;
	s6 =	sshrl.u32 s7, $0x9  }
0xb: {  	s1 =	stileid.u32;
	s12 =	smov.u32 s4;
	s7 =	sadd.s32 $0x2, s6  }
.LBB1_5:
0xc: {  	p1 =	slt.u32 s15, $0x2  }
0xd: {  	p2 =	sgt.s32 @!p1 s18, $0xF  }
0xe: {  	s19 =	smov.u32 s18;
	s20 =	sshra.s32 @!p1 s18, $0x1F;
	p2 =	por !p2, p1  }
0xf: {  	s18 =	sand.u32 @!p1 s20, s18;
	s19 =	simm.s32 @p2 $0xF  }
0x10: {  	p3 =	sgt.s32 @!p1 s17, $0x60;
	s18 =	ssub.s32 @!p1 s19, s18  }
0x11: {  	p3 =	por !p3, p1;
	s20 =	sshra.s32 @!p1 s17, $0x1F;
	s19 =	sadd.s32 @!p1 $0xFFFFFFF1, s18  }
0x12: {  	s18 =	ssub.s32 @!p1 $0x10, s18;
	p2 =	sgt.s32 @!p1 s19, $0x0;
	s19 =	smov.u32 s17  }
0x13: {  	s17 =	sand.u32 @!p1 s20, s17;
	s19 =	simm.s32 @p3 $0x60;
	p3 =	sgt.s32 @!p1 s16, $0x185A0  }
0x14: {  	s20 =	smov.u32 s16;
	p2 =	por !p2, p1;
	p3 =	por !p3, p1  }
0x15: {  	s17 =	ssub.s32 @!p1 s19, s17;
	s19 =	sshra.s32 @!p1 s16, $0x1F;
	s18 =	simm.s32 @!p2 $0x0  }
0x16: {  	s20 =	simm.s32 @p3 $0x185A0;
	s16 =	sand.u32 @!p1 s19, s16;
	s19 =	sadd.s32 @!p1 $0xFFFFFFA0, s17  }
0x17: {  	s17 =	ssub.s32 @!p1 $0x80, s17;
	s16 =	ssub.s32 @!p1 s20, s16;
	p2 =	sgt.s32 @!p1 s19, $0x1F  }
0x18: {  	s20 =	smov.u32 s13;
	s19 =	sadd.s32 @!p1 $0xFFFE7A60, s16;
	p2 =	por !p2, p1  }
0x19: {  	s16 =	ssub.s32 @!p1 $0x186A0, s16;
	p3 =	sgt.s32 @!p1 s19, $0xFF;
	s17 =	simm.s32 @!p2 $0x0  }
0x1a: {  	s19 =	sadd.s32 $0x200, s12;
	p2 =	por !p3, p1;
	s17 =	smul.u32 @!p1 s18, s17  }
0x1b: {  	s18 =	sadd.s32 $0x20, s13;
	s16 =	simm.s32 @!p2 $0x0;
	p2 =	sgt.s32 s19, $0x1869F  }
0x1c: {  	s21 =	smov.u32 s14;
	s20 =	smov.u32 @p2 s18  }
0x1d: {  	s16 =	smul.u32 @!p1 s16, s17;
	s17 =	sadd.s32 $0x10, s14;
	p3 =	sgt.s32 s20, $0x1F  }
0x1e: {  	p0 =	por !p0, !p0;
	s22 =	simm.s32 @!p1 $0x2;
	s21 =	smov.u32 @p3 s17  }
0x1f: {  	s19 =	smov.u32 @p2 s4;
	s18 =	smov.u32 s11;
	p2 =	sgt.s32 s21, $0xF  }
0x20: {  	s11 =	smov.u32 s14;
	s21 =	smov.u32 @p2 s1;
	p2 =	sne.s32 s15, s7  }
.Ltmp1:
0x21: {  	s16 =	sand.u32 @!p1 $0x3FFFFFFF, s16;
	s20 =	simm.s32 @p3 $0x0;
	(pc) =	sbr.rel @!p2 .LBB1_6-.Ltmp1, $4  }
0x22: {  	s17 =	smov.u32 s10;
	s10 =	smov.u32 s13;
	_ =	swait.ge @!p1 [sflag:s22], s16  }
0x23: {  	s23 =	ssub.s32 @!p1 $0x0, s16;
	s16 =	smov.u32 s9;
	s9 =	smov.u32 s12  }
0x24: {  	s12 =	smov.u32 s19;
	s13 =	smov.u32 s20;
	[sflag:s22] =	ssyncset.done @!p1 $0x0  }
0x25: {  	s15 =	sadd.s32 $0x1, s15;
	[sflag:s22] =	ssyncadd.s32 @!p1 s23;
	s14 =	smov.u32 s21  }
.LBB1_1:
0x26: {  	p1 =	sgt.u32 s15, s6  }
0x27: {  	s19 =	sshrl.u32 @!p1 s13, $0x3  }
0x28: {  	s20 =	sshll.u32 @!p1 s12, $0x3;
	s19 =	smul.u32 @!p1 $0xC3800, s19  }
0x29: {  	s21 =	sshll.u32 @!p1 s13, $0x7;
	s20 =	sand.u32 @!p1 $0xFFFFFC00, s20  }
0x2a: {  	s19 =	sadd.s32 @!p1 s19, s20;
	s20 =	sand.u32 @!p1 $0x380, s21  }
0x2b: {  	s21 =	sand.u32 @!p1 $0x7F, s12;
	s19 =	sor.u32 @!p1 s20, s19  }
0x2c: {  	s20 =	sor.u32 @!p1 s21, s19  }
0x2d: {  	s21 =	smulhi.u32 @!p1 $0xA79C7B17, s20  }
0x2e: {  	s19 =	smulhi.u32 @!p1 $0xA79C7B17, s19  }
0x2f: {  	s21 =	sshrl.u32 @!p1 s21, $0x10  }
0x30: {  	s19 =	sshrl.u32 @!p1 s19, $0x10;
	s21 =	smul.u32 @!p1 $0x18700, s21  }
0x31: {  	s22 =	sxor.u32 @!p1 $0xFFFFFFFF, s15;
	s23 =	smul.u32 @!p1 $0x61C00, s14;
	s19 =	sand.u32 @!p1 $0x1F, s19  }
0x32: {  	s22 =	sshll.u32 @!p1 s22, $0xD;
	s19 =	smul.u32 @!p1 $0x30E0, s19;
	s20 =	ssub.s32 @!p1 s20, s21  }
0x33: {  	s21 =	sand.u32 @!p1 $0x2000, s22;
	s22 =	sadd.s32 @!p1 s2, s23;
	s23 =	sand.u32 @!p1 $0x7, s20  }
0x34: {  	s20 =	sshrl.u32 @!p1 s20, $0x3;
	s19 =	sadd.s32 @!p1 s19, s22;
	s22 =	sshll.u32 @!p1 s23, $0x12  }
0x35: {  	s19 =	sadd.s32 @!p1 s20, s19;
	s20 =	sor.u32 @!p1 $0x800, s22;
	s22 =	simm.s32 @!p1 $0xC3800  }
0x36: {  	[tilespmem:s21], [sflag:$0x1] =	stream.strided.gather @!p1 [hbm4b:s19+s20], $0x2000, s22, s20, $0x38;
	[tilespmem:$0x8200] =	vst v63  }
0x37: {  	p1 =	seq.s32 s15, $0x0  }
0x38: {  	p2 =	sge.u32 @!p1 s15, s7  }
0x39: {  	p1 =	por p1, p2  }
.Ltmp2:
0x3a: {  	_ = 	snop;
	(pc) =	sbr.rel @p1 .LBB1_5-.Ltmp2, $1  }
0x3b: {  	_ =	sdelay $0x3  }
0x3c: {  	s21 =	simm.s32 $0x0  }
0x3d: {  	s22 =	sand.u32 $0x1800, s21;
	s23 =	sand.u32 $0x380, s21  }
0x3e: {  	s19 =	sand.u32 $0x1, s15;
	s23 =	sor.u32 s23, s22  }
0x3f: {  	_ =	swait.ge [sflag:s5], $0x2000;
	s20 =	sshll.u32 s19, $0xD;
	s22 =	sand.u32 $0x1B00, s23  }
0x40: {  	[sflag:s5] =	ssyncset.done $0x0;
	s21 =	sand.u32 $0x80, s21;
	s22 =	sadd.s32 s22, s20  }
0x41: {  	[sflag:s5] =	ssyncadd.s32 $0xFFFFE000;
	s25 =	sadd.s32 s21, s22  }
0x42: {  	v4 =	vld [tilespmem:s25+$0x400]  }
0x43: {  	s24 =	simm.s32 $0x1;
	v5 =	vld [tilespmem:s25+$0x0]  }
0x44: {  	s24 =	simm.s32 @!p0 $0x0;
	v6 =	vld [tilespmem:s25+$0x10]  }
0x45: {  	v0 =	vmov s20;
	s31 =	smul.u32 $0x8400, s24;
	v7 =	vld [tilespmem:s25+$0x20]  }
0x46: {  	v9 =	vld [tilespmem:s25+$0x30]  }
0x47: {  	s21 =	sshrl.u32 s31, $0x2;
	v10 =	vld [tilespmem:s25+$0x40]  }
0x48: {  	s21 =	sor.u32 $0x4000, s21;
	v11 =	vld [tilespmem:s25+$0x50]  }
0x49: {  	v8 =	vld [tilespmem:s25+$0x60];
	s22 =	sadd.s32 $0x0, s21  }
0x4a: {  	v1 =	vld.idx.msk [tilespmem:v0+s23+$0x410 ss:$0x1], $0xffff;
	[tilespmem:s22+$0x1080 ss:$0x21] =	vst.msk $0xffff, v4  }
0x4b: {  	v2 =	vld.idx.msk [tilespmem:v0+s23+$0x420 ss:$0x1], $0xffff;
	[tilespmem:s22+$0x0 ss:$0x21] =	vst.msk $0xffff, v5  }
0x4c: {  	v3 =	vld.idx.msk [tilespmem:v0+s23+$0x430 ss:$0x1], $0xffff;
	[tilespmem:s22+$0x210 ss:$0x21] =	vst.msk $0xffff, v6  }
0x4d: {  	s19 =	smul.u32 $0x8400, s19;
	[tilespmem:s22+$0x420 ss:$0x21] =	vst.msk $0xffff, v7;
	v7 =	vld [tilespmem:s25+$0x70]  }
0x4e: {  	s26 =	simm.s32 $0x80;
	s27 =	simm.s32 $0x8;
	[tilespmem:s22+$0x630 ss:$0x21] =	vst.msk $0xffff, v9;
	v4 =	vld.idx.msk [tilespmem:v0+s23+$0x440 ss:$0x1], $0xffff  }
0x4f: {  	s29 =	sand.u32 $0x380, s26;
	s19 =	sshrl.u32 s19, $0x2;
	[tilespmem:s22+$0x840 ss:$0x21] =	vst.msk $0xffff, v10;
	v5 =	vld.idx.msk [tilespmem:v0+s23+$0x450 ss:$0x1], $0xffff;
	s25 =	simm.s32 $0x100  }
0x50: {  	s24 =	simm.s32 $0x4;
	s19 =	sor.u32 $0x4000, s19;
	[tilespmem:s22+$0xA50 ss:$0x21] =	vst.msk $0xffff, v11;
	v6 =	vld.idx.msk [tilespmem:v0+s23+$0x460 ss:$0x1], $0xffff;
	s28 =	sand.u32 $0x1800, s25  }
.LBB1_3:
0x51: {  	p1 =	sne.s32 s27, $0x7C;
	[tilespmem:s22+$0xC60 ss:$0x21] =	vst.msk $0xffff, v8;
	v8 =	vld.idx.msk [tilespmem:v0+s23+$0x470 ss:$0x1], $0xffff;
	s23 =	sor.u32 s29, s28  }
0x52: {  	s28 =	sand.u32 $0x1B00, s23;
	v9 =	vld.idx.msk [tilespmem:v0+s23+$0x410 ss:$0x1], $0xffff;
	[tilespmem:s22+$0xE70 ss:$0x21] =	vst.msk $0xffff, v7  }
0x53: {  	s29 =	sand.u32 $0x80, s26;
	s28 =	sadd.s32 s28, s20;
	v7 =	vld.idx.msk [tilespmem:v0+s23+$0x420 ss:$0x1], $0xffff;
	[tilespmem:s22+$0x1290 ss:$0x21] =	vst.msk $0xffff, v1  }
0x54: {  	s28 =	sadd.s32 s29, s28;
	v10 =	vld.idx.msk [tilespmem:v0+s23+$0x430 ss:$0x1], $0xffff;
	[tilespmem:s22+$0x14A0 ss:$0x21] =	vst.msk $0xffff, v2  }
0x55: {  	v11 =	vld [tilespmem:s28+$0x400];
	[tilespmem:s22+$0x16B0 ss:$0x21] =	vst.msk $0xffff, v3  }
0x56: {  	v12 =	vld [tilespmem:s28+$0x0];
	[tilespmem:s22+$0x18C0 ss:$0x21] =	vst.msk $0xffff, v4  }
0x57: {  	v4 =	vld [tilespmem:s28+$0x10];
	[tilespmem:s22+$0x1AD0 ss:$0x21] =	vst.msk $0xffff, v5  }
0x58: {  	s29 =	sshra.s32 s24, $0x2;
	s24 =	smov.u32 s27;
	v1 =	vmov v9;
	v5 =	vld [tilespmem:s28+$0x20];
	[tilespmem:s22+$0x1CE0 ss:$0x21] =	vst.msk $0xffff, v6  }
0x59: {  	v2 =	vmov v7;
	v6 =	vld [tilespmem:s28+$0x30];
	[tilespmem:s22+$0x1EF0 ss:$0x21] =	vst.msk $0xffff, v8;
	s22 =	sadd.s32 s29, s21  }
0x5a: {  	v3 =	vmov v10;
	v9 =	vld [tilespmem:s28+$0x40];
	[tilespmem:s22+$0x1080 ss:$0x21] =	vst.msk $0xffff, v11  }
0x5b: {  	[tilespmem:s22+$0x0 ss:$0x21] =	vst.msk $0xffff, v12;
	v10 =	vld [tilespmem:s28+$0x50]  }
.Ltmp3:
0x5c: {  	[tilespmem:s22+$0x210 ss:$0x21] =	vst.msk $0xffff, v4;
	v8 =	vld [tilespmem:s28+$0x60];
	(pc) =	sbr.rel @p1 .LBB1_3-.Ltmp3, $4  }
0x5d: {  	[tilespmem:s22+$0x420 ss:$0x21] =	vst.msk $0xffff, v5;
	v7 =	vld [tilespmem:s28+$0x70]  }
0x5e: {  	[tilespmem:s22+$0x630 ss:$0x21] =	vst.msk $0xffff, v6;
	v4 =	vld.idx.msk [tilespmem:v0+s23+$0x440 ss:$0x1], $0xffff  }
0x5f: {  	s26 =	sadd.s32 $0x80, s26;
	s25 =	sadd.s32 $0x100, s25;
	[tilespmem:s22+$0x840 ss:$0x21] =	vst.msk $0xffff, v9;
	v5 =	vld.idx.msk [tilespmem:v0+s23+$0x450 ss:$0x1], $0xffff  }
0x60: {  	s27 =	sadd.s32 $0x4, s27;
	s29 =	sand.u32 $0x380, s26;
	s28 =	sand.u32 $0x1800, s25;
	[tilespmem:s22+$0xA50 ss:$0x21] =	vst.msk $0xffff, v10;
	v6 =	vld.idx.msk [tilespmem:v0+s23+$0x460 ss:$0x1], $0xffff  }
0x61: {  	_ =	sdelay $0x3  }
0x62: {  	s25 =	sor.u32 s29, s28;
	v47 =	vld.idx.msk [tilespmem:v0+s23+$0x470 ss:$0x1], $0xffff  }
0x63: {  	[tilespmem:s22+$0xC60 ss:$0x21] =	vst.msk $0xffff, v8;
	v57 =	vld.idx.msk [tilespmem:v0+s25+$0x410 ss:$0x1], $0xffff  }
0x64: {  	[tilespmem:s22+$0x1290 ss:$0x21] =	vst.msk $0xffff, v1;
	v58 =	vld.idx.msk [tilespmem:v0+s25+$0x420 ss:$0x1], $0xffff  }
0x65: {  	[tilespmem:s22+$0x14A0 ss:$0x21] =	vst.msk $0xffff, v2;
	v59 =	vld.idx.msk [tilespmem:v0+s25+$0x430 ss:$0x1], $0xffff  }
0x66: {  	[tilespmem:s22+$0x16B0 ss:$0x21] =	vst.msk $0xffff, v3;
	v60 =	vld.idx.msk [tilespmem:v0+s25+$0x440 ss:$0x1], $0xffff  }
0x67: {  	s26 =	sand.u32 $0x80, s26;
	s27 =	sand.u32 $0x1B00, s25;
	[tilespmem:s22+$0xE70 ss:$0x21] =	vst.msk $0xffff, v7;
	v61 =	vld.idx.msk [tilespmem:v0+s25+$0x450 ss:$0x1], $0xffff  }
0x68: {  	s29 =	sshll.u32 s10, $0x3;
	s24 =	sshra.s32 s24, $0x2;
	v62 =	vld.idx.msk [tilespmem:v0+s25+$0x460 ss:$0x1], $0xffff;
	s20 =	sadd.s32 s27, s20;
	[tilespmem:s22+$0x18C0 ss:$0x21] =	vst.msk $0xffff, v4  }
0x69: {  	p1 =	sgt.s32 s11, $0xF;
	s31 =	sand.u32 $0xFFFFFC00, s29;
	v63 =	vld.idx.msk [tilespmem:v0+s25+$0x470 ss:$0x1], $0xffff;
	s23 =	sadd.s32 s26, s20;
	[tilespmem:s22+$0x1AD0 ss:$0x21] =	vst.msk $0xffff, v5  }
0x6a: {  	p2 =	sgt.s32 s10, $0x60;
	s29 =	sshra.s32 s11, $0x1F;
	s25 =	smul.u32 $0x186A00, s11;
	v48 =	vld [tilespmem:s23+$0x400];
	[tilespmem:s22+$0x1CE0 ss:$0x21] =	vst.msk $0xffff, v6  }
0x6b: {  	s26 =	sshll.u32 s9, $0x7;
	s20 =	sadd.s32 s24, s21;
	s24 =	sand.u32 s29, s11;
	v49 =	vld [tilespmem:s23+$0x0];
	[tilespmem:s22+$0x1EF0 ss:$0x21] =	vst.msk $0xffff, v47  }
0x6c: {  	s29 =	sshra.s32 s9, $0x1F;
	v50 =	vld [tilespmem:s23+$0x10];
	s30 =	sand.u32 $0xFFFFFC00, s26;
	s28 =	sand.u32 $0x380, s26;
	[tilespmem:s20+$0x1290 ss:$0x21] =	vst.msk $0xffff, v57  }
0x6d: {  	v51 =	vld [tilespmem:s23+$0x20];
	s27 =	sadd.s32 s31, s30;
	s22 =	smov.u32 s11;
	s31 =	sshra.s32 s10, $0x1F;
	[tilespmem:s20+$0x14A0 ss:$0x21] =	vst.msk $0xffff, v58  }
0x6e: {  	v52 =	vld [tilespmem:s23+$0x30];
	s21 =	sor.u32 s28, s27;
	s22 =	simm.s32 @!p1 $0xF;
	s28 =	sand.u32 s31, s10;
	[tilespmem:s20+$0x16B0 ss:$0x21] =	vst.msk $0xffff, v59  }
0x6f: {  	v53 =	vld [tilespmem:s23+$0x40];
	s27 =	smov.u32 s9;
	[tilespmem:s20+$0x18C0 ss:$0x21] =	vst.msk $0xffff, v60;
	s21 =	sshrl.u32 s21, $0x7;
	s22 =	ssub.s32 s22, s24  }
0x70: {  	v54 =	vld [tilespmem:s23+$0x50];
	[tilespmem:s20+$0x1AD0 ss:$0x21] =	vst.msk $0xffff, v61;
	s24 =	smov.u32 s10;
	s26 =	smulhi.u32 $0x14F8B59, s21;
	s30 =	sadd.s32 $0xFFFFFFF1, s22  }
0x71: {  	v55 =	vld [tilespmem:s23+$0x60];
	[tilespmem:s20+$0x1CE0 ss:$0x21] =	vst.msk $0xffff, v62;
	s24 =	simm.s32 @!p2 $0x60;
	p2 =	sgt.s32 s9, $0x185A0;
	s22 =	ssub.s32 $0x10, s22  }
0x72: {  	v56 =	vld [tilespmem:s23+$0x70];
	[tilespmem:s20+$0x1EF0 ss:$0x21] =	vst.msk $0xffff, v63;
	p1 =	sgt.s32 s30, $0x0;
	s23 =	ssub.s32 s24, s28;
	s27 =	simm.s32 @!p2 $0x185A0  }
0x73: {  	[tilespmem:s20+$0x1080 ss:$0x21] =	vst.msk $0xffff, v48;
	s24 =	sand.u32 s29, s9;
	s28 =	sand.u32 $0x7, s10;
	s26 =	sshrl.u32 s26, $0x9  }
0x74: {  	[tilespmem:s20+$0x0 ss:$0x21] =	vst.msk $0xffff, v49;
	s24 =	ssub.s32 s27, s24;
	s30 =	sadd.s32 $0xFFFFFFA0, s23;
	s22 =	simm.s32 @p1 $0x0  }
0x75: {  	[tilespmem:s20+$0x210 ss:$0x21] =	vst.msk $0xffff, v50;
	s23 =	ssub.s32 $0x80, s23;
	s27 =	sshrl.u32 s10, $0x3;
	p1 =	sgt.s32 s30, $0x1F  }
0x76: {  	[tilespmem:s20+$0x420 ss:$0x21] =	vst.msk $0xffff, v51;
	s26 =	smul.u32 $0x186A0, s26;
	s31 =	sadd.s32 $0xFFFE7A60, s24;
	s23 =	simm.s32 @p1 $0x0  }
0x77: {  	[tilespmem:s20+$0x630 ss:$0x21] =	vst.msk $0xffff, v52;
	s24 =	ssub.s32 $0x186A0, s24;
	p1 =	sgt.s32 s31, $0xFF;
	s22 =	smul.u32 s22, s23  }
.Ltmp4:
0x78: {  	[tilespmem:s20+$0x840 ss:$0x21] =	vst.msk $0xffff, v53;
	s24 =	simm.s32 @p1 $0x0;
	s21 =	ssub.s32 s21, s26;
	(pc) =	sbr.rel .LBB1_5-.Ltmp4, $4  }
0x79: {  	[tilespmem:s20+$0xA50 ss:$0x21] =	vst.msk $0xffff, v54;
	s23 =	sadd.s32 s3, s25;
	s22 =	smul.u32 s24, s22;
	s24 =	sand.u32 $0xF, s27  }
0x7a: {  	[tilespmem:s20+$0xC60 ss:$0x21] =	vst.msk $0xffff, v55;
	s29 =	sshll.u32 s28, $0x12;
	s21 =	sshll.u32 s21, $0x4;
	s23 =	sadd.s32 s24, s23  }
0x7b: {  	[tilespmem:s20+$0xE70 ss:$0x21] =	vst.msk $0xffff, v56;
	s31 =	sor.u32 $0x20, s29;
	s30 =	sand.u32 $0x3FFFFFFF, s22;
	s21 =	sadd.s32 s21, s23  }
0x7c: {  	[hbm4b:s21+s31] =	stream.strided.scatter [tilespmem:s19], [sflag:$0x2], s30, s8, s31, $0x10;
	[tilespmem:$0x8200] =	vst v63  }
.LBB1_6:
0x7d: {  	_ =	sfence.sel $0x180000  }
0x7e: {  	s2 =	simm.s32 $0x1;
	[bflag:$0x0] =	sbarrier.arrive $0xFFFF  }
0x7f: {  	s31 =	simm.s32 $0x2;
	[sflag:s2] =	ssyncpa.u1 $0x1  }
0x80: {  	[sflag:s31] =	ssyncpa.u1 $0x1  }
0x81: {  	p0 =	sne.s32 s1, $0x0;
	_ =	strace $0x9000004A  }
0x82: {  	s0 =	sadd.s32 @!p0 $0x100000, s0;
	[bflag:$0x2] =	sbarrier.arrive $0xFFFF  }
0x83: {  	[sflag:s0] =	ssyncadd.tile.s32 @!p0 $0x1;
	_ =	shalt  }
.Lfunc_end1:
_tile_overlayer_lowered:
.L_overlay_start_2:
0x84: {  	(tag) =	ssettag $0x2  }
0x85: {  	s0 =	rddreg [dreg:$0x0];
	s2 =	stileid.u32  }
0x86: {  	s1 =	rddreg [dreg:$0x1];
	p0 =	sne.s32 s2, $0x0  }
0x87: {  	s3 =	rddreg [dreg:$0x2];
	[bflag:$0x3] =	sbarrier.arrive $0xFFFF;
	s2 =	simm.s32 @!p0 $0x1C01  }
0x88: {  	[timem:s3], [sflag:s2] =	dma.local @!p0 [hbm:s0], s1  }
0x89: {  	s0 =	simm.s32 @!p0 $0x1  }
0x8a: {  	_ =	swait.ge @!p0 [sflag:s0], s1  }
0x8b: {  	s1 =	ssub.s32 @!p0 $0x0, s1;
	[sflag:s0] =	ssyncset.done @!p0 $0x0  }
0x8c: {  	[sflag:s0] =	ssyncadd.s32 @!p0 s1  }
0x8d: {  	[bflag:$0x3] =	sbarrier.arrive $0xFFFF  }
0x8e: {  	_ =	shalt  }

// kernel: sparse-core-data-format-call.cloned.1.call-start
scs
called_computation_lowered:
.L_overlay_start_0:
0x0: {  	s1 =	sld [smem:$0x3FD9]  }
0x1: {  	s2 =	sld [smem:$0x3FFE];
	_ =	sdelay $0x1  }
0x2: {  	s3 =	srdreg.scid  }
0x3: {  	s0 =	sand.u32 $0x1, s3  }
0x4: {  	s17 =	sshll.u32 s0, $0xA;
	s1 =	sadd.s32 s2, s1  }
0x5: {  	s1 =	sadd.s32 s1, s17  }
0x6: {  	[smem:$0x3FBB] =	sst s1  }
0x7: {  	_ = 	snop  }
0x8: {  	(tm) =	ssettm $0x1  }
0x9: {  	s18 =	sld [smem:$0x3FFB];
	_ =	sdelay $0x3  }
0xa: {  	_ =	strace s18  }
0xb: {  	s1 =	sld [smem:$0x3FFC];
	_ =	sdelay $0x3  }
0xc: {  	_ =	strace s1  }
0xd: {  	s1 =	sld [smem:$0x3FFD];
	_ =	sdelay $0x3  }
0xe: {  	_ =	strace s1  }
0xf: {  	_ =	strace $0x8FFFFFFF  }
0x10: {  	s19 =	sld [smem:$0x3FDB];
	_ =	sdelay $0x1  }
0x11: {  	s20 =	simm.s32 $_scs_section_size  }
0x12: {  	s4 =	simm.s32 $_size__tile_overlayer_lowered;
	s5 =	simm.s32 $_tile_overlayer_lowered  }
0x13: {  	s23 =	simm.s32 $0x1BFF;
	s22 =	sshll.u32 s5, $0x1;
	s1 =	sadd.s32 s20, s19  }
0x14: {  	s6 =	simm.s32 $0x0;
	s21 =	sshll.u32 s4, $0x1;
	s4 =	sadd.s32 s22, s1  }
0x15: {  	[timem:s6], [sflag:s23] =	dma.local [hbm:s4], s21  }
0x16: {  	_ =	swait.ge [sflag:s23], s21  }
0x17: {  	s2 =	ssub.s32 $0x0, s21;
	[sflag:s23] =	ssyncset.done $0x0  }
0x18: {  	[sflag:s23] =	ssyncadd.s32 s2;
	_ =	sdelay $0x1  }
0x19: {  	s24 =	simm.s32 $0x1B8B  }
0x1a: {  	_ =	swait.ge [sflag:s24], $0x1  }
0x1b: {  	[sflag:s24] =	ssyncset.done $0x0  }
0x1c: {  	s26 =	simm.s32 $0x1B8E;
	s25 =	sld [smem:$0x3FFE];
	[sflag:s24] =	ssyncadd.s32 $0xFFFFFFFF  }
0x1d: {  	s27 =	simm.s32 $execute0_lowered;
	[smem:$0x3FD2] =	sst s26  }
0x1e: {  	s4 =	sshll.u32 s27, $0x1;
	_ =	strace $0x80000046;
	[dreg:$0x1] =	wrdreg $0xFFFFFFFF  }
0x1f: {  	s28 =	simm.s32 $_size_execute0_lowered;
	s1 =	sadd.s32 s1, s4;
	[dreg:$0x0] =	wrdreg $0x0  }
0x20: {  	s4 =	sshll.u32 s28, $0x1;
	[dreg:$0x2] =	wrdreg s1  }
0x21: {  	[dreg:$0x3] =	wrdreg s4  }
0x22: {  	[dreg:$0x4] =	wrdreg $0xC0  }
0x23: {  	_ =	task [dreg:s6], $0x5FFFF  }
0x24: {  	[dreg:$0x1] =	wrdreg $0xFFFFFFFF  }
0x25: {  	[dreg:$0x0] =	wrdreg $0x60  }
0x26: {  	[dreg:$0x2] =	wrdreg s25  }
0x27: {  	[dreg:$0x3] =	wrdreg $0xA  }
0x28: {  	_ =	task.clear_ibuf [dreg:s6], $0x4FFFF;
	_ =	strace $0x90000046  }
0x29: {  	s29 =	simm.s32 $0xA;
	_ =	strace $0x80000048  }
0x2a: {  	_ =	swait.ge [sflag:s29], $0x1  }
0x2b: {  	[sflag:s29] =	ssyncadd.s32 $0xFFFFFFFF  }
0x2c: {  	_ =	strace $0x90000048  }
0x2d: {  	_ =	sfence  }
0x2e: {  	s30 =	sld [smem:$0x0];
	_ =	sdelay $0x2  }
0x2f: {  	s31 =	sshll.u32 s3, $0xD;
	s3 =	sshrl.u32 s3, $0x2  }
0x30: {  	s2 =	sand.u32 $0x4000, s31;
	s1 =	sadd.s32 s3, s30  }
0x31: {  	s0 =	sor.u32 s2, s0;
	s1 =	sshll.u32 s1, $0x11  }
0x32: {  	s0 =	sor.u32 s1, s0  }
0x33: {  	s0 =	sadd.s32 $0x8F2B, s0  }
0x34: {  	[sflag:s0] =	ssyncadd.remote.s32 $0x1  }
0x35: {  	_ =	sfence.sel $0xFFFF  }
0x36: {  	[dreg:$0x0] =	wrdreg $0xFFFFFFFF;
	(pc) =	sbr.abs _section_cstart, $3  }
0x37: {  	[dreg:$0x1] =	wrdreg $0xFFFFFFFF  }
0x38: {  	_ =	task.clear_ibuf [dreg:s6], $0x2FFFF;
	_ =	strace $0x9FFFFFFF  }
0x39: {  	(tm) =	ssettm $0x7FFFFFFF  }
tec
execute0_lowered:
.L_overlay_start_1:
0x0: {  	(tag) =	ssettag $0x1  }
0x1: {  	s0 =	srdreg.scid;
	s5 =	rddreg [dreg:$0x0];
	s6 =	simm.s32 $0x2  }
0x2: {  	s16 =	simm.s32 $0x0;
	p0 =	por $0x0, $0x0;
	s8 =	simm.s32 $0x80  }
0x3: {  	s17 =	simm.s32 $0x0;
	s18 =	simm.s32 $0x0;
	s1 =	sshll.u32 s0, $0x4  }
0x4: {  	s9 =	simm.s32 $0x0;
	s0 =	stileid.u32;
	s1 =	sand.u32 $0x10, s1  }
0x5: {  	s10 =	simm.s32 $0x0;
	s11 =	simm.s32 $0x0;
	s1 =	sor.u32 s0, s1  }
0x6: {  	s13 =	simm.s32 $0x0;
	s14 =	simm.s32 $0x0;
	s2 =	sshll.u32 s1, $0x8  }
.Ltmp0:
0x7: {  	s15 =	simm.s32 $0x0;
	s3 =	ssub.s32 $0x18600, s2;
	(pc) =	sbr.rel .LBB1_1-.Ltmp0, $4  }
0x8: {  	s1 =	rddreg [dreg:$0x1];
	_ =	strace $0x80000047;
	s4 =	sshrl.u32 s3, $0xD  }
0x9: {  	s12 =	smov.u32 s2;
	s3 =	simm.s32 $0x1;
	s7 =	smul.u32 $0xA, s4  }
0xa: {  	s4 =	sadd.s32 $0x2C00, s5;
	[sflag:s3] =	ssyncpa.u1 $0x0;
	s5 =	sadd.s32 $0x3D4400, s5  }
0xb: {  	[sflag:s6] =	ssyncpa.u1 $0x0;
	s6 =	sadd.s32 $0xA, s7;
	s7 =	sadd.s32 $0xB, s7  }
.LBB1_5:
0xc: {  	p1 =	slt.u32 s15, $0x2  }
0xd: {  	s19 =	smov.u32 s18;
	p2 =	sgt.s32 @!p1 s18, $0x9  }
0xe: {  	s20 =	sshra.s32 @!p1 s18, $0x1F;
	p3 =	sgt.s32 @!p1 s16, $0x185A0;
	p4 =	sgt.s32 @!p1 s17, $0x60  }
0xf: {  	s21 =	sshra.s32 @!p1 s17, $0x1F;
	p2 =	por !p2, p1;
	s18 =	sand.u32 @!p1 s20, s18  }
0x10: {  	p4 =	por !p4, p1;
	s20 =	smov.u32 s17;
	s19 =	simm.s32 @p2 $0x9  }
0x11: {  	s17 =	sand.u32 @!p1 s21, s17;
	s20 =	simm.s32 @p4 $0x60;
	s18 =	ssub.s32 @!p1 s19, s18  }
0x12: {  	p3 =	por !p3, p1;
	s17 =	ssub.s32 @!p1 s20, s17;
	s19 =	sadd.s32 @!p1 $0xFFFFFFF7, s18  }
0x13: {  	s20 =	sshra.s32 @!p1 s16, $0x1F;
	s18 =	ssub.s32 @!p1 $0xA, s18;
	p2 =	sgt.s32 @!p1 s19, $0x0  }
0x14: {  	s19 =	smov.u32 s16;
	s16 =	sand.u32 @!p1 s20, s16;
	s20 =	sadd.s32 @!p1 $0xFFFFFFA0, s17  }
0x15: {  	s17 =	ssub.s32 @!p1 $0x80, s17;
	s19 =	simm.s32 @p3 $0x185A0;
	p2 =	por !p2, p1  }
0x16: {  	s18 =	simm.s32 @!p2 $0x0;
	s16 =	ssub.s32 @!p1 s19, s16;
	p2 =	sgt.s32 @!p1 s20, $0x1F  }
0x17: {  	s20 =	smov.u32 s13;
	s19 =	sadd.s32 @!p1 $0xFFFE7A60, s16;
	p2 =	por !p2, p1  }
0x18: {  	s16 =	ssub.s32 @!p1 $0x186A0, s16;
	s17 =	simm.s32 @!p2 $0x0;
	p2 =	sgt.s32 @!p1 s19, $0xFF  }
0x19: {  	s19 =	sadd.s32 $0x2000, s12;
	p2 =	por !p2, p1;
	s17 =	smul.u32 @!p1 s18, s17  }
0x1a: {  	s18 =	sadd.s32 $0x20, s13;
	s16 =	simm.s32 @!p2 $0x0;
	p2 =	sgt.s32 s19, $0x1869F  }
0x1b: {  	s16 =	smul.u32 @!p1 s16, s17;
	s20 =	smov.u32 @p2 s18  }
0x1c: {  	s19 =	smov.u32 @p2 s2;
	s17 =	simm.s32 $0x1;
	p2 =	sgt.s32 s20, $0x1F  }
0x1d: {  	s17 =	simm.s32 @!p2 $0x0  }
0x1e: {  	p0 =	por !p0, !p0;
	s23 =	sadd.s32 s17, s14  }
0x1f: {  	s21 =	simm.s32 @!p1 $0x2;
	s20 =	simm.s32 @p2 $0x0;
	p2 =	sgt.s32 s23, $0x9  }
0x20: {  	s18 =	smov.u32 s11;
	s23 =	simm.s32 @p2 $0x0;
	p2 =	sne.s32 s15, s7  }
.Ltmp1:
0x21: {  	s11 =	smov.u32 s14;
	s16 =	sand.u32 @!p1 $0x3FFFFFFF, s16;
	(pc) =	sbr.rel @!p2 .LBB1_6-.Ltmp1, $4  }
0x22: {  	_ =	swait.ge @!p1 [sflag:s21], s16;
	s22 =	ssub.s32 @!p1 $0x0, s16;
	s16 =	smov.u32 s9  }
0x23: {  	s17 =	smov.u32 s10;
	s9 =	smov.u32 s12;
	s10 =	smov.u32 s13  }
0x24: {  	s12 =	smov.u32 s19;
	s13 =	smov.u32 s20;
	[sflag:s21] =	ssyncset.done @!p1 $0x0  }
0x25: {  	s15 =	sadd.s32 $0x1, s15;
	[sflag:s21] =	ssyncadd.s32 @!p1 s22;
	s14 =	smov.u32 s23  }
.LBB1_1:
0x26: {  	p1 =	sge.u32 s15, s6  }
0x27: {  	s19 =	sshrl.u32 @!p1 s13, $0x3  }
0x28: {  	s20 =	sshll.u32 @!p1 s12, $0x3;
	s19 =	smul.u32 @!p1 $0xC3800, s19  }
0x29: {  	s21 =	sshll.u32 @!p1 s13, $0x7;
	s20 =	sand.u32 @!p1 $0xFFFFFC00, s20  }
0x2a: {  	s19 =	sadd.s32 @!p1 s19, s20;
	s20 =	sand.u32 @!p1 $0x380, s21  }
0x2b: {  	s21 =	sand.u32 @!p1 $0x7F, s12;
	s19 =	sor.u32 @!p1 s20, s19  }
0x2c: {  	s20 =	sor.u32 @!p1 s21, s19  }
0x2d: {  	s21 =	smulhi.u32 @!p1 $0xA79C7B17, s20  }
0x2e: {  	s19 =	smulhi.u32 @!p1 $0xA79C7B17, s19  }
0x2f: {  	s21 =	sshrl.u32 @!p1 s21, $0x10  }
0x30: {  	s19 =	sshrl.u32 @!p1 s19, $0x10;
	s21 =	smul.u32 @!p1 $0x18700, s21  }
0x31: {  	s22 =	sxor.u32 @!p1 $0xFFFFFFFF, s15;
	s23 =	smul.u32 @!p1 $0x61C00, s14;
	s19 =	sand.u32 @!p1 $0x1F, s19  }
0x32: {  	s22 =	sshll.u32 @!p1 s22, $0xD;
	s19 =	smul.u32 @!p1 $0x30E0, s19;
	s20 =	ssub.s32 @!p1 s20, s21  }
0x33: {  	s21 =	sand.u32 @!p1 $0x2000, s22;
	s22 =	sadd.s32 @!p1 s4, s23;
	s23 =	sand.u32 @!p1 $0x7, s20  }
0x34: {  	s20 =	sshrl.u32 @!p1 s20, $0x3;
	s19 =	sadd.s32 @!p1 s19, s22;
	s22 =	sshll.u32 @!p1 s23, $0x12  }
0x35: {  	s19 =	sadd.s32 @!p1 s20, s19;
	s20 =	sor.u32 @!p1 $0x800, s22;
	s22 =	simm.s32 @!p1 $0xC3800  }
0x36: {  	[tilespmem:s21], [sflag:$0x1] =	stream.strided.gather @!p1 [hbm4b:s19+s20], $0x2000, s22, s20, $0x38;
	[tilespmem:$0x8200] =	vst v63  }
0x37: {  	p1 =	seq.s32 s15, $0x0  }
0x38: {  	p2 =	sge.u32 @!p1 s15, s7  }
0x39: {  	p1 =	por p1, p2  }
.Ltmp2:
0x3a: {  	_ = 	snop;
	(pc) =	sbr.rel @p1 .LBB1_5-.Ltmp2, $1  }
0x3b: {  	_ =	sdelay $0x3  }
0x3c: {  	s21 =	simm.s32 $0x0  }
0x3d: {  	s22 =	sand.u32 $0x1800, s21;
	s23 =	sand.u32 $0x380, s21  }
0x3e: {  	s19 =	sand.u32 $0x1, s15;
	s23 =	sor.u32 s23, s22  }
0x3f: {  	_ =	swait.ge [sflag:s3], $0x2000;
	s20 =	sshll.u32 s19, $0xD;
	s22 =	sand.u32 $0x1B00, s23  }
0x40: {  	[sflag:s3] =	ssyncset.done $0x0;
	s21 =	sand.u32 $0x80, s21;
	s22 =	sadd.s32 s22, s20  }
0x41: {  	[sflag:s3] =	ssyncadd.s32 $0xFFFFE000;
	s25 =	sadd.s32 s21, s22  }
0x42: {  	v4 =	vld [tilespmem:s25+$0x400]  }
0x43: {  	s24 =	simm.s32 $0x1;
	v5 =	vld [tilespmem:s25+$0x0]  }
0x44: {  	s24 =	simm.s32 @!p0 $0x0;
	v6 =	vld [tilespmem:s25+$0x10]  }
0x45: {  	v0 =	vmov s20;
	s31 =	smul.u32 $0x8400, s24;
	v7 =	vld [tilespmem:s25+$0x20]  }
0x46: {  	v9 =	vld [tilespmem:s25+$0x30]  }
0x47: {  	s21 =	sshrl.u32 s31, $0x2;
	v10 =	vld [tilespmem:s25+$0x40]  }
0x48: {  	s21 =	sor.u32 $0x4000, s21;
	v11 =	vld [tilespmem:s25+$0x50]  }
0x49: {  	v8 =	vld [tilespmem:s25+$0x60];
	s22 =	sadd.s32 $0x0, s21  }
0x4a: {  	v1 =	vld.idx.msk [tilespmem:v0+s23+$0x410 ss:$0x1], $0xffff;
	[tilespmem:s22+$0x1080 ss:$0x21] =	vst.msk $0xffff, v4  }
0x4b: {  	v2 =	vld.idx.msk [tilespmem:v0+s23+$0x420 ss:$0x1], $0xffff;
	[tilespmem:s22+$0x0 ss:$0x21] =	vst.msk $0xffff, v5  }
0x4c: {  	v3 =	vld.idx.msk [tilespmem:v0+s23+$0x430 ss:$0x1], $0xffff;
	[tilespmem:s22+$0x210 ss:$0x21] =	vst.msk $0xffff, v6  }
0x4d: {  	s19 =	smul.u32 $0x8400, s19;
	[tilespmem:s22+$0x420 ss:$0x21] =	vst.msk $0xffff, v7;
	v7 =	vld [tilespmem:s25+$0x70]  }
0x4e: {  	s26 =	simm.s32 $0x80;
	s27 =	simm.s32 $0x8;
	[tilespmem:s22+$0x630 ss:$0x21] =	vst.msk $0xffff, v9;
	v4 =	vld.idx.msk [tilespmem:v0+s23+$0x440 ss:$0x1], $0xffff  }
0x4f: {  	s29 =	sand.u32 $0x380, s26;
	s19 =	sshrl.u32 s19, $0x2;
	[tilespmem:s22+$0x840 ss:$0x21] =	vst.msk $0xffff, v10;
	v5 =	vld.idx.msk [tilespmem:v0+s23+$0x450 ss:$0x1], $0xffff;
	s25 =	simm.s32 $0x100  }
0x50: {  	s24 =	simm.s32 $0x4;
	s19 =	sor.u32 $0x4000, s19;
	[tilespmem:s22+$0xA50 ss:$0x21] =	vst.msk $0xffff, v11;
	v6 =	vld.idx.msk [tilespmem:v0+s23+$0x460 ss:$0x1], $0xffff;
	s28 =	sand.u32 $0x1800, s25  }
.LBB1_3:
0x51: {  	p1 =	sne.s32 s27, $0x7C;
	[tilespmem:s22+$0xC60 ss:$0x21] =	vst.msk $0xffff, v8;
	v8 =	vld.idx.msk [tilespmem:v0+s23+$0x470 ss:$0x1], $0xffff;
	s23 =	sor.u32 s29, s28  }
0x52: {  	s28 =	sand.u32 $0x1B00, s23;
	v9 =	vld.idx.msk [tilespmem:v0+s23+$0x410 ss:$0x1], $0xffff;
	[tilespmem:s22+$0xE70 ss:$0x21] =	vst.msk $0xffff, v7  }
0x53: {  	s29 =	sand.u32 $0x80, s26;
	s28 =	sadd.s32 s28, s20;
	v7 =	vld.idx.msk [tilespmem:v0+s23+$0x420 ss:$0x1], $0xffff;
	[tilespmem:s22+$0x1290 ss:$0x21] =	vst.msk $0xffff, v1  }
0x54: {  	s28 =	sadd.s32 s29, s28;
	v10 =	vld.idx.msk [tilespmem:v0+s23+$0x430 ss:$0x1], $0xffff;
	[tilespmem:s22+$0x14A0 ss:$0x21] =	vst.msk $0xffff, v2  }
0x55: {  	v11 =	vld [tilespmem:s28+$0x400];
	[tilespmem:s22+$0x16B0 ss:$0x21] =	vst.msk $0xffff, v3  }
0x56: {  	v12 =	vld [tilespmem:s28+$0x0];
	[tilespmem:s22+$0x18C0 ss:$0x21] =	vst.msk $0xffff, v4  }
0x57: {  	v4 =	vld [tilespmem:s28+$0x10];
	[tilespmem:s22+$0x1AD0 ss:$0x21] =	vst.msk $0xffff, v5  }
0x58: {  	s29 =	sshra.s32 s24, $0x2;
	s24 =	smov.u32 s27;
	v1 =	vmov v9;
	v5 =	vld [tilespmem:s28+$0x20];
	[tilespmem:s22+$0x1CE0 ss:$0x21] =	vst.msk $0xffff, v6  }
0x59: {  	v2 =	vmov v7;
	v6 =	vld [tilespmem:s28+$0x30];
	[tilespmem:s22+$0x1EF0 ss:$0x21] =	vst.msk $0xffff, v8;
	s22 =	sadd.s32 s29, s21  }
0x5a: {  	v3 =	vmov v10;
	v9 =	vld [tilespmem:s28+$0x40];
	[tilespmem:s22+$0x1080 ss:$0x21] =	vst.msk $0xffff, v11  }
0x5b: {  	[tilespmem:s22+$0x0 ss:$0x21] =	vst.msk $0xffff, v12;
	v10 =	vld [tilespmem:s28+$0x50]  }
.Ltmp3:
0x5c: {  	[tilespmem:s22+$0x210 ss:$0x21] =	vst.msk $0xffff, v4;
	v8 =	vld [tilespmem:s28+$0x60];
	(pc) =	sbr.rel @p1 .LBB1_3-.Ltmp3, $4  }
0x5d: {  	[tilespmem:s22+$0x420 ss:$0x21] =	vst.msk $0xffff, v5;
	v7 =	vld [tilespmem:s28+$0x70]  }
0x5e: {  	[tilespmem:s22+$0x630 ss:$0x21] =	vst.msk $0xffff, v6;
	v4 =	vld.idx.msk [tilespmem:v0+s23+$0x440 ss:$0x1], $0xffff  }
0x5f: {  	s26 =	sadd.s32 $0x80, s26;
	s25 =	sadd.s32 $0x100, s25;
	[tilespmem:s22+$0x840 ss:$0x21] =	vst.msk $0xffff, v9;
	v5 =	vld.idx.msk [tilespmem:v0+s23+$0x450 ss:$0x1], $0xffff  }
0x60: {  	s27 =	sadd.s32 $0x4, s27;
	s29 =	sand.u32 $0x380, s26;
	s28 =	sand.u32 $0x1800, s25;
	[tilespmem:s22+$0xA50 ss:$0x21] =	vst.msk $0xffff, v10;
	v6 =	vld.idx.msk [tilespmem:v0+s23+$0x460 ss:$0x1], $0xffff  }
0x61: {  	_ =	sdelay $0x3  }
0x62: {  	s25 =	sor.u32 s29, s28;
	v47 =	vld.idx.msk [tilespmem:v0+s23+$0x470 ss:$0x1], $0xffff  }
0x63: {  	[tilespmem:s22+$0xC60 ss:$0x21] =	vst.msk $0xffff, v8;
	v57 =	vld.idx.msk [tilespmem:v0+s25+$0x410 ss:$0x1], $0xffff  }
0x64: {  	[tilespmem:s22+$0x1290 ss:$0x21] =	vst.msk $0xffff, v1;
	v58 =	vld.idx.msk [tilespmem:v0+s25+$0x420 ss:$0x1], $0xffff  }
0x65: {  	[tilespmem:s22+$0x14A0 ss:$0x21] =	vst.msk $0xffff, v2;
	v59 =	vld.idx.msk [tilespmem:v0+s25+$0x430 ss:$0x1], $0xffff  }
0x66: {  	[tilespmem:s22+$0x16B0 ss:$0x21] =	vst.msk $0xffff, v3;
	v60 =	vld.idx.msk [tilespmem:v0+s25+$0x440 ss:$0x1], $0xffff  }
0x67: {  	s26 =	sand.u32 $0x80, s26;
	s27 =	sand.u32 $0x1B00, s25;
	[tilespmem:s22+$0xE70 ss:$0x21] =	vst.msk $0xffff, v7;
	v61 =	vld.idx.msk [tilespmem:v0+s25+$0x450 ss:$0x1], $0xffff  }
0x68: {  	s29 =	sshll.u32 s10, $0x3;
	s24 =	sshra.s32 s24, $0x2;
	v62 =	vld.idx.msk [tilespmem:v0+s25+$0x460 ss:$0x1], $0xffff;
	s20 =	sadd.s32 s27, s20;
	[tilespmem:s22+$0x18C0 ss:$0x21] =	vst.msk $0xffff, v4  }
0x69: {  	p1 =	sgt.s32 s11, $0x9;
	s31 =	sand.u32 $0xFFFFFC00, s29;
	v63 =	vld.idx.msk [tilespmem:v0+s25+$0x470 ss:$0x1], $0xffff;
	s23 =	sadd.s32 s26, s20;
	[tilespmem:s22+$0x1AD0 ss:$0x21] =	vst.msk $0xffff, v5  }
0x6a: {  	p2 =	sgt.s32 s10, $0x60;
	s29 =	sshra.s32 s11, $0x1F;
	s25 =	smul.u32 $0x186A00, s11;
	v48 =	vld [tilespmem:s23+$0x400];
	[tilespmem:s22+$0x1CE0 ss:$0x21] =	vst.msk $0xffff, v6  }
0x6b: {  	s26 =	sshll.u32 s9, $0x7;
	s20 =	sadd.s32 s24, s21;
	s24 =	sand.u32 s29, s11;
	v49 =	vld [tilespmem:s23+$0x0];
	[tilespmem:s22+$0x1EF0 ss:$0x21] =	vst.msk $0xffff, v47  }
0x6c: {  	s29 =	sshra.s32 s9, $0x1F;
	v50 =	vld [tilespmem:s23+$0x10];
	s30 =	sand.u32 $0xFFFFFC00, s26;
	s28 =	sand.u32 $0x380, s26;
	[tilespmem:s20+$0x1290 ss:$0x21] =	vst.msk $0xffff, v57  }
0x6d: {  	v51 =	vld [tilespmem:s23+$0x20];
	s27 =	sadd.s32 s31, s30;
	s22 =	smov.u32 s11;
	s31 =	sshra.s32 s10, $0x1F;
	[tilespmem:s20+$0x14A0 ss:$0x21] =	vst.msk $0xffff, v58  }
0x6e: {  	v52 =	vld [tilespmem:s23+$0x30];
	s21 =	sor.u32 s28, s27;
	s22 =	simm.s32 @!p1 $0x9;
	s28 =	sand.u32 s31, s10;
	[tilespmem:s20+$0x16B0 ss:$0x21] =	vst.msk $0xffff, v59  }
0x6f: {  	v53 =	vld [tilespmem:s23+$0x40];
	s27 =	smov.u32 s9;
	[tilespmem:s20+$0x18C0 ss:$0x21] =	vst.msk $0xffff, v60;
	s21 =	sshrl.u32 s21, $0x7;
	s22 =	ssub.s32 s22, s24  }
0x70: {  	v54 =	vld [tilespmem:s23+$0x50];
	[tilespmem:s20+$0x1AD0 ss:$0x21] =	vst.msk $0xffff, v61;
	s24 =	smov.u32 s10;
	s26 =	smulhi.u32 $0x14F8B59, s21;
	s30 =	sadd.s32 $0xFFFFFFF7, s22  }
0x71: {  	v55 =	vld [tilespmem:s23+$0x60];
	[tilespmem:s20+$0x1CE0 ss:$0x21] =	vst.msk $0xffff, v62;
	s24 =	simm.s32 @!p2 $0x60;
	p2 =	sgt.s32 s9, $0x185A0;
	s22 =	ssub.s32 $0xA, s22  }
0x72: {  	v56 =	vld [tilespmem:s23+$0x70];
	[tilespmem:s20+$0x1EF0 ss:$0x21] =	vst.msk $0xffff, v63;
	p1 =	sgt.s32 s30, $0x0;
	s23 =	ssub.s32 s24, s28;
	s27 =	simm.s32 @!p2 $0x185A0  }
0x73: {  	[tilespmem:s20+$0x1080 ss:$0x21] =	vst.msk $0xffff, v48;
	s24 =	sand.u32 s29, s9;
	s28 =	sand.u32 $0x7, s10;
	s26 =	sshrl.u32 s26, $0x9  }
0x74: {  	[tilespmem:s20+$0x0 ss:$0x21] =	vst.msk $0xffff, v49;
	s24 =	ssub.s32 s27, s24;
	s30 =	sadd.s32 $0xFFFFFFA0, s23;
	s22 =	simm.s32 @p1 $0x0  }
0x75: {  	[tilespmem:s20+$0x210 ss:$0x21] =	vst.msk $0xffff, v50;
	s23 =	ssub.s32 $0x80, s23;
	s27 =	sshrl.u32 s10, $0x3;
	p1 =	sgt.s32 s30, $0x1F  }
0x76: {  	[tilespmem:s20+$0x420 ss:$0x21] =	vst.msk $0xffff, v51;
	s26 =	smul.u32 $0x186A0, s26;
	s31 =	sadd.s32 $0xFFFE7A60, s24;
	s23 =	simm.s32 @p1 $0x0  }
0x77: {  	[tilespmem:s20+$0x630 ss:$0x21] =	vst.msk $0xffff, v52;
	s24 =	ssub.s32 $0x186A0, s24;
	p1 =	sgt.s32 s31, $0xFF;
	s22 =	smul.u32 s22, s23  }
.Ltmp4:
0x78: {  	[tilespmem:s20+$0x840 ss:$0x21] =	vst.msk $0xffff, v53;
	s24 =	simm.s32 @p1 $0x0;
	s21 =	ssub.s32 s21, s26;
	(pc) =	sbr.rel .LBB1_5-.Ltmp4, $4  }
0x79: {  	[tilespmem:s20+$0xA50 ss:$0x21] =	vst.msk $0xffff, v54;
	s23 =	sadd.s32 s5, s25;
	s22 =	smul.u32 s24, s22;
	s24 =	sand.u32 $0xF, s27  }
0x7a: {  	[tilespmem:s20+$0xC60 ss:$0x21] =	vst.msk $0xffff, v55;
	s29 =	sshll.u32 s28, $0x12;
	s21 =	sshll.u32 s21, $0x4;
	s23 =	sadd.s32 s24, s23  }
0x7b: {  	[tilespmem:s20+$0xE70 ss:$0x21] =	vst.msk $0xffff, v56;
	s31 =	sor.u32 $0x20, s29;
	s30 =	sand.u32 $0x3FFFFFFF, s22;
	s21 =	sadd.s32 s21, s23  }
0x7c: {  	[hbm4b:s21+s31] =	stream.strided.scatter [tilespmem:s19], [sflag:$0x2], s30, s8, s31, $0x10;
	[tilespmem:$0x8200] =	vst v63  }
.LBB1_6:
0x7d: {  	_ =	sfence.sel $0x180000  }
0x7e: {  	s2 =	simm.s32 $0x1;
	[bflag:$0x0] =	sbarrier.arrive $0xFFFF  }
0x7f: {  	s31 =	simm.s32 $0x2;
	[sflag:s2] =	ssyncpa.u1 $0x1  }
0x80: {  	[sflag:s31] =	ssyncpa.u1 $0x1  }
0x81: {  	p0 =	sne.s32 s0, $0x0;
	_ =	strace $0x90000047  }
0x82: {  	s0 =	sadd.s32 @!p0 $0x100000, s1;
	[bflag:$0x2] =	sbarrier.arrive $0xFFFF  }
0x83: {  	[sflag:s0] =	ssyncadd.tile.s32 @!p0 $0x1;
	_ =	shalt  }
.Lfunc_end1:
_tile_overlayer_lowered:
.L_overlay_start_2:
0x84: {  	(tag) =	ssettag $0x2  }
0x85: {  	s0 =	rddreg [dreg:$0x0];
	s2 =	stileid.u32  }
0x86: {  	s1 =	rddreg [dreg:$0x1];
	p0 =	sne.s32 s2, $0x0  }
0x87: {  	s3 =	rddreg [dreg:$0x2];
	[bflag:$0x3] =	sbarrier.arrive $0xFFFF;
	s2 =	simm.s32 @!p0 $0x1C01  }
0x88: {  	[timem:s3], [sflag:s2] =	dma.local @!p0 [hbm:s0], s1  }
0x89: {  	s0 =	simm.s32 @!p0 $0x1  }
0x8a: {  	_ =	swait.ge @!p0 [sflag:s0], s1  }
0x8b: {  	s1 =	ssub.s32 @!p0 $0x0, s1;
	[sflag:s0] =	ssyncset.done @!p0 $0x0  }
0x8c: {  	[sflag:s0] =	ssyncadd.s32 @!p0 s1  }
0x8d: {  	[bflag:$0x3] =	sbarrier.arrive $0xFFFF  }
0x8e: {  	_ =	shalt  }

</sc_bundles>
